<compile_context>
chip_gen: v7x
topology: tpu7x:2x2x1
jax: 0.10.2.dev20260603
libtpu: 0.0.44.dev20260713+nightly
codegen_flags: <defaults>
</compile_context>

<pallas_src>
import functools

import jax
import jax.numpy as jnp
from jax import lax
from jax.experimental import pallas as pl
from jax.experimental.pallas import tpu as pltpu
from jax.experimental.pallas import tpu_sc as plsc

VOCAB = 100000
EMBED_DIM = 128
BATCH = 16384
FIELDS = 26

TOTAL = BATCH * FIELDS
NW = 32
BPC = 4
CHUNK = BPC * FIELDS
B_PER_W = BATCH // NW
NCHUNK = B_PER_W // BPC
NBUF = 8
LOOK = NBUF // 2


def _sc_gather(idx2d, table):
    mesh = plsc.VectorSubcoreMesh(core_axis_name="c", subcore_axis_name="s")

    @functools.partial(
        pl.kernel,
        mesh=mesh,
        out_type=jax.ShapeDtypeStruct((BATCH, FIELDS, EMBED_DIM), jnp.float32),
        scratch_types=[
            pltpu.VMEM((NCHUNK, CHUNK), jnp.int32),
            *[pltpu.VMEM((CHUNK, EMBED_DIM), jnp.float32) for _ in range(NBUF)],
            *[pltpu.SemaphoreType.DMA for _ in range(NBUF)],
            *[pltpu.SemaphoreType.DMA for _ in range(NBUF)],
        ],
    )
    def k(idx_hbm, table_hbm, out_hbm, idx_v, *rest):
        bufs = rest[:NBUF]
        gsems = rest[NBUF:2 * NBUF]
        osems = rest[2 * NBUF:3 * NBUF]
        wid = lax.axis_index("s") * 2 + lax.axis_index("c")
        row0 = wid * NCHUNK
        b0 = wid * B_PER_W

        pltpu.sync_copy(idx_hbm.at[pl.ds(row0, NCHUNK)], idx_v)

        def gather_start(j, b):
            pltpu.make_async_copy(
                table_hbm.at[idx_v.at[j]], bufs[b], gsems[b]
            ).start()

        def gather_wait(b):
            pltpu.make_async_copy(
                table_hbm.at[idx_v.at[0]], bufs[b], gsems[b]
            ).wait()

        def out_start(j, b):
            for i in range(BPC):
                pltpu.make_async_copy(
                    bufs[b].at[pl.ds(i * FIELDS, FIELDS)],
                    out_hbm.at[b0 + j * BPC + i],
                    osems[b],
                ).start()

        def out_wait(b):
            for _ in range(BPC):
                pltpu.make_async_copy(
                    bufs[b].at[pl.ds(0, FIELDS)],
                    out_hbm.at[b0],
                    osems[b],
                ).wait()

        for j in range(LOOK):
            gather_start(j, j)

        def step(i, _):
            c0 = i * NBUF
            for b in range(NBUF):
                c = c0 + b
                b2 = (b + LOOK) % NBUF

                @pl.when(c >= LOOK)
                def _():
                    out_wait(b2)

                @pl.when(c + LOOK < NCHUNK)
                def _():
                    gather_start(c + LOOK, b2)

                gather_wait(b)
                out_start(c, b)
            return 0

        lax.fori_loop(0, NCHUNK // NBUF, step, 0)

        for j in range(LOOK):
            out_wait((NCHUNK - LOOK + j) % NBUF)

    return k(idx2d, table)


def kernel(word_idx, embeddings):
    idx2d = word_idx.reshape(TOTAL // CHUNK, CHUNK).astype(jnp.int32)
    return _sc_gather(idx2d, embeddings)

# --- scband reference (transcript-rebuilt; emitter-appended) ---
"""Pipeline reference for scband-custom-embedding-32950989095030 (READ-ONLY COPY).

The authoritative reference and input builder live on the scoring server;
editing this copy changes nothing except your own understanding.
"""

import jax, jax.numpy as jnp
import numpy as np

VOCAB = 100000
EMBED_DIM = 128
BATCH = 16384
FIELDS = 26


def setup_inputs(seed: int = 0) -> dict:
    key = jax.random.key(seed)
    k1, k2 = jax.random.split(key)
    word_idx = jax.random.randint(k1, (BATCH, FIELDS), 0, VOCAB, dtype=jnp.int64 if jax.config.jax_enable_x64 else jnp.int32)
    embeddings = jax.random.normal(k2, (VOCAB, EMBED_DIM), dtype=jnp.float32)
    return {"word_idx": word_idx, "embeddings": embeddings}


def reference(word_idx, embeddings):
    # Faithful translation of: return self.embeddings[word_idx]
    return jnp.take(embeddings, word_idx, axis=0)

if __name__ == "__main__":
    import jax
    _d = setup_inputs()
    print(jax.jit(kernel)(*tuple(_d.values())))

</pallas_src>

<mosaic_0001>
#map = affine_map<(d0, d1) -> (0, 0)>
#map1 = affine_map<(d0, d1) -> (0, 0, 0)>
module attributes {stable_mosaic.version = 14 : i64} {
  func.func @k(%arg0: i32, %arg1: i32, %arg2: memref<4096x104xi32, #tpu.memory_space<hbm>>, %arg3: memref<100000x128xf32, #tpu.memory_space<hbm>>, %arg4: memref<16384x26x128xf32, #tpu.memory_space<hbm>>, %arg5: memref<128x104xi32, #tpu.memory_space<vmem>>, %arg6: memref<104x128xf32, #tpu.memory_space<vmem>>, %arg7: memref<104x128xf32, #tpu.memory_space<vmem>>, %arg8: memref<104x128xf32, #tpu.memory_space<vmem>>, %arg9: memref<104x128xf32, #tpu.memory_space<vmem>>, %arg10: memref<104x128xf32, #tpu.memory_space<vmem>>, %arg11: memref<104x128xf32, #tpu.memory_space<vmem>>, %arg12: memref<104x128xf32, #tpu.memory_space<vmem>>, %arg13: memref<104x128xf32, #tpu.memory_space<vmem>>, %arg14: memref<!tpu.dma_semaphore, #tpu.memory_space<semaphore_mem>>, %arg15: memref<!tpu.dma_semaphore, #tpu.memory_space<semaphore_mem>>, %arg16: memref<!tpu.dma_semaphore, #tpu.memory_space<semaphore_mem>>, %arg17: memref<!tpu.dma_semaphore, #tpu.memory_space<semaphore_mem>>, %arg18: memref<!tpu.dma_semaphore, #tpu.memory_space<semaphore_mem>>, %arg19: memref<!tpu.dma_semaphore, #tpu.memory_space<semaphore_mem>>, %arg20: memref<!tpu.dma_semaphore, #tpu.memory_space<semaphore_mem>>, %arg21: memref<!tpu.dma_semaphore, #tpu.memory_space<semaphore_mem>>, %arg22: memref<!tpu.dma_semaphore, #tpu.memory_space<semaphore_mem>>, %arg23: memref<!tpu.dma_semaphore, #tpu.memory_space<semaphore_mem>>, %arg24: memref<!tpu.dma_semaphore, #tpu.memory_space<semaphore_mem>>, %arg25: memref<!tpu.dma_semaphore, #tpu.memory_space<semaphore_mem>>, %arg26: memref<!tpu.dma_semaphore, #tpu.memory_space<semaphore_mem>>, %arg27: memref<!tpu.dma_semaphore, #tpu.memory_space<semaphore_mem>>, %arg28: memref<!tpu.dma_semaphore, #tpu.memory_space<semaphore_mem>>, %arg29: memref<!tpu.dma_semaphore, #tpu.memory_space<semaphore_mem>>) attributes {dimension_semantics = [#tpu.dimension_semantics<core_parallel>, #tpu.dimension_semantics<subcore_parallel>], iteration_bounds = array<i64: 2, 16>, scalar_prefetch = 0 : i64, scratch_operands = 25 : i64, tpu.core_type = #tpu.core_type<sc_vector_subcore>, window_params = [{transform_indices = #map}, {transform_indices = #map}, {transform_indices = #map1}]} {
    %mul3A = arith.constant 2 : i32
    %mul3A_0 = arith.muli %arg1, %mul3A : i32
    %add3A = arith.addi %mul3A_0, %arg0 : i32
    %mul3A_1 = arith.constant 128 : i32
    %mul3A_2 = arith.muli %add3A, %mul3A_1 : i32
    %mul3A_3 = arith.constant 512 : i32
    %mul3A_4 = arith.muli %add3A, %mul3A_3 : i32
    "tpu.region"() ({
      %run_scoped3A = tpu.sem_alloc : memref<!tpu.dma_semaphore, #tpu.memory_space<semaphore_mem>>
      %dma_start3A_261 = arith.constant 0 : i32
      %dma_start3A_262 = tpu.memref_slice %arg2[%mul3A_2, %dma_start3A_261] : memref<4096x104xi32, #tpu.memory_space<hbm>> -> memref<128x104xi32, #tpu.memory_space<hbm>>
      %dma_start3A_263 = arith.constant 0 : i32
      %dma_start3A_264 = tpu.memref_slice %arg2[%mul3A_2, %dma_start3A_263] : memref<4096x104xi32, #tpu.memory_space<hbm>> -> memref<128x104xi32, #tpu.memory_space<hbm>>
      tpu.enqueue_dma source(%dma_start3A_264 : memref<128x104xi32, #tpu.memory_space<hbm>>) target(%arg5 : memref<128x104xi32, #tpu.memory_space<vmem>>) target_semaphore(%run_scoped3A : memref<!tpu.dma_semaphore, #tpu.memory_space<semaphore_mem>>)
      %dma_wait3A_265 = arith.constant 0 : i32
      %dma_wait3A_266 = tpu.memref_slice %arg2[%mul3A_2, %dma_wait3A_265] : memref<4096x104xi32, #tpu.memory_space<hbm>> -> memref<128x104xi32, #tpu.memory_space<hbm>>
      %dma_wait3A_267 = arith.constant 0 : i32
      %dma_wait3A_268 = tpu.memref_slice %arg2[%mul3A_2, %dma_wait3A_267] : memref<4096x104xi32, #tpu.memory_space<hbm>> -> memref<128x104xi32, #tpu.memory_space<hbm>>
      tpu.wait_dma2 semaphore(%run_scoped3A : memref<!tpu.dma_semaphore, #tpu.memory_space<semaphore_mem>>) src(%dma_wait3A_268 : memref<128x104xi32, #tpu.memory_space<hbm>>) dst(%arg5 : memref<128x104xi32, #tpu.memory_space<vmem>>)
      tpu.yield
    }) : () -> ()
    %dma_start3A = arith.constant 0 : i32
    %dma_start3A_5 = arith.constant 0 : i32
    %dma_start3A_6 = tpu.memref_slice %arg5[%dma_start3A, %dma_start3A_5] : memref<128x104xi32, #tpu.memory_space<vmem>> -> memref<1x104xi32, #tpu.memory_space<vmem>>
    %dma_start3A_7 = tpu.memref_squeeze %dma_start3A_6 : memref<1x104xi32, #tpu.memory_space<vmem>> -> memref<104xi32, #tpu.memory_space<vmem>>
    %dma_start3A_8 = arith.constant 0 : i32
    %dma_start3A_9 = arith.constant 0 : i32
    %dma_start3A_10 = tpu.memref_slice %arg3[%dma_start3A_8, %dma_start3A_9] : memref<100000x128xf32, #tpu.memory_space<hbm>> -> memref<100000x128xf32, #tpu.memory_space<hbm>>
    tpu.enqueue_indirect_dma source(%dma_start3A_10 : memref<100000x128xf32, #tpu.memory_space<hbm>>) target(%arg6 : memref<104x128xf32, #tpu.memory_space<vmem>>) offsets(%dma_start3A_7 : memref<104xi32, #tpu.memory_space<vmem>>) semaphore(%arg14 : memref<!tpu.dma_semaphore, #tpu.memory_space<semaphore_mem>>)
    %dma_start3A_11 = arith.constant 1 : i32
    %dma_start3A_12 = arith.constant 0 : i32
    %dma_start3A_13 = tpu.memref_slice %arg5[%dma_start3A_11, %dma_start3A_12] : memref<128x104xi32, #tpu.memory_space<vmem>> -> memref<1x104xi32, #tpu.memory_space<vmem>>
    %dma_start3A_14 = tpu.memref_squeeze %dma_start3A_13 : memref<1x104xi32, #tpu.memory_space<vmem>> -> memref<104xi32, #tpu.memory_space<vmem>>
    %dma_start3A_15 = arith.constant 0 : i32
    %dma_start3A_16 = arith.constant 0 : i32
    %dma_start3A_17 = tpu.memref_slice %arg3[%dma_start3A_15, %dma_start3A_16] : memref<100000x128xf32, #tpu.memory_space<hbm>> -> memref<100000x128xf32, #tpu.memory_space<hbm>>
    tpu.enqueue_indirect_dma source(%dma_start3A_17 : memref<100000x128xf32, #tpu.memory_space<hbm>>) target(%arg7 : memref<104x128xf32, #tpu.memory_space<vmem>>) offsets(%dma_start3A_14 : memref<104xi32, #tpu.memory_space<vmem>>) semaphore(%arg15 : memref<!tpu.dma_semaphore, #tpu.memory_space<semaphore_mem>>)
    %dma_start3A_18 = arith.constant 2 : i32
    %dma_start3A_19 = arith.constant 0 : i32
    %dma_start3A_20 = tpu.memref_slice %arg5[%dma_start3A_18, %dma_start3A_19] : memref<128x104xi32, #tpu.memory_space<vmem>> -> memref<1x104xi32, #tpu.memory_space<vmem>>
    %dma_start3A_21 = tpu.memref_squeeze %dma_start3A_20 : memref<1x104xi32, #tpu.memory_space<vmem>> -> memref<104xi32, #tpu.memory_space<vmem>>
    %dma_start3A_22 = arith.constant 0 : i32
    %dma_start3A_23 = arith.constant 0 : i32
    %dma_start3A_24 = tpu.memref_slice %arg3[%dma_start3A_22, %dma_start3A_23] : memref<100000x128xf32, #tpu.memory_space<hbm>> -> memref<100000x128xf32, #tpu.memory_space<hbm>>
    tpu.enqueue_indirect_dma source(%dma_start3A_24 : memref<100000x128xf32, #tpu.memory_space<hbm>>) target(%arg8 : memref<104x128xf32, #tpu.memory_space<vmem>>) offsets(%dma_start3A_21 : memref<104xi32, #tpu.memory_space<vmem>>) semaphore(%arg16 : memref<!tpu.dma_semaphore, #tpu.memory_space<semaphore_mem>>)
    %dma_start3A_25 = arith.constant 3 : i32
    %dma_start3A_26 = arith.constant 0 : i32
    %dma_start3A_27 = tpu.memref_slice %arg5[%dma_start3A_25, %dma_start3A_26] : memref<128x104xi32, #tpu.memory_space<vmem>> -> memref<1x104xi32, #tpu.memory_space<vmem>>
    %dma_start3A_28 = tpu.memref_squeeze %dma_start3A_27 : memref<1x104xi32, #tpu.memory_space<vmem>> -> memref<104xi32, #tpu.memory_space<vmem>>
    %dma_start3A_29 = arith.constant 0 : i32
    %dma_start3A_30 = arith.constant 0 : i32
    %dma_start3A_31 = tpu.memref_slice %arg3[%dma_start3A_29, %dma_start3A_30] : memref<100000x128xf32, #tpu.memory_space<hbm>> -> memref<100000x128xf32, #tpu.memory_space<hbm>>
    tpu.enqueue_indirect_dma source(%dma_start3A_31 : memref<100000x128xf32, #tpu.memory_space<hbm>>) target(%arg9 : memref<104x128xf32, #tpu.memory_space<vmem>>) offsets(%dma_start3A_28 : memref<104xi32, #tpu.memory_space<vmem>>) semaphore(%arg17 : memref<!tpu.dma_semaphore, #tpu.memory_space<semaphore_mem>>)
    %scan3A = arith.constant 0 : i32
    %scan3A_32 = arith.constant 0 : i32
    %scan3A_33 = arith.constant 16 : i32
    %scan3A_34 = arith.addi %scan3A_32, %scan3A_33 : i32
    %scan3A_35 = arith.constant 1 : i32
    %scan3A_36 = scf.for %scan3A_261 = %scan3A_32 to %scan3A_34 step %scan3A_35 iter_args(%scan3A_262 = %scan3A) -> (i32)  : i32 {
      %mul3A_263 = arith.constant 8 : i32
      %mul3A_264 = arith.muli %scan3A_261, %mul3A_263 : i32
      %add3A_265 = arith.constant 0 : i32
      %add3A_266 = arith.addi %mul3A_264, %add3A_265 : i32
      %ge3A = arith.constant 4 : i32
      %ge3A_267 = arith.cmpi sge, %add3A_266, %ge3A : i32
      %convert_element_type3A = arith.extui %ge3A_267 : i1 to i32
      %cond3A = arith.constant 0 : i32
      %cond3A_268 = arith.cmpi ne, %convert_element_type3A, %cond3A : i32
      scf.if %cond3A_268 {
        %dma_wait3A_1038 = arith.constant 0 : i32
        %dma_wait3A_1039 = arith.constant 0 : i32
        %dma_wait3A_1040 = tpu.memref_slice %arg10[%dma_wait3A_1038, %dma_wait3A_1039] : memref<104x128xf32, #tpu.memory_space<vmem>> -> memref<26x128xf32, #tpu.memory_space<vmem>>
        %dma_wait3A_1041 = arith.constant 0 : i32
        %dma_wait3A_1042 = arith.constant 0 : i32
        %dma_wait3A_1043 = tpu.memref_slice %arg4[%mul3A_4, %dma_wait3A_1041, %dma_wait3A_1042] : memref<16384x26x128xf32, #tpu.memory_space<hbm>> -> memref<1x26x128xf32, #tpu.memory_space<hbm>>
        %dma_wait3A_1044 = tpu.memref_squeeze %dma_wait3A_1043 : memref<1x26x128xf32, #tpu.memory_space<hbm>> -> memref<26x128xf32, #tpu.memory_space<hbm>>
        %dma_wait3A_1045 = arith.constant 0 : i32
        %dma_wait3A_1046 = arith.constant 0 : i32
        %dma_wait3A_1047 = tpu.memref_slice %arg4[%mul3A_4, %dma_wait3A_1045, %dma_wait3A_1046] : memref<16384x26x128xf32, #tpu.memory_space<hbm>> -> memref<1x26x128xf32, #tpu.memory_space<hbm>>
        %dma_wait3A_1048 = tpu.memref_squeeze %dma_wait3A_1047 : memref<1x26x128xf32, #tpu.memory_space<hbm>> -> memref<26x128xf32, #tpu.memory_space<hbm>>
        %dma_wait3A_1049 = arith.constant 0 : i32
        %dma_wait3A_1050 = arith.constant 0 : i32
        %dma_wait3A_1051 = tpu.memref_slice %arg10[%dma_wait3A_1049, %dma_wait3A_1050] : memref<104x128xf32, #tpu.memory_space<vmem>> -> memref<26x128xf32, #tpu.memory_space<vmem>>
        tpu.wait_dma2 semaphore(%arg26 : memref<!tpu.dma_semaphore, #tpu.memory_space<semaphore_mem>>) src(%dma_wait3A_1051 : memref<26x128xf32, #tpu.memory_space<vmem>>) dst(%dma_wait3A_1048 : memref<26x128xf32, #tpu.memory_space<hbm>>)
        %dma_wait3A_1052 = arith.constant 0 : i32
        %dma_wait3A_1053 = arith.constant 0 : i32
        %dma_wait3A_1054 = tpu.memref_slice %arg10[%dma_wait3A_1052, %dma_wait3A_1053] : memref<104x128xf32, #tpu.memory_space<vmem>> -> memref<26x128xf32, #tpu.memory_space<vmem>>
        %dma_wait3A_1055 = arith.constant 0 : i32
        %dma_wait3A_1056 = arith.constant 0 : i32
        %dma_wait3A_1057 = tpu.memref_slice %arg4[%mul3A_4, %dma_wait3A_1055, %dma_wait3A_1056] : memref<16384x26x128xf32, #tpu.memory_space<hbm>> -> memref<1x26x128xf32, #tpu.memory_space<hbm>>
        %dma_wait3A_1058 = tpu.memref_squeeze %dma_wait3A_1057 : memref<1x26x128xf32, #tpu.memory_space<hbm>> -> memref<26x128xf32, #tpu.memory_space<hbm>>
        %dma_wait3A_1059 = arith.constant 0 : i32
        %dma_wait3A_1060 = arith.constant 0 : i32
        %dma_wait3A_1061 = tpu.memref_slice %arg4[%mul3A_4, %dma_wait3A_1059, %dma_wait3A_1060] : memref<16384x26x128xf32, #tpu.memory_space<hbm>> -> memref<1x26x128xf32, #tpu.memory_space<hbm>>
        %dma_wait3A_1062 = tpu.memref_squeeze %dma_wait3A_1061 : memref<1x26x128xf32, #tpu.memory_space<hbm>> -> memref<26x128xf32, #tpu.memory_space<hbm>>
        %dma_wait3A_1063 = arith.constant 0 : i32
        %dma_wait3A_1064 = arith.constant 0 : i32
        %dma_wait3A_1065 = tpu.memref_slice %arg10[%dma_wait3A_1063, %dma_wait3A_1064] : memref<104x128xf32, #tpu.memory_space<vmem>> -> memref<26x128xf32, #tpu.memory_space<vmem>>
        tpu.wait_dma2 semaphore(%arg26 : memref<!tpu.dma_semaphore, #tpu.memory_space<semaphore_mem>>) src(%dma_wait3A_1065 : memref<26x128xf32, #tpu.memory_space<vmem>>) dst(%dma_wait3A_1062 : memref<26x128xf32, #tpu.memory_space<hbm>>)
        %dma_wait3A_1066 = arith.constant 0 : i32
        %dma_wait3A_1067 = arith.constant 0 : i32
        %dma_wait3A_1068 = tpu.memref_slice %arg10[%dma_wait3A_1066, %dma_wait3A_1067] : memref<104x128xf32, #tpu.memory_space<vmem>> -> memref<26x128xf32, #tpu.memory_space<vmem>>
        %dma_wait3A_1069 = arith.constant 0 : i32
        %dma_wait3A_1070 = arith.constant 0 : i32
        %dma_wait3A_1071 = tpu.memref_slice %arg4[%mul3A_4, %dma_wait3A_1069, %dma_wait3A_1070] : memref<16384x26x128xf32, #tpu.memory_space<hbm>> -> memref<1x26x128xf32, #tpu.memory_space<hbm>>
        %dma_wait3A_1072 = tpu.memref_squeeze %dma_wait3A_1071 : memref<1x26x128xf32, #tpu.memory_space<hbm>> -> memref<26x128xf32, #tpu.memory_space<hbm>>
        %dma_wait3A_1073 = arith.constant 0 : i32
        %dma_wait3A_1074 = arith.constant 0 : i32
        %dma_wait3A_1075 = tpu.memref_slice %arg4[%mul3A_4, %dma_wait3A_1073, %dma_wait3A_1074] : memref<16384x26x128xf32, #tpu.memory_space<hbm>> -> memref<1x26x128xf32, #tpu.memory_space<hbm>>
        %dma_wait3A_1076 = tpu.memref_squeeze %dma_wait3A_1075 : memref<1x26x128xf32, #tpu.memory_space<hbm>> -> memref<26x128xf32, #tpu.memory_space<hbm>>
        %dma_wait3A_1077 = arith.constant 0 : i32
        %dma_wait3A_1078 = arith.constant 0 : i32
        %dma_wait3A_1079 = tpu.memref_slice %arg10[%dma_wait3A_1077, %dma_wait3A_1078] : memref<104x128xf32, #tpu.memory_space<vmem>> -> memref<26x128xf32, #tpu.memory_space<vmem>>
        tpu.wait_dma2 semaphore(%arg26 : memref<!tpu.dma_semaphore, #tpu.memory_space<semaphore_mem>>) src(%dma_wait3A_1079 : memref<26x128xf32, #tpu.memory_space<vmem>>) dst(%dma_wait3A_1076 : memref<26x128xf32, #tpu.memory_space<hbm>>)
        %dma_wait3A_1080 = arith.constant 0 : i32
        %dma_wait3A_1081 = arith.constant 0 : i32
        %dma_wait3A_1082 = tpu.memref_slice %arg10[%dma_wait3A_1080, %dma_wait3A_1081] : memref<104x128xf32, #tpu.memory_space<vmem>> -> memref<26x128xf32, #tpu.memory_space<vmem>>
        %dma_wait3A_1083 = arith.constant 0 : i32
        %dma_wait3A_1084 = arith.constant 0 : i32
        %dma_wait3A_1085 = tpu.memref_slice %arg4[%mul3A_4, %dma_wait3A_1083, %dma_wait3A_1084] : memref<16384x26x128xf32, #tpu.memory_space<hbm>> -> memref<1x26x128xf32, #tpu.memory_space<hbm>>
        %dma_wait3A_1086 = tpu.memref_squeeze %dma_wait3A_1085 : memref<1x26x128xf32, #tpu.memory_space<hbm>> -> memref<26x128xf32, #tpu.memory_space<hbm>>
        %dma_wait3A_1087 = arith.constant 0 : i32
        %dma_wait3A_1088 = arith.constant 0 : i32
        %dma_wait3A_1089 = tpu.memref_slice %arg4[%mul3A_4, %dma_wait3A_1087, %dma_wait3A_1088] : memref<16384x26x128xf32, #tpu.memory_space<hbm>> -> memref<1x26x128xf32, #tpu.memory_space<hbm>>
        %dma_wait3A_1090 = tpu.memref_squeeze %dma_wait3A_1089 : memref<1x26x128xf32, #tpu.memory_space<hbm>> -> memref<26x128xf32, #tpu.memory_space<hbm>>
        %dma_wait3A_1091 = arith.constant 0 : i32
        %dma_wait3A_1092 = arith.constant 0 : i32
        %dma_wait3A_1093 = tpu.memref_slice %arg10[%dma_wait3A_1091, %dma_wait3A_1092] : memref<104x128xf32, #tpu.memory_space<vmem>> -> memref<26x128xf32, #tpu.memory_space<vmem>>
        tpu.wait_dma2 semaphore(%arg26 : memref<!tpu.dma_semaphore, #tpu.memory_space<semaphore_mem>>) src(%dma_wait3A_1093 : memref<26x128xf32, #tpu.memory_space<vmem>>) dst(%dma_wait3A_1090 : memref<26x128xf32, #tpu.memory_space<hbm>>)
      } else {
      }
      %add3A_269 = arith.constant 4 : i32
      %add3A_270 = arith.addi %add3A_266, %add3A_269 : i32
      %lt3A = arith.constant 128 : i32
      %lt3A_271 = arith.cmpi slt, %add3A_270, %lt3A : i32
      %convert_element_type3A_272 = arith.extui %lt3A_271 : i1 to i32
      %cond3A_273 = arith.constant 0 : i32
      %cond3A_274 = arith.cmpi ne, %convert_element_type3A_272, %cond3A_273 : i32
      scf.if %cond3A_274 {
        %add3A_1038 = arith.constant 4 : i32
        %add3A_1039 = arith.addi %add3A_266, %add3A_1038 : i32
        %dma_start3A_1040 = arith.constant 0 : i32
        %dma_start3A_1041 = tpu.memref_slice %arg5[%add3A_1039, %dma_start3A_1040] : memref<128x104xi32, #tpu.memory_space<vmem>> -> memref<1x104xi32, #tpu.memory_space<vmem>>
        %dma_start3A_1042 = tpu.memref_squeeze %dma_start3A_1041 : memref<1x104xi32, #tpu.memory_space<vmem>> -> memref<104xi32, #tpu.memory_space<vmem>>
        %dma_start3A_1043 = arith.constant 0 : i32
        %dma_start3A_1044 = arith.constant 0 : i32
        %dma_start3A_1045 = tpu.memref_slice %arg3[%dma_start3A_1043, %dma_start3A_1044] : memref<100000x128xf32, #tpu.memory_space<hbm>> -> memref<100000x128xf32, #tpu.memory_space<hbm>>
        tpu.enqueue_indirect_dma source(%dma_start3A_1045 : memref<100000x128xf32, #tpu.memory_space<hbm>>) target(%arg10 : memref<104x128xf32, #tpu.memory_space<vmem>>) offsets(%dma_start3A_1042 : memref<104xi32, #tpu.memory_space<vmem>>) semaphore(%arg18 : memref<!tpu.dma_semaphore, #tpu.memory_space<semaphore_mem>>)
      } else {
      }
      %dma_wait3A_275 = arith.constant 0 : i32
      %dma_wait3A_276 = arith.constant 0 : i32
      %dma_wait3A_277 = tpu.memref_slice %arg5[%dma_wait3A_275, %dma_wait3A_276] : memref<128x104xi32, #tpu.memory_space<vmem>> -> memref<1x104xi32, #tpu.memory_space<vmem>>
      %dma_wait3A_278 = tpu.memref_squeeze %dma_wait3A_277 : memref<1x104xi32, #tpu.memory_space<vmem>> -> memref<104xi32, #tpu.memory_space<vmem>>
      %dma_wait3A_279 = arith.constant 0 : i32
      %dma_wait3A_280 = arith.constant 0 : i32
      %dma_wait3A_281 = tpu.memref_slice %arg3[%dma_wait3A_279, %dma_wait3A_280] : memref<100000x128xf32, #tpu.memory_space<hbm>> -> memref<100000x128xf32, #tpu.memory_space<hbm>>
      tpu.wait_indirect_dma semaphore(%arg14 : memref<!tpu.dma_semaphore, #tpu.memory_space<semaphore_mem>>) src(%dma_wait3A_281 : memref<100000x128xf32, #tpu.memory_space<hbm>>) dst(%arg6 : memref<104x128xf32, #tpu.memory_space<vmem>>)
      %mul3A_282 = arith.constant 4 : i32
      %mul3A_283 = arith.muli %add3A_266, %mul3A_282 : i32
      %add3A_284 = arith.addi %mul3A_4, %mul3A_283 : i32
      %add3A_285 = arith.constant 0 : i32
      %add3A_286 = arith.addi %add3A_284, %add3A_285 : i32
      %dma_start3A_287 = arith.constant 0 : i32
      %dma_start3A_288 = arith.constant 0 : i32
      %dma_start3A_289 = tpu.memref_slice %arg6[%dma_start3A_287, %dma_start3A_288] : memref<104x128xf32, #tpu.memory_space<vmem>> -> memref<26x128xf32, #tpu.memory_space<vmem>>
      %dma_start3A_290 = arith.constant 0 : i32
      %dma_start3A_291 = arith.constant 0 : i32
      %dma_start3A_292 = tpu.memref_slice %arg4[%add3A_286, %dma_start3A_290, %dma_start3A_291] : memref<16384x26x128xf32, #tpu.memory_space<hbm>> -> memref<1x26x128xf32, #tpu.memory_space<hbm>>
      %dma_start3A_293 = tpu.memref_squeeze %dma_start3A_292 : memref<1x26x128xf32, #tpu.memory_space<hbm>> -> memref<26x128xf32, #tpu.memory_space<hbm>>
      %dma_start3A_294 = arith.constant 0 : i32
      %dma_start3A_295 = arith.constant 0 : i32
      %dma_start3A_296 = tpu.memref_slice %arg4[%add3A_286, %dma_start3A_294, %dma_start3A_295] : memref<16384x26x128xf32, #tpu.memory_space<hbm>> -> memref<1x26x128xf32, #tpu.memory_space<hbm>>
      %dma_start3A_297 = tpu.memref_squeeze %dma_start3A_296 : memref<1x26x128xf32, #tpu.memory_space<hbm>> -> memref<26x128xf32, #tpu.memory_space<hbm>>
      %dma_start3A_298 = arith.constant 0 : i32
      %dma_start3A_299 = arith.constant 0 : i32
      %dma_start3A_300 = tpu.memref_slice %arg6[%dma_start3A_298, %dma_start3A_299] : memref<104x128xf32, #tpu.memory_space<vmem>> -> memref<26x128xf32, #tpu.memory_space<vmem>>
      tpu.enqueue_dma source(%dma_start3A_300 : memref<26x128xf32, #tpu.memory_space<vmem>>) target(%dma_start3A_297 : memref<26x128xf32, #tpu.memory_space<hbm>>) target_semaphore(%arg22 : memref<!tpu.dma_semaphore, #tpu.memory_space<semaphore_mem>>)
      %mul3A_301 = arith.constant 4 : i32
      %mul3A_302 = arith.muli %add3A_266, %mul3A_301 : i32
      %add3A_303 = arith.addi %mul3A_4, %mul3A_302 : i32
      %add3A_304 = arith.constant 1 : i32
      %add3A_305 = arith.addi %add3A_303, %add3A_304 : i32
      %dma_start3A_306 = arith.constant 26 : i32
      %dma_start3A_307 = arith.constant 0 : i32
      %dma_start3A_308 = tpu.memref_slice %arg6[%dma_start3A_306, %dma_start3A_307] : memref<104x128xf32, #tpu.memory_space<vmem>> -> memref<26x128xf32, #tpu.memory_space<vmem>>
      %dma_start3A_309 = arith.constant 0 : i32
      %dma_start3A_310 = arith.constant 0 : i32
      %dma_start3A_311 = tpu.memref_slice %arg4[%add3A_305, %dma_start3A_309, %dma_start3A_310] : memref<16384x26x128xf32, #tpu.memory_space<hbm>> -> memref<1x26x128xf32, #tpu.memory_space<hbm>>
      %dma_start3A_312 = tpu.memref_squeeze %dma_start3A_311 : memref<1x26x128xf32, #tpu.memory_space<hbm>> -> memref<26x128xf32, #tpu.memory_space<hbm>>
      %dma_start3A_313 = arith.constant 0 : i32
      %dma_start3A_314 = arith.constant 0 : i32
      %dma_start3A_315 = tpu.memref_slice %arg4[%add3A_305, %dma_start3A_313, %dma_start3A_314] : memref<16384x26x128xf32, #tpu.memory_space<hbm>> -> memref<1x26x128xf32, #tpu.memory_space<hbm>>
      %dma_start3A_316 = tpu.memref_squeeze %dma_start3A_315 : memref<1x26x128xf32, #tpu.memory_space<hbm>> -> memref<26x128xf32, #tpu.memory_space<hbm>>
      %dma_start3A_317 = arith.constant 26 : i32
      %dma_start3A_318 = arith.constant 0 : i32
      %dma_start3A_319 = tpu.memref_slice %arg6[%dma_start3A_317, %dma_start3A_318] : memref<104x128xf32, #tpu.memory_space<vmem>> -> memref<26x128xf32, #tpu.memory_space<vmem>>
      tpu.enqueue_dma source(%dma_start3A_319 : memref<26x128xf32, #tpu.memory_space<vmem>>) target(%dma_start3A_316 : memref<26x128xf32, #tpu.memory_space<hbm>>) target_semaphore(%arg22 : memref<!tpu.dma_semaphore, #tpu.memory_space<semaphore_mem>>)
      %mul3A_320 = arith.constant 4 : i32
      %mul3A_321 = arith.muli %add3A_266, %mul3A_320 : i32
      %add3A_322 = arith.addi %mul3A_4, %mul3A_321 : i32
      %add3A_323 = arith.constant 2 : i32
      %add3A_324 = arith.addi %add3A_322, %add3A_323 : i32
      %dma_start3A_325 = arith.constant 52 : i32
      %dma_start3A_326 = arith.constant 0 : i32
      %dma_start3A_327 = tpu.memref_slice %arg6[%dma_start3A_325, %dma_start3A_326] : memref<104x128xf32, #tpu.memory_space<vmem>> -> memref<26x128xf32, #tpu.memory_space<vmem>>
      %dma_start3A_328 = arith.constant 0 : i32
      %dma_start3A_329 = arith.constant 0 : i32
      %dma_start3A_330 = tpu.memref_slice %arg4[%add3A_324, %dma_start3A_328, %dma_start3A_329] : memref<16384x26x128xf32, #tpu.memory_space<hbm>> -> memref<1x26x128xf32, #tpu.memory_space<hbm>>
      %dma_start3A_331 = tpu.memref_squeeze %dma_start3A_330 : memref<1x26x128xf32, #tpu.memory_space<hbm>> -> memref<26x128xf32, #tpu.memory_space<hbm>>
      %dma_start3A_332 = arith.constant 0 : i32
      %dma_start3A_333 = arith.constant 0 : i32
      %dma_start3A_334 = tpu.memref_slice %arg4[%add3A_324, %dma_start3A_332, %dma_start3A_333] : memref<16384x26x128xf32, #tpu.memory_space<hbm>> -> memref<1x26x128xf32, #tpu.memory_space<hbm>>
      %dma_start3A_335 = tpu.memref_squeeze %dma_start3A_334 : memref<1x26x128xf32, #tpu.memory_space<hbm>> -> memref<26x128xf32, #tpu.memory_space<hbm>>
      %dma_start3A_336 = arith.constant 52 : i32
      %dma_start3A_337 = arith.constant 0 : i32
      %dma_start3A_338 = tpu.memref_slice %arg6[%dma_start3A_336, %dma_start3A_337] : memref<104x128xf32, #tpu.memory_space<vmem>> -> memref<26x128xf32, #tpu.memory_space<vmem>>
      tpu.enqueue_dma source(%dma_start3A_338 : memref<26x128xf32, #tpu.memory_space<vmem>>) target(%dma_start3A_335 : memref<26x128xf32, #tpu.memory_space<hbm>>) target_semaphore(%arg22 : memref<!tpu.dma_semaphore, #tpu.memory_space<semaphore_mem>>)
      %mul3A_339 = arith.constant 4 : i32
      %mul3A_340 = arith.muli %add3A_266, %mul3A_339 : i32
      %add3A_341 = arith.addi %mul3A_4, %mul3A_340 : i32
      %add3A_342 = arith.constant 3 : i32
      %add3A_343 = arith.addi %add3A_341, %add3A_342 : i32
      %dma_start3A_344 = arith.constant 78 : i32
      %dma_start3A_345 = arith.constant 0 : i32
      %dma_start3A_346 = tpu.memref_slice %arg6[%dma_start3A_344, %dma_start3A_345] : memref<104x128xf32, #tpu.memory_space<vmem>> -> memref<26x128xf32, #tpu.memory_space<vmem>>
      %dma_start3A_347 = arith.constant 0 : i32
      %dma_start3A_348 = arith.constant 0 : i32
      %dma_start3A_349 = tpu.memref_slice %arg4[%add3A_343, %dma_start3A_347, %dma_start3A_348] : memref<16384x26x128xf32, #tpu.memory_space<hbm>> -> memref<1x26x128xf32, #tpu.memory_space<hbm>>
      %dma_start3A_350 = tpu.memref_squeeze %dma_start3A_349 : memref<1x26x128xf32, #tpu.memory_space<hbm>> -> memref<26x128xf32, #tpu.memory_space<hbm>>
      %dma_start3A_351 = arith.constant 0 : i32
      %dma_start3A_352 = arith.constant 0 : i32
      %dma_start3A_353 = tpu.memref_slice %arg4[%add3A_343, %dma_start3A_351, %dma_start3A_352] : memref<16384x26x128xf32, #tpu.memory_space<hbm>> -> memref<1x26x128xf32, #tpu.memory_space<hbm>>
      %dma_start3A_354 = tpu.memref_squeeze %dma_start3A_353 : memref<1x26x128xf32, #tpu.memory_space<hbm>> -> memref<26x128xf32, #tpu.memory_space<hbm>>
      %dma_start3A_355 = arith.constant 78 : i32
      %dma_start3A_356 = arith.constant 0 : i32
      %dma_start3A_357 = tpu.memref_slice %arg6[%dma_start3A_355, %dma_start3A_356] : memref<104x128xf32, #tpu.memory_space<vmem>> -> memref<26x128xf32, #tpu.memory_space<vmem>>
      tpu.enqueue_dma source(%dma_start3A_357 : memref<26x128xf32, #tpu.memory_space<vmem>>) target(%dma_start3A_354 : memref<26x128xf32, #tpu.memory_space<hbm>>) target_semaphore(%arg22 : memref<!tpu.dma_semaphore, #tpu.memory_space<semaphore_mem>>)
      %add3A_358 = arith.constant 1 : i32
      %add3A_359 = arith.addi %mul3A_264, %add3A_358 : i32
      %ge3A_360 = arith.constant 4 : i32
      %ge3A_361 = arith.cmpi sge, %add3A_359, %ge3A_360 : i32
      %convert_element_type3A_362 = arith.extui %ge3A_361 : i1 to i32
      %cond3A_363 = arith.constant 0 : i32
      %cond3A_364 = arith.cmpi ne, %convert_element_type3A_362, %cond3A_363 : i32
      scf.if %cond3A_364 {
        %dma_wait3A_1038 = arith.constant 0 : i32
        %dma_wait3A_1039 = arith.constant 0 : i32
        %dma_wait3A_1040 = tpu.memref_slice %arg11[%dma_wait3A_1038, %dma_wait3A_1039] : memref<104x128xf32, #tpu.memory_space<vmem>> -> memref<26x128xf32, #tpu.memory_space<vmem>>
        %dma_wait3A_1041 = arith.constant 0 : i32
        %dma_wait3A_1042 = arith.constant 0 : i32
        %dma_wait3A_1043 = tpu.memref_slice %arg4[%mul3A_4, %dma_wait3A_1041, %dma_wait3A_1042] : memref<16384x26x128xf32, #tpu.memory_space<hbm>> -> memref<1x26x128xf32, #tpu.memory_space<hbm>>
        %dma_wait3A_1044 = tpu.memref_squeeze %dma_wait3A_1043 : memref<1x26x128xf32, #tpu.memory_space<hbm>> -> memref<26x128xf32, #tpu.memory_space<hbm>>
        %dma_wait3A_1045 = arith.constant 0 : i32
        %dma_wait3A_1046 = arith.constant 0 : i32
        %dma_wait3A_1047 = tpu.memref_slice %arg4[%mul3A_4, %dma_wait3A_1045, %dma_wait3A_1046] : memref<16384x26x128xf32, #tpu.memory_space<hbm>> -> memref<1x26x128xf32, #tpu.memory_space<hbm>>
        %dma_wait3A_1048 = tpu.memref_squeeze %dma_wait3A_1047 : memref<1x26x128xf32, #tpu.memory_space<hbm>> -> memref<26x128xf32, #tpu.memory_space<hbm>>
        %dma_wait3A_1049 = arith.constant 0 : i32
        %dma_wait3A_1050 = arith.constant 0 : i32
        %dma_wait3A_1051 = tpu.memref_slice %arg11[%dma_wait3A_1049, %dma_wait3A_1050] : memref<104x128xf32, #tpu.memory_space<vmem>> -> memref<26x128xf32, #tpu.memory_space<vmem>>
        tpu.wait_dma2 semaphore(%arg27 : memref<!tpu.dma_semaphore, #tpu.memory_space<semaphore_mem>>) src(%dma_wait3A_1051 : memref<26x128xf32, #tpu.memory_space<vmem>>) dst(%dma_wait3A_1048 : memref<26x128xf32, #tpu.memory_space<hbm>>)
        %dma_wait3A_1052 = arith.constant 0 : i32
        %dma_wait3A_1053 = arith.constant 0 : i32
        %dma_wait3A_1054 = tpu.memref_slice %arg11[%dma_wait3A_1052, %dma_wait3A_1053] : memref<104x128xf32, #tpu.memory_space<vmem>> -> memref<26x128xf32, #tpu.memory_space<vmem>>
        %dma_wait3A_1055 = arith.constant 0 : i32
        %dma_wait3A_1056 = arith.constant 0 : i32
        %dma_wait3A_1057 = tpu.memref_slice %arg4[%mul3A_4, %dma_wait3A_1055, %dma_wait3A_1056] : memref<16384x26x128xf32, #tpu.memory_space<hbm>> -> memref<1x26x128xf32, #tpu.memory_space<hbm>>
        %dma_wait3A_1058 = tpu.memref_squeeze %dma_wait3A_1057 : memref<1x26x128xf32, #tpu.memory_space<hbm>> -> memref<26x128xf32, #tpu.memory_space<hbm>>
        %dma_wait3A_1059 = arith.constant 0 : i32
        %dma_wait3A_1060 = arith.constant 0 : i32
        %dma_wait3A_1061 = tpu.memref_slice %arg4[%mul3A_4, %dma_wait3A_1059, %dma_wait3A_1060] : memref<16384x26x128xf32, #tpu.memory_space<hbm>> -> memref<1x26x128xf32, #tpu.memory_space<hbm>>
        %dma_wait3A_1062 = tpu.memref_squeeze %dma_wait3A_1061 : memref<1x26x128xf32, #tpu.memory_space<hbm>> -> memref<26x128xf32, #tpu.memory_space<hbm>>
        %dma_wait3A_1063 = arith.constant 0 : i32
        %dma_wait3A_1064 = arith.constant 0 : i32
        %dma_wait3A_1065 = tpu.memref_slice %arg11[%dma_wait3A_1063, %dma_wait3A_1064] : memref<104x128xf32, #tpu.memory_space<vmem>> -> memref<26x128xf32, #tpu.memory_space<vmem>>
        tpu.wait_dma2 semaphore(%arg27 : memref<!tpu.dma_semaphore, #tpu.memory_space<semaphore_mem>>) src(%dma_wait3A_1065 : memref<26x128xf32, #tpu.memory_space<vmem>>) dst(%dma_wait3A_1062 : memref<26x128xf32, #tpu.memory_space<hbm>>)
        %dma_wait3A_1066 = arith.constant 0 : i32
        %dma_wait3A_1067 = arith.constant 0 : i32
        %dma_wait3A_1068 = tpu.memref_slice %arg11[%dma_wait3A_1066, %dma_wait3A_1067] : memref<104x128xf32, #tpu.memory_space<vmem>> -> memref<26x128xf32, #tpu.memory_space<vmem>>
        %dma_wait3A_1069 = arith.constant 0 : i32
        %dma_wait3A_1070 = arith.constant 0 : i32
        %dma_wait3A_1071 = tpu.memref_slice %arg4[%mul3A_4, %dma_wait3A_1069, %dma_wait3A_1070] : memref<16384x26x128xf32, #tpu.memory_space<hbm>> -> memref<1x26x128xf32, #tpu.memory_space<hbm>>
        %dma_wait3A_1072 = tpu.memref_squeeze %dma_wait3A_1071 : memref<1x26x128xf32, #tpu.memory_space<hbm>> -> memref<26x128xf32, #tpu.memory_space<hbm>>
        %dma_wait3A_1073 = arith.constant 0 : i32
        %dma_wait3A_1074 = arith.constant 0 : i32
        %dma_wait3A_1075 = tpu.memref_slice %arg4[%mul3A_4, %dma_wait3A_1073, %dma_wait3A_1074] : memref<16384x26x128xf32, #tpu.memory_space<hbm>> -> memref<1x26x128xf32, #tpu.memory_space<hbm>>
        %dma_wait3A_1076 = tpu.memref_squeeze %dma_wait3A_1075 : memref<1x26x128xf32, #tpu.memory_space<hbm>> -> memref<26x128xf32, #tpu.memory_space<hbm>>
        %dma_wait3A_1077 = arith.constant 0 : i32
        %dma_wait3A_1078 = arith.constant 0 : i32
        %dma_wait3A_1079 = tpu.memref_slice %arg11[%dma_wait3A_1077, %dma_wait3A_1078] : memref<104x128xf32, #tpu.memory_space<vmem>> -> memref<26x128xf32, #tpu.memory_space<vmem>>
        tpu.wait_dma2 semaphore(%arg27 : memref<!tpu.dma_semaphore, #tpu.memory_space<semaphore_mem>>) src(%dma_wait3A_1079 : memref<26x128xf32, #tpu.memory_space<vmem>>) dst(%dma_wait3A_1076 : memref<26x128xf32, #tpu.memory_space<hbm>>)
        %dma_wait3A_1080 = arith.constant 0 : i32
        %dma_wait3A_1081 = arith.constant 0 : i32
        %dma_wait3A_1082 = tpu.memref_slice %arg11[%dma_wait3A_1080, %dma_wait3A_1081] : memref<104x128xf32, #tpu.memory_space<vmem>> -> memref<26x128xf32, #tpu.memory_space<vmem>>
        %dma_wait3A_1083 = arith.constant 0 : i32
        %dma_wait3A_1084 = arith.constant 0 : i32
        %dma_wait3A_1085 = tpu.memref_slice %arg4[%mul3A_4, %dma_wait3A_1083, %dma_wait3A_1084] : memref<16384x26x128xf32, #tpu.memory_space<hbm>> -> memref<1x26x128xf32, #tpu.memory_space<hbm>>
        %dma_wait3A_1086 = tpu.memref_squeeze %dma_wait3A_1085 : memref<1x26x128xf32, #tpu.memory_space<hbm>> -> memref<26x128xf32, #tpu.memory_space<hbm>>
        %dma_wait3A_1087 = arith.constant 0 : i32
        %dma_wait3A_1088 = arith.constant 0 : i32
        %dma_wait3A_1089 = tpu.memref_slice %arg4[%mul3A_4, %dma_wait3A_1087, %dma_wait3A_1088] : memref<16384x26x128xf32, #tpu.memory_space<hbm>> -> memref<1x26x128xf32, #tpu.memory_space<hbm>>
        %dma_wait3A_1090 = tpu.memref_squeeze %dma_wait3A_1089 : memref<1x26x128xf32, #tpu.memory_space<hbm>> -> memref<26x128xf32, #tpu.memory_space<hbm>>
        %dma_wait3A_1091 = arith.constant 0 : i32
        %dma_wait3A_1092 = arith.constant 0 : i32
        %dma_wait3A_1093 = tpu.memref_slice %arg11[%dma_wait3A_1091, %dma_wait3A_1092] : memref<104x128xf32, #tpu.memory_space<vmem>> -> memref<26x128xf32, #tpu.memory_space<vmem>>
        tpu.wait_dma2 semaphore(%arg27 : memref<!tpu.dma_semaphore, #tpu.memory_space<semaphore_mem>>) src(%dma_wait3A_1093 : memref<26x128xf32, #tpu.memory_space<vmem>>) dst(%dma_wait3A_1090 : memref<26x128xf32, #tpu.memory_space<hbm>>)
      } else {
      }
      %add3A_365 = arith.constant 4 : i32
      %add3A_366 = arith.addi %add3A_359, %add3A_365 : i32
      %lt3A_367 = arith.constant 128 : i32
      %lt3A_368 = arith.cmpi slt, %add3A_366, %lt3A_367 : i32
      %convert_element_type3A_369 = arith.extui %lt3A_368 : i1 to i32
      %cond3A_370 = arith.constant 0 : i32
      %cond3A_371 = arith.cmpi ne, %convert_element_type3A_369, %cond3A_370 : i32
      scf.if %cond3A_371 {
        %add3A_1038 = arith.constant 4 : i32
        %add3A_1039 = arith.addi %add3A_359, %add3A_1038 : i32
        %dma_start3A_1040 = arith.constant 0 : i32
        %dma_start3A_1041 = tpu.memref_slice %arg5[%add3A_1039, %dma_start3A_1040] : memref<128x104xi32, #tpu.memory_space<vmem>> -> memref<1x104xi32, #tpu.memory_space<vmem>>
        %dma_start3A_1042 = tpu.memref_squeeze %dma_start3A_1041 : memref<1x104xi32, #tpu.memory_space<vmem>> -> memref<104xi32, #tpu.memory_space<vmem>>
        %dma_start3A_1043 = arith.constant 0 : i32
        %dma_start3A_1044 = arith.constant 0 : i32
        %dma_start3A_1045 = tpu.memref_slice %arg3[%dma_start3A_1043, %dma_start3A_1044] : memref<100000x128xf32, #tpu.memory_space<hbm>> -> memref<100000x128xf32, #tpu.memory_space<hbm>>
        tpu.enqueue_indirect_dma source(%dma_start3A_1045 : memref<100000x128xf32, #tpu.memory_space<hbm>>) target(%arg11 : memref<104x128xf32, #tpu.memory_space<vmem>>) offsets(%dma_start3A_1042 : memref<104xi32, #tpu.memory_space<vmem>>) semaphore(%arg19 : memref<!tpu.dma_semaphore, #tpu.memory_space<semaphore_mem>>)
      } else {
      }
      %dma_wait3A_372 = arith.constant 0 : i32
      %dma_wait3A_373 = arith.constant 0 : i32
      %dma_wait3A_374 = tpu.memref_slice %arg5[%dma_wait3A_372, %dma_wait3A_373] : memref<128x104xi32, #tpu.memory_space<vmem>> -> memref<1x104xi32, #tpu.memory_space<vmem>>
      %dma_wait3A_375 = tpu.memref_squeeze %dma_wait3A_374 : memref<1x104xi32, #tpu.memory_space<vmem>> -> memref<104xi32, #tpu.memory_space<vmem>>
      %dma_wait3A_376 = arith.constant 0 : i32
      %dma_wait3A_377 = arith.constant 0 : i32
      %dma_wait3A_378 = tpu.memref_slice %arg3[%dma_wait3A_376, %dma_wait3A_377] : memref<100000x128xf32, #tpu.memory_space<hbm>> -> memref<100000x128xf32, #tpu.memory_space<hbm>>
      tpu.wait_indirect_dma semaphore(%arg15 : memref<!tpu.dma_semaphore, #tpu.memory_space<semaphore_mem>>) src(%dma_wait3A_378 : memref<100000x128xf32, #tpu.memory_space<hbm>>) dst(%arg7 : memref<104x128xf32, #tpu.memory_space<vmem>>)
      %mul3A_379 = arith.constant 4 : i32
      %mul3A_380 = arith.muli %add3A_359, %mul3A_379 : i32
      %add3A_381 = arith.addi %mul3A_4, %mul3A_380 : i32
      %add3A_382 = arith.constant 0 : i32
      %add3A_383 = arith.addi %add3A_381, %add3A_382 : i32
      %dma_start3A_384 = arith.constant 0 : i32
      %dma_start3A_385 = arith.constant 0 : i32
      %dma_start3A_386 = tpu.memref_slice %arg7[%dma_start3A_384, %dma_start3A_385] : memref<104x128xf32, #tpu.memory_space<vmem>> -> memref<26x128xf32, #tpu.memory_space<vmem>>
      %dma_start3A_387 = arith.constant 0 : i32
      %dma_start3A_388 = arith.constant 0 : i32
      %dma_start3A_389 = tpu.memref_slice %arg4[%add3A_383, %dma_start3A_387, %dma_start3A_388] : memref<16384x26x128xf32, #tpu.memory_space<hbm>> -> memref<1x26x128xf32, #tpu.memory_space<hbm>>
      %dma_start3A_390 = tpu.memref_squeeze %dma_start3A_389 : memref<1x26x128xf32, #tpu.memory_space<hbm>> -> memref<26x128xf32, #tpu.memory_space<hbm>>
      %dma_start3A_391 = arith.constant 0 : i32
      %dma_start3A_392 = arith.constant 0 : i32
      %dma_start3A_393 = tpu.memref_slice %arg4[%add3A_383, %dma_start3A_391, %dma_start3A_392] : memref<16384x26x128xf32, #tpu.memory_space<hbm>> -> memref<1x26x128xf32, #tpu.memory_space<hbm>>
      %dma_start3A_394 = tpu.memref_squeeze %dma_start3A_393 : memref<1x26x128xf32, #tpu.memory_space<hbm>> -> memref<26x128xf32, #tpu.memory_space<hbm>>
      %dma_start3A_395 = arith.constant 0 : i32
      %dma_start3A_396 = arith.constant 0 : i32
      %dma_start3A_397 = tpu.memref_slice %arg7[%dma_start3A_395, %dma_start3A_396] : memref<104x128xf32, #tpu.memory_space<vmem>> -> memref<26x128xf32, #tpu.memory_space<vmem>>
      tpu.enqueue_dma source(%dma_start3A_397 : memref<26x128xf32, #tpu.memory_space<vmem>>) target(%dma_start3A_394 : memref<26x128xf32, #tpu.memory_space<hbm>>) target_semaphore(%arg23 : memref<!tpu.dma_semaphore, #tpu.memory_space<semaphore_mem>>)
      %mul3A_398 = arith.constant 4 : i32
      %mul3A_399 = arith.muli %add3A_359, %mul3A_398 : i32
      %add3A_400 = arith.addi %mul3A_4, %mul3A_399 : i32
      %add3A_401 = arith.constant 1 : i32
      %add3A_402 = arith.addi %add3A_400, %add3A_401 : i32
      %dma_start3A_403 = arith.constant 26 : i32
      %dma_start3A_404 = arith.constant 0 : i32
      %dma_start3A_405 = tpu.memref_slice %arg7[%dma_start3A_403, %dma_start3A_404] : memref<104x128xf32, #tpu.memory_space<vmem>> -> memref<26x128xf32, #tpu.memory_space<vmem>>
      %dma_start3A_406 = arith.constant 0 : i32
      %dma_start3A_407 = arith.constant 0 : i32
      %dma_start3A_408 = tpu.memref_slice %arg4[%add3A_402, %dma_start3A_406, %dma_start3A_407] : memref<16384x26x128xf32, #tpu.memory_space<hbm>> -> memref<1x26x128xf32, #tpu.memory_space<hbm>>
      %dma_start3A_409 = tpu.memref_squeeze %dma_start3A_408 : memref<1x26x128xf32, #tpu.memory_space<hbm>> -> memref<26x128xf32, #tpu.memory_space<hbm>>
      %dma_start3A_410 = arith.constant 0 : i32
      %dma_start3A_411 = arith.constant 0 : i32
      %dma_start3A_412 = tpu.memref_slice %arg4[%add3A_402, %dma_start3A_410, %dma_start3A_411] : memref<16384x26x128xf32, #tpu.memory_space<hbm>> -> memref<1x26x128xf32, #tpu.memory_space<hbm>>
      %dma_start3A_413 = tpu.memref_squeeze %dma_start3A_412 : memref<1x26x128xf32, #tpu.memory_space<hbm>> -> memref<26x128xf32, #tpu.memory_space<hbm>>
      %dma_start3A_414 = arith.constant 26 : i32
      %dma_start3A_415 = arith.constant 0 : i32
      %dma_start3A_416 = tpu.memref_slice %arg7[%dma_start3A_414, %dma_start3A_415] : memref<104x128xf32, #tpu.memory_space<vmem>> -> memref<26x128xf32, #tpu.memory_space<vmem>>
      tpu.enqueue_dma source(%dma_start3A_416 : memref<26x128xf32, #tpu.memory_space<vmem>>) target(%dma_start3A_413 : memref<26x128xf32, #tpu.memory_space<hbm>>) target_semaphore(%arg23 : memref<!tpu.dma_semaphore, #tpu.memory_space<semaphore_mem>>)
      %mul3A_417 = arith.constant 4 : i32
      %mul3A_418 = arith.muli %add3A_359, %mul3A_417 : i32
      %add3A_419 = arith.addi %mul3A_4, %mul3A_418 : i32
      %add3A_420 = arith.constant 2 : i32
      %add3A_421 = arith.addi %add3A_419, %add3A_420 : i32
      %dma_start3A_422 = arith.constant 52 : i32
      %dma_start3A_423 = arith.constant 0 : i32
      %dma_start3A_424 = tpu.memref_slice %arg7[%dma_start3A_422, %dma_start3A_423] : memref<104x128xf32, #tpu.memory_space<vmem>> -> memref<26x128xf32, #tpu.memory_space<vmem>>
      %dma_start3A_425 = arith.constant 0 : i32
      %dma_start3A_426 = arith.constant 0 : i32
      %dma_start3A_427 = tpu.memref_slice %arg4[%add3A_421, %dma_start3A_425, %dma_start3A_426] : memref<16384x26x128xf32, #tpu.memory_space<hbm>> -> memref<1x26x128xf32, #tpu.memory_space<hbm>>
      %dma_start3A_428 = tpu.memref_squeeze %dma_start3A_427 : memref<1x26x128xf32, #tpu.memory_space<hbm>> -> memref<26x128xf32, #tpu.memory_space<hbm>>
      %dma_start3A_429 = arith.constant 0 : i32
      %dma_start3A_430 = arith.constant 0 : i32
      %dma_start3A_431 = tpu.memref_slice %arg4[%add3A_421, %dma_start3A_429, %dma_start3A_430] : memref<16384x26x128xf32, #tpu.memory_space<hbm>> -> memref<1x26x128xf32, #tpu.memory_space<hbm>>
      %dma_start3A_432 = tpu.memref_squeeze %dma_start3A_431 : memref<1x26x128xf32, #tpu.memory_space<hbm>> -> memref<26x128xf32, #tpu.memory_space<hbm>>
      %dma_start3A_433 = arith.constant 52 : i32
      %dma_start3A_434 = arith.constant 0 : i32
      %dma_start3A_435 = tpu.memref_slice %arg7[%dma_start3A_433, %dma_start3A_434] : memref<104x128xf32, #tpu.memory_space<vmem>> -> memref<26x128xf32, #tpu.memory_space<vmem>>
      tpu.enqueue_dma source(%dma_start3A_435 : memref<26x128xf32, #tpu.memory_space<vmem>>) target(%dma_start3A_432 : memref<26x128xf32, #tpu.memory_space<hbm>>) target_semaphore(%arg23 : memref<!tpu.dma_semaphore, #tpu.memory_space<semaphore_mem>>)
      %mul3A_436 = arith.constant 4 : i32
      %mul3A_437 = arith.muli %add3A_359, %mul3A_436 : i32
      %add3A_438 = arith.addi %mul3A_4, %mul3A_437 : i32
      %add3A_439 = arith.constant 3 : i32
      %add3A_440 = arith.addi %add3A_438, %add3A_439 : i32
      %dma_start3A_441 = arith.constant 78 : i32
      %dma_start3A_442 = arith.constant 0 : i32
      %dma_start3A_443 = tpu.memref_slice %arg7[%dma_start3A_441, %dma_start3A_442] : memref<104x128xf32, #tpu.memory_space<vmem>> -> memref<26x128xf32, #tpu.memory_space<vmem>>
      %dma_start3A_444 = arith.constant 0 : i32
      %dma_start3A_445 = arith.constant 0 : i32
      %dma_start3A_446 = tpu.memref_slice %arg4[%add3A_440, %dma_start3A_444, %dma_start3A_445] : memref<16384x26x128xf32, #tpu.memory_space<hbm>> -> memref<1x26x128xf32, #tpu.memory_space<hbm>>
      %dma_start3A_447 = tpu.memref_squeeze %dma_start3A_446 : memref<1x26x128xf32, #tpu.memory_space<hbm>> -> memref<26x128xf32, #tpu.memory_space<hbm>>
      %dma_start3A_448 = arith.constant 0 : i32
      %dma_start3A_449 = arith.constant 0 : i32
      %dma_start3A_450 = tpu.memref_slice %arg4[%add3A_440, %dma_start3A_448, %dma_start3A_449] : memref<16384x26x128xf32, #tpu.memory_space<hbm>> -> memref<1x26x128xf32, #tpu.memory_space<hbm>>
      %dma_start3A_451 = tpu.memref_squeeze %dma_start3A_450 : memref<1x26x128xf32, #tpu.memory_space<hbm>> -> memref<26x128xf32, #tpu.memory_space<hbm>>
      %dma_start3A_452 = arith.constant 78 : i32
      %dma_start3A_453 = arith.constant 0 : i32
      %dma_start3A_454 = tpu.memref_slice %arg7[%dma_start3A_452, %dma_start3A_453] : memref<104x128xf32, #tpu.memory_space<vmem>> -> memref<26x128xf32, #tpu.memory_space<vmem>>
      tpu.enqueue_dma source(%dma_start3A_454 : memref<26x128xf32, #tpu.memory_space<vmem>>) target(%dma_start3A_451 : memref<26x128xf32, #tpu.memory_space<hbm>>) target_semaphore(%arg23 : memref<!tpu.dma_semaphore, #tpu.memory_space<semaphore_mem>>)
      %add3A_455 = arith.constant 2 : i32
      %add3A_456 = arith.addi %mul3A_264, %add3A_455 : i32
      %ge3A_457 = arith.constant 4 : i32
      %ge3A_458 = arith.cmpi sge, %add3A_456, %ge3A_457 : i32
      %convert_element_type3A_459 = arith.extui %ge3A_458 : i1 to i32
      %cond3A_460 = arith.constant 0 : i32
      %cond3A_461 = arith.cmpi ne, %convert_element_type3A_459, %cond3A_460 : i32
      scf.if %cond3A_461 {
        %dma_wait3A_1038 = arith.constant 0 : i32
        %dma_wait3A_1039 = arith.constant 0 : i32
        %dma_wait3A_1040 = tpu.memref_slice %arg12[%dma_wait3A_1038, %dma_wait3A_1039] : memref<104x128xf32, #tpu.memory_space<vmem>> -> memref<26x128xf32, #tpu.memory_space<vmem>>
        %dma_wait3A_1041 = arith.constant 0 : i32
        %dma_wait3A_1042 = arith.constant 0 : i32
        %dma_wait3A_1043 = tpu.memref_slice %arg4[%mul3A_4, %dma_wait3A_1041, %dma_wait3A_1042] : memref<16384x26x128xf32, #tpu.memory_space<hbm>> -> memref<1x26x128xf32, #tpu.memory_space<hbm>>
        %dma_wait3A_1044 = tpu.memref_squeeze %dma_wait3A_1043 : memref<1x26x128xf32, #tpu.memory_space<hbm>> -> memref<26x128xf32, #tpu.memory_space<hbm>>
        %dma_wait3A_1045 = arith.constant 0 : i32
        %dma_wait3A_1046 = arith.constant 0 : i32
        %dma_wait3A_1047 = tpu.memref_slice %arg4[%mul3A_4, %dma_wait3A_1045, %dma_wait3A_1046] : memref<16384x26x128xf32, #tpu.memory_space<hbm>> -> memref<1x26x128xf32, #tpu.memory_space<hbm>>
        %dma_wait3A_1048 = tpu.memref_squeeze %dma_wait3A_1047 : memref<1x26x128xf32, #tpu.memory_space<hbm>> -> memref<26x128xf32, #tpu.memory_space<hbm>>
        %dma_wait3A_1049 = arith.constant 0 : i32
        %dma_wait3A_1050 = arith.constant 0 : i32
        %dma_wait3A_1051 = tpu.memref_slice %arg12[%dma_wait3A_1049, %dma_wait3A_1050] : memref<104x128xf32, #tpu.memory_space<vmem>> -> memref<26x128xf32, #tpu.memory_space<vmem>>
        tpu.wait_dma2 semaphore(%arg28 : memref<!tpu.dma_semaphore, #tpu.memory_space<semaphore_mem>>) src(%dma_wait3A_1051 : memref<26x128xf32, #tpu.memory_space<vmem>>) dst(%dma_wait3A_1048 : memref<26x128xf32, #tpu.memory_space<hbm>>)
        %dma_wait3A_1052 = arith.constant 0 : i32
        %dma_wait3A_1053 = arith.constant 0 : i32
        %dma_wait3A_1054 = tpu.memref_slice %arg12[%dma_wait3A_1052, %dma_wait3A_1053] : memref<104x128xf32, #tpu.memory_space<vmem>> -> memref<26x128xf32, #tpu.memory_space<vmem>>
        %dma_wait3A_1055 = arith.constant 0 : i32
        %dma_wait3A_1056 = arith.constant 0 : i32
        %dma_wait3A_1057 = tpu.memref_slice %arg4[%mul3A_4, %dma_wait3A_1055, %dma_wait3A_1056] : memref<16384x26x128xf32, #tpu.memory_space<hbm>> -> memref<1x26x128xf32, #tpu.memory_space<hbm>>
        %dma_wait3A_1058 = tpu.memref_squeeze %dma_wait3A_1057 : memref<1x26x128xf32, #tpu.memory_space<hbm>> -> memref<26x128xf32, #tpu.memory_space<hbm>>
        %dma_wait3A_1059 = arith.constant 0 : i32
        %dma_wait3A_1060 = arith.constant 0 : i32
        %dma_wait3A_1061 = tpu.memref_slice %arg4[%mul3A_4, %dma_wait3A_1059, %dma_wait3A_1060] : memref<16384x26x128xf32, #tpu.memory_space<hbm>> -> memref<1x26x128xf32, #tpu.memory_space<hbm>>
        %dma_wait3A_1062 = tpu.memref_squeeze %dma_wait3A_1061 : memref<1x26x128xf32, #tpu.memory_space<hbm>> -> memref<26x128xf32, #tpu.memory_space<hbm>>
        %dma_wait3A_1063 = arith.constant 0 : i32
        %dma_wait3A_1064 = arith.constant 0 : i32
        %dma_wait3A_1065 = tpu.memref_slice %arg12[%dma_wait3A_1063, %dma_wait3A_1064] : memref<104x128xf32, #tpu.memory_space<vmem>> -> memref<26x128xf32, #tpu.memory_space<vmem>>
        tpu.wait_dma2 semaphore(%arg28 : memref<!tpu.dma_semaphore, #tpu.memory_space<semaphore_mem>>) src(%dma_wait3A_1065 : memref<26x128xf32, #tpu.memory_space<vmem>>) dst(%dma_wait3A_1062 : memref<26x128xf32, #tpu.memory_space<hbm>>)
        %dma_wait3A_1066 = arith.constant 0 : i32
        %dma_wait3A_1067 = arith.constant 0 : i32
        %dma_wait3A_1068 = tpu.memref_slice %arg12[%dma_wait3A_1066, %dma_wait3A_1067] : memref<104x128xf32, #tpu.memory_space<vmem>> -> memref<26x128xf32, #tpu.memory_space<vmem>>
        %dma_wait3A_1069 = arith.constant 0 : i32
        %dma_wait3A_1070 = arith.constant 0 : i32
        %dma_wait3A_1071 = tpu.memref_slice %arg4[%mul3A_4, %dma_wait3A_1069, %dma_wait3A_1070] : memref<16384x26x128xf32, #tpu.memory_space<hbm>> -> memref<1x26x128xf32, #tpu.memory_space<hbm>>
        %dma_wait3A_1072 = tpu.memref_squeeze %dma_wait3A_1071 : memref<1x26x128xf32, #tpu.memory_space<hbm>> -> memref<26x128xf32, #tpu.memory_space<hbm>>
        %dma_wait3A_1073 = arith.constant 0 : i32
        %dma_wait3A_1074 = arith.constant 0 : i32
        %dma_wait3A_1075 = tpu.memref_slice %arg4[%mul3A_4, %dma_wait3A_1073, %dma_wait3A_1074] : memref<16384x26x128xf32, #tpu.memory_space<hbm>> -> memref<1x26x128xf32, #tpu.memory_space<hbm>>
        %dma_wait3A_1076 = tpu.memref_squeeze %dma_wait3A_1075 : memref<1x26x128xf32, #tpu.memory_space<hbm>> -> memref<26x128xf32, #tpu.memory_space<hbm>>
        %dma_wait3A_1077 = arith.constant 0 : i32
        %dma_wait3A_1078 = arith.constant 0 : i32
        %dma_wait3A_1079 = tpu.memref_slice %arg12[%dma_wait3A_1077, %dma_wait3A_1078] : memref<104x128xf32, #tpu.memory_space<vmem>> -> memref<26x128xf32, #tpu.memory_space<vmem>>
        tpu.wait_dma2 semaphore(%arg28 : memref<!tpu.dma_semaphore, #tpu.memory_space<semaphore_mem>>) src(%dma_wait3A_1079 : memref<26x128xf32, #tpu.memory_space<vmem>>) dst(%dma_wait3A_1076 : memref<26x128xf32, #tpu.memory_space<hbm>>)
        %dma_wait3A_1080 = arith.constant 0 : i32
        %dma_wait3A_1081 = arith.constant 0 : i32
        %dma_wait3A_1082 = tpu.memref_slice %arg12[%dma_wait3A_1080, %dma_wait3A_1081] : memref<104x128xf32, #tpu.memory_space<vmem>> -> memref<26x128xf32, #tpu.memory_space<vmem>>
        %dma_wait3A_1083 = arith.constant 0 : i32
        %dma_wait3A_1084 = arith.constant 0 : i32
        %dma_wait3A_1085 = tpu.memref_slice %arg4[%mul3A_4, %dma_wait3A_1083, %dma_wait3A_1084] : memref<16384x26x128xf32, #tpu.memory_space<hbm>> -> memref<1x26x128xf32, #tpu.memory_space<hbm>>
        %dma_wait3A_1086 = tpu.memref_squeeze %dma_wait3A_1085 : memref<1x26x128xf32, #tpu.memory_space<hbm>> -> memref<26x128xf32, #tpu.memory_space<hbm>>
        %dma_wait3A_1087 = arith.constant 0 : i32
        %dma_wait3A_1088 = arith.constant 0 : i32
        %dma_wait3A_1089 = tpu.memref_slice %arg4[%mul3A_4, %dma_wait3A_1087, %dma_wait3A_1088] : memref<16384x26x128xf32, #tpu.memory_space<hbm>> -> memref<1x26x128xf32, #tpu.memory_space<hbm>>
        %dma_wait3A_1090 = tpu.memref_squeeze %dma_wait3A_1089 : memref<1x26x128xf32, #tpu.memory_space<hbm>> -> memref<26x128xf32, #tpu.memory_space<hbm>>
        %dma_wait3A_1091 = arith.constant 0 : i32
        %dma_wait3A_1092 = arith.constant 0 : i32
        %dma_wait3A_1093 = tpu.memref_slice %arg12[%dma_wait3A_1091, %dma_wait3A_1092] : memref<104x128xf32, #tpu.memory_space<vmem>> -> memref<26x128xf32, #tpu.memory_space<vmem>>
        tpu.wait_dma2 semaphore(%arg28 : memref<!tpu.dma_semaphore, #tpu.memory_space<semaphore_mem>>) src(%dma_wait3A_1093 : memref<26x128xf32, #tpu.memory_space<vmem>>) dst(%dma_wait3A_1090 : memref<26x128xf32, #tpu.memory_space<hbm>>)
      } else {
      }
      %add3A_462 = arith.constant 4 : i32
      %add3A_463 = arith.addi %add3A_456, %add3A_462 : i32
      %lt3A_464 = arith.constant 128 : i32
      %lt3A_465 = arith.cmpi slt, %add3A_463, %lt3A_464 : i32
      %convert_element_type3A_466 = arith.extui %lt3A_465 : i1 to i32
      %cond3A_467 = arith.constant 0 : i32
      %cond3A_468 = arith.cmpi ne, %convert_element_type3A_466, %cond3A_467 : i32
      scf.if %cond3A_468 {
        %add3A_1038 = arith.constant 4 : i32
        %add3A_1039 = arith.addi %add3A_456, %add3A_1038 : i32
        %dma_start3A_1040 = arith.constant 0 : i32
        %dma_start3A_1041 = tpu.memref_slice %arg5[%add3A_1039, %dma_start3A_1040] : memref<128x104xi32, #tpu.memory_space<vmem>> -> memref<1x104xi32, #tpu.memory_space<vmem>>
        %dma_start3A_1042 = tpu.memref_squeeze %dma_start3A_1041 : memref<1x104xi32, #tpu.memory_space<vmem>> -> memref<104xi32, #tpu.memory_space<vmem>>
        %dma_start3A_1043 = arith.constant 0 : i32
        %dma_start3A_1044 = arith.constant 0 : i32
        %dma_start3A_1045 = tpu.memref_slice %arg3[%dma_start3A_1043, %dma_start3A_1044] : memref<100000x128xf32, #tpu.memory_space<hbm>> -> memref<100000x128xf32, #tpu.memory_space<hbm>>
        tpu.enqueue_indirect_dma source(%dma_start3A_1045 : memref<100000x128xf32, #tpu.memory_space<hbm>>) target(%arg12 : memref<104x128xf32, #tpu.memory_space<vmem>>) offsets(%dma_start3A_1042 : memref<104xi32, #tpu.memory_space<vmem>>) semaphore(%arg20 : memref<!tpu.dma_semaphore, #tpu.memory_space<semaphore_mem>>)
      } else {
      }
      %dma_wait3A_469 = arith.constant 0 : i32
      %dma_wait3A_470 = arith.constant 0 : i32
      %dma_wait3A_471 = tpu.memref_slice %arg5[%dma_wait3A_469, %dma_wait3A_470] : memref<128x104xi32, #tpu.memory_space<vmem>> -> memref<1x104xi32, #tpu.memory_space<vmem>>
      %dma_wait3A_472 = tpu.memref_squeeze %dma_wait3A_471 : memref<1x104xi32, #tpu.memory_space<vmem>> -> memref<104xi32, #tpu.memory_space<vmem>>
      %dma_wait3A_473 = arith.constant 0 : i32
      %dma_wait3A_474 = arith.constant 0 : i32
      %dma_wait3A_475 = tpu.memref_slice %arg3[%dma_wait3A_473, %dma_wait3A_474] : memref<100000x128xf32, #tpu.memory_space<hbm>> -> memref<100000x128xf32, #tpu.memory_space<hbm>>
      tpu.wait_indirect_dma semaphore(%arg16 : memref<!tpu.dma_semaphore, #tpu.memory_space<semaphore_mem>>) src(%dma_wait3A_475 : memref<100000x128xf32, #tpu.memory_space<hbm>>) dst(%arg8 : memref<104x128xf32, #tpu.memory_space<vmem>>)
      %mul3A_476 = arith.constant 4 : i32
      %mul3A_477 = arith.muli %add3A_456, %mul3A_476 : i32
      %add3A_478 = arith.addi %mul3A_4, %mul3A_477 : i32
      %add3A_479 = arith.constant 0 : i32
      %add3A_480 = arith.addi %add3A_478, %add3A_479 : i32
      %dma_start3A_481 = arith.constant 0 : i32
      %dma_start3A_482 = arith.constant 0 : i32
      %dma_start3A_483 = tpu.memref_slice %arg8[%dma_start3A_481, %dma_start3A_482] : memref<104x128xf32, #tpu.memory_space<vmem>> -> memref<26x128xf32, #tpu.memory_space<vmem>>
      %dma_start3A_484 = arith.constant 0 : i32
      %dma_start3A_485 = arith.constant 0 : i32
      %dma_start3A_486 = tpu.memref_slice %arg4[%add3A_480, %dma_start3A_484, %dma_start3A_485] : memref<16384x26x128xf32, #tpu.memory_space<hbm>> -> memref<1x26x128xf32, #tpu.memory_space<hbm>>
      %dma_start3A_487 = tpu.memref_squeeze %dma_start3A_486 : memref<1x26x128xf32, #tpu.memory_space<hbm>> -> memref<26x128xf32, #tpu.memory_space<hbm>>
      %dma_start3A_488 = arith.constant 0 : i32
      %dma_start3A_489 = arith.constant 0 : i32
      %dma_start3A_490 = tpu.memref_slice %arg4[%add3A_480, %dma_start3A_488, %dma_start3A_489] : memref<16384x26x128xf32, #tpu.memory_space<hbm>> -> memref<1x26x128xf32, #tpu.memory_space<hbm>>
      %dma_start3A_491 = tpu.memref_squeeze %dma_start3A_490 : memref<1x26x128xf32, #tpu.memory_space<hbm>> -> memref<26x128xf32, #tpu.memory_space<hbm>>
      %dma_start3A_492 = arith.constant 0 : i32
      %dma_start3A_493 = arith.constant 0 : i32
      %dma_start3A_494 = tpu.memref_slice %arg8[%dma_start3A_492, %dma_start3A_493] : memref<104x128xf32, #tpu.memory_space<vmem>> -> memref<26x128xf32, #tpu.memory_space<vmem>>
      tpu.enqueue_dma source(%dma_start3A_494 : memref<26x128xf32, #tpu.memory_space<vmem>>) target(%dma_start3A_491 : memref<26x128xf32, #tpu.memory_space<hbm>>) target_semaphore(%arg24 : memref<!tpu.dma_semaphore, #tpu.memory_space<semaphore_mem>>)
      %mul3A_495 = arith.constant 4 : i32
      %mul3A_496 = arith.muli %add3A_456, %mul3A_495 : i32
      %add3A_497 = arith.addi %mul3A_4, %mul3A_496 : i32
      %add3A_498 = arith.constant 1 : i32
      %add3A_499 = arith.addi %add3A_497, %add3A_498 : i32
      %dma_start3A_500 = arith.constant 26 : i32
      %dma_start3A_501 = arith.constant 0 : i32
      %dma_start3A_502 = tpu.memref_slice %arg8[%dma_start3A_500, %dma_start3A_501] : memref<104x128xf32, #tpu.memory_space<vmem>> -> memref<26x128xf32, #tpu.memory_space<vmem>>
      %dma_start3A_503 = arith.constant 0 : i32
      %dma_start3A_504 = arith.constant 0 : i32
      %dma_start3A_505 = tpu.memref_slice %arg4[%add3A_499, %dma_start3A_503, %dma_start3A_504] : memref<16384x26x128xf32, #tpu.memory_space<hbm>> -> memref<1x26x128xf32, #tpu.memory_space<hbm>>
      %dma_start3A_506 = tpu.memref_squeeze %dma_start3A_505 : memref<1x26x128xf32, #tpu.memory_space<hbm>> -> memref<26x128xf32, #tpu.memory_space<hbm>>
      %dma_start3A_507 = arith.constant 0 : i32
      %dma_start3A_508 = arith.constant 0 : i32
      %dma_start3A_509 = tpu.memref_slice %arg4[%add3A_499, %dma_start3A_507, %dma_start3A_508] : memref<16384x26x128xf32, #tpu.memory_space<hbm>> -> memref<1x26x128xf32, #tpu.memory_space<hbm>>
      %dma_start3A_510 = tpu.memref_squeeze %dma_start3A_509 : memref<1x26x128xf32, #tpu.memory_space<hbm>> -> memref<26x128xf32, #tpu.memory_space<hbm>>
      %dma_start3A_511 = arith.constant 26 : i32
      %dma_start3A_512 = arith.constant 0 : i32
      %dma_start3A_513 = tpu.memref_slice %arg8[%dma_start3A_511, %dma_start3A_512] : memref<104x128xf32, #tpu.memory_space<vmem>> -> memref<26x128xf32, #tpu.memory_space<vmem>>
      tpu.enqueue_dma source(%dma_start3A_513 : memref<26x128xf32, #tpu.memory_space<vmem>>) target(%dma_start3A_510 : memref<26x128xf32, #tpu.memory_space<hbm>>) target_semaphore(%arg24 : memref<!tpu.dma_semaphore, #tpu.memory_space<semaphore_mem>>)
      %mul3A_514 = arith.constant 4 : i32
      %mul3A_515 = arith.muli %add3A_456, %mul3A_514 : i32
      %add3A_516 = arith.addi %mul3A_4, %mul3A_515 : i32
      %add3A_517 = arith.constant 2 : i32
      %add3A_518 = arith.addi %add3A_516, %add3A_517 : i32
      %dma_start3A_519 = arith.constant 52 : i32
      %dma_start3A_520 = arith.constant 0 : i32
      %dma_start3A_521 = tpu.memref_slice %arg8[%dma_start3A_519, %dma_start3A_520] : memref<104x128xf32, #tpu.memory_space<vmem>> -> memref<26x128xf32, #tpu.memory_space<vmem>>
      %dma_start3A_522 = arith.constant 0 : i32
      %dma_start3A_523 = arith.constant 0 : i32
      %dma_start3A_524 = tpu.memref_slice %arg4[%add3A_518, %dma_start3A_522, %dma_start3A_523] : memref<16384x26x128xf32, #tpu.memory_space<hbm>> -> memref<1x26x128xf32, #tpu.memory_space<hbm>>
      %dma_start3A_525 = tpu.memref_squeeze %dma_start3A_524 : memref<1x26x128xf32, #tpu.memory_space<hbm>> -> memref<26x128xf32, #tpu.memory_space<hbm>>
      %dma_start3A_526 = arith.constant 0 : i32
      %dma_start3A_527 = arith.constant 0 : i32
      %dma_start3A_528 = tpu.memref_slice %arg4[%add3A_518, %dma_start3A_526, %dma_start3A_527] : memref<16384x26x128xf32, #tpu.memory_space<hbm>> -> memref<1x26x128xf32, #tpu.memory_space<hbm>>
      %dma_start3A_529 = tpu.memref_squeeze %dma_start3A_528 : memref<1x26x128xf32, #tpu.memory_space<hbm>> -> memref<26x128xf32, #tpu.memory_space<hbm>>
      %dma_start3A_530 = arith.constant 52 : i32
      %dma_start3A_531 = arith.constant 0 : i32
      %dma_start3A_532 = tpu.memref_slice %arg8[%dma_start3A_530, %dma_start3A_531] : memref<104x128xf32, #tpu.memory_space<vmem>> -> memref<26x128xf32, #tpu.memory_space<vmem>>
      tpu.enqueue_dma source(%dma_start3A_532 : memref<26x128xf32, #tpu.memory_space<vmem>>) target(%dma_start3A_529 : memref<26x128xf32, #tpu.memory_space<hbm>>) target_semaphore(%arg24 : memref<!tpu.dma_semaphore, #tpu.memory_space<semaphore_mem>>)
      %mul3A_533 = arith.constant 4 : i32
      %mul3A_534 = arith.muli %add3A_456, %mul3A_533 : i32
      %add3A_535 = arith.addi %mul3A_4, %mul3A_534 : i32
      %add3A_536 = arith.constant 3 : i32
      %add3A_537 = arith.addi %add3A_535, %add3A_536 : i32
      %dma_start3A_538 = arith.constant 78 : i32
      %dma_start3A_539 = arith.constant 0 : i32
      %dma_start3A_540 = tpu.memref_slice %arg8[%dma_start3A_538, %dma_start3A_539] : memref<104x128xf32, #tpu.memory_space<vmem>> -> memref<26x128xf32, #tpu.memory_space<vmem>>
      %dma_start3A_541 = arith.constant 0 : i32
      %dma_start3A_542 = arith.constant 0 : i32
      %dma_start3A_543 = tpu.memref_slice %arg4[%add3A_537, %dma_start3A_541, %dma_start3A_542] : memref<16384x26x128xf32, #tpu.memory_space<hbm>> -> memref<1x26x128xf32, #tpu.memory_space<hbm>>
      %dma_start3A_544 = tpu.memref_squeeze %dma_start3A_543 : memref<1x26x128xf32, #tpu.memory_space<hbm>> -> memref<26x128xf32, #tpu.memory_space<hbm>>
      %dma_start3A_545 = arith.constant 0 : i32
      %dma_start3A_546 = arith.constant 0 : i32
      %dma_start3A_547 = tpu.memref_slice %arg4[%add3A_537, %dma_start3A_545, %dma_start3A_546] : memref<16384x26x128xf32, #tpu.memory_space<hbm>> -> memref<1x26x128xf32, #tpu.memory_space<hbm>>
      %dma_start3A_548 = tpu.memref_squeeze %dma_start3A_547 : memref<1x26x128xf32, #tpu.memory_space<hbm>> -> memref<26x128xf32, #tpu.memory_space<hbm>>
      %dma_start3A_549 = arith.constant 78 : i32
      %dma_start3A_550 = arith.constant 0 : i32
      %dma_start3A_551 = tpu.memref_slice %arg8[%dma_start3A_549, %dma_start3A_550] : memref<104x128xf32, #tpu.memory_space<vmem>> -> memref<26x128xf32, #tpu.memory_space<vmem>>
      tpu.enqueue_dma source(%dma_start3A_551 : memref<26x128xf32, #tpu.memory_space<vmem>>) target(%dma_start3A_548 : memref<26x128xf32, #tpu.memory_space<hbm>>) target_semaphore(%arg24 : memref<!tpu.dma_semaphore, #tpu.memory_space<semaphore_mem>>)
      %add3A_552 = arith.constant 3 : i32
      %add3A_553 = arith.addi %mul3A_264, %add3A_552 : i32
      %ge3A_554 = arith.constant 4 : i32
      %ge3A_555 = arith.cmpi sge, %add3A_553, %ge3A_554 : i32
      %convert_element_type3A_556 = arith.extui %ge3A_555 : i1 to i32
      %cond3A_557 = arith.constant 0 : i32
      %cond3A_558 = arith.cmpi ne, %convert_element_type3A_556, %cond3A_557 : i32
      scf.if %cond3A_558 {
        %dma_wait3A_1038 = arith.constant 0 : i32
        %dma_wait3A_1039 = arith.constant 0 : i32
        %dma_wait3A_1040 = tpu.memref_slice %arg13[%dma_wait3A_1038, %dma_wait3A_1039] : memref<104x128xf32, #tpu.memory_space<vmem>> -> memref<26x128xf32, #tpu.memory_space<vmem>>
        %dma_wait3A_1041 = arith.constant 0 : i32
        %dma_wait3A_1042 = arith.constant 0 : i32
        %dma_wait3A_1043 = tpu.memref_slice %arg4[%mul3A_4, %dma_wait3A_1041, %dma_wait3A_1042] : memref<16384x26x128xf32, #tpu.memory_space<hbm>> -> memref<1x26x128xf32, #tpu.memory_space<hbm>>
        %dma_wait3A_1044 = tpu.memref_squeeze %dma_wait3A_1043 : memref<1x26x128xf32, #tpu.memory_space<hbm>> -> memref<26x128xf32, #tpu.memory_space<hbm>>
        %dma_wait3A_1045 = arith.constant 0 : i32
        %dma_wait3A_1046 = arith.constant 0 : i32
        %dma_wait3A_1047 = tpu.memref_slice %arg4[%mul3A_4, %dma_wait3A_1045, %dma_wait3A_1046] : memref<16384x26x128xf32, #tpu.memory_space<hbm>> -> memref<1x26x128xf32, #tpu.memory_space<hbm>>
        %dma_wait3A_1048 = tpu.memref_squeeze %dma_wait3A_1047 : memref<1x26x128xf32, #tpu.memory_space<hbm>> -> memref<26x128xf32, #tpu.memory_space<hbm>>
        %dma_wait3A_1049 = arith.constant 0 : i32
        %dma_wait3A_1050 = arith.constant 0 : i32
        %dma_wait3A_1051 = tpu.memref_slice %arg13[%dma_wait3A_1049, %dma_wait3A_1050] : memref<104x128xf32, #tpu.memory_space<vmem>> -> memref<26x128xf32, #tpu.memory_space<vmem>>
        tpu.wait_dma2 semaphore(%arg29 : memref<!tpu.dma_semaphore, #tpu.memory_space<semaphore_mem>>) src(%dma_wait3A_1051 : memref<26x128xf32, #tpu.memory_space<vmem>>) dst(%dma_wait3A_1048 : memref<26x128xf32, #tpu.memory_space<hbm>>)
        %dma_wait3A_1052 = arith.constant 0 : i32
        %dma_wait3A_1053 = arith.constant 0 : i32
        %dma_wait3A_1054 = tpu.memref_slice %arg13[%dma_wait3A_1052, %dma_wait3A_1053] : memref<104x128xf32, #tpu.memory_space<vmem>> -> memref<26x128xf32, #tpu.memory_space<vmem>>
        %dma_wait3A_1055 = arith.constant 0 : i32
        %dma_wait3A_1056 = arith.constant 0 : i32
        %dma_wait3A_1057 = tpu.memref_slice %arg4[%mul3A_4, %dma_wait3A_1055, %dma_wait3A_1056] : memref<16384x26x128xf32, #tpu.memory_space<hbm>> -> memref<1x26x128xf32, #tpu.memory_space<hbm>>
        %dma_wait3A_1058 = tpu.memref_squeeze %dma_wait3A_1057 : memref<1x26x128xf32, #tpu.memory_space<hbm>> -> memref<26x128xf32, #tpu.memory_space<hbm>>
        %dma_wait3A_1059 = arith.constant 0 : i32
        %dma_wait3A_1060 = arith.constant 0 : i32
        %dma_wait3A_1061 = tpu.memref_slice %arg4[%mul3A_4, %dma_wait3A_1059, %dma_wait3A_1060] : memref<16384x26x128xf32, #tpu.memory_space<hbm>> -> memref<1x26x128xf32, #tpu.memory_space<hbm>>
        %dma_wait3A_1062 = tpu.memref_squeeze %dma_wait3A_1061 : memref<1x26x128xf32, #tpu.memory_space<hbm>> -> memref<26x128xf32, #tpu.memory_space<hbm>>
        %dma_wait3A_1063 = arith.constant 0 : i32
        %dma_wait3A_1064 = arith.constant 0 : i32
        %dma_wait3A_1065 = tpu.memref_slice %arg13[%dma_wait3A_1063, %dma_wait3A_1064] : memref<104x128xf32, #tpu.memory_space<vmem>> -> memref<26x128xf32, #tpu.memory_space<vmem>>
        tpu.wait_dma2 semaphore(%arg29 : memref<!tpu.dma_semaphore, #tpu.memory_space<semaphore_mem>>) src(%dma_wait3A_1065 : memref<26x128xf32, #tpu.memory_space<vmem>>) dst(%dma_wait3A_1062 : memref<26x128xf32, #tpu.memory_space<hbm>>)
        %dma_wait3A_1066 = arith.constant 0 : i32
        %dma_wait3A_1067 = arith.constant 0 : i32
        %dma_wait3A_1068 = tpu.memref_slice %arg13[%dma_wait3A_1066, %dma_wait3A_1067] : memref<104x128xf32, #tpu.memory_space<vmem>> -> memref<26x128xf32, #tpu.memory_space<vmem>>
        %dma_wait3A_1069 = arith.constant 0 : i32
        %dma_wait3A_1070 = arith.constant 0 : i32
        %dma_wait3A_1071 = tpu.memref_slice %arg4[%mul3A_4, %dma_wait3A_1069, %dma_wait3A_1070] : memref<16384x26x128xf32, #tpu.memory_space<hbm>> -> memref<1x26x128xf32, #tpu.memory_space<hbm>>
        %dma_wait3A_1072 = tpu.memref_squeeze %dma_wait3A_1071 : memref<1x26x128xf32, #tpu.memory_space<hbm>> -> memref<26x128xf32, #tpu.memory_space<hbm>>
        %dma_wait3A_1073 = arith.constant 0 : i32
        %dma_wait3A_1074 = arith.constant 0 : i32
        %dma_wait3A_1075 = tpu.memref_slice %arg4[%mul3A_4, %dma_wait3A_1073, %dma_wait3A_1074] : memref<16384x26x128xf32, #tpu.memory_space<hbm>> -> memref<1x26x128xf32, #tpu.memory_space<hbm>>
        %dma_wait3A_1076 = tpu.memref_squeeze %dma_wait3A_1075 : memref<1x26x128xf32, #tpu.memory_space<hbm>> -> memref<26x128xf32, #tpu.memory_space<hbm>>
        %dma_wait3A_1077 = arith.constant 0 : i32
        %dma_wait3A_1078 = arith.constant 0 : i32
        %dma_wait3A_1079 = tpu.memref_slice %arg13[%dma_wait3A_1077, %dma_wait3A_1078] : memref<104x128xf32, #tpu.memory_space<vmem>> -> memref<26x128xf32, #tpu.memory_space<vmem>>
        tpu.wait_dma2 semaphore(%arg29 : memref<!tpu.dma_semaphore, #tpu.memory_space<semaphore_mem>>) src(%dma_wait3A_1079 : memref<26x128xf32, #tpu.memory_space<vmem>>) dst(%dma_wait3A_1076 : memref<26x128xf32, #tpu.memory_space<hbm>>)
        %dma_wait3A_1080 = arith.constant 0 : i32
        %dma_wait3A_1081 = arith.constant 0 : i32
        %dma_wait3A_1082 = tpu.memref_slice %arg13[%dma_wait3A_1080, %dma_wait3A_1081] : memref<104x128xf32, #tpu.memory_space<vmem>> -> memref<26x128xf32, #tpu.memory_space<vmem>>
        %dma_wait3A_1083 = arith.constant 0 : i32
        %dma_wait3A_1084 = arith.constant 0 : i32
        %dma_wait3A_1085 = tpu.memref_slice %arg4[%mul3A_4, %dma_wait3A_1083, %dma_wait3A_1084] : memref<16384x26x128xf32, #tpu.memory_space<hbm>> -> memref<1x26x128xf32, #tpu.memory_space<hbm>>
        %dma_wait3A_1086 = tpu.memref_squeeze %dma_wait3A_1085 : memref<1x26x128xf32, #tpu.memory_space<hbm>> -> memref<26x128xf32, #tpu.memory_space<hbm>>
        %dma_wait3A_1087 = arith.constant 0 : i32
        %dma_wait3A_1088 = arith.constant 0 : i32
        %dma_wait3A_1089 = tpu.memref_slice %arg4[%mul3A_4, %dma_wait3A_1087, %dma_wait3A_1088] : memref<16384x26x128xf32, #tpu.memory_space<hbm>> -> memref<1x26x128xf32, #tpu.memory_space<hbm>>
        %dma_wait3A_1090 = tpu.memref_squeeze %dma_wait3A_1089 : memref<1x26x128xf32, #tpu.memory_space<hbm>> -> memref<26x128xf32, #tpu.memory_space<hbm>>
        %dma_wait3A_1091 = arith.constant 0 : i32
        %dma_wait3A_1092 = arith.constant 0 : i32
        %dma_wait3A_1093 = tpu.memref_slice %arg13[%dma_wait3A_1091, %dma_wait3A_1092] : memref<104x128xf32, #tpu.memory_space<vmem>> -> memref<26x128xf32, #tpu.memory_space<vmem>>
        tpu.wait_dma2 semaphore(%arg29 : memref<!tpu.dma_semaphore, #tpu.memory_space<semaphore_mem>>) src(%dma_wait3A_1093 : memref<26x128xf32, #tpu.memory_space<vmem>>) dst(%dma_wait3A_1090 : memref<26x128xf32, #tpu.memory_space<hbm>>)
      } else {
      }
      %add3A_559 = arith.constant 4 : i32
      %add3A_560 = arith.addi %add3A_553, %add3A_559 : i32
      %lt3A_561 = arith.constant 128 : i32
      %lt3A_562 = arith.cmpi slt, %add3A_560, %lt3A_561 : i32
      %convert_element_type3A_563 = arith.extui %lt3A_562 : i1 to i32
      %cond3A_564 = arith.constant 0 : i32
      %cond3A_565 = arith.cmpi ne, %convert_element_type3A_563, %cond3A_564 : i32
      scf.if %cond3A_565 {
        %add3A_1038 = arith.constant 4 : i32
        %add3A_1039 = arith.addi %add3A_553, %add3A_1038 : i32
        %dma_start3A_1040 = arith.constant 0 : i32
        %dma_start3A_1041 = tpu.memref_slice %arg5[%add3A_1039, %dma_start3A_1040] : memref<128x104xi32, #tpu.memory_space<vmem>> -> memref<1x104xi32, #tpu.memory_space<vmem>>
        %dma_start3A_1042 = tpu.memref_squeeze %dma_start3A_1041 : memref<1x104xi32, #tpu.memory_space<vmem>> -> memref<104xi32, #tpu.memory_space<vmem>>
        %dma_start3A_1043 = arith.constant 0 : i32
        %dma_start3A_1044 = arith.constant 0 : i32
        %dma_start3A_1045 = tpu.memref_slice %arg3[%dma_start3A_1043, %dma_start3A_1044] : memref<100000x128xf32, #tpu.memory_space<hbm>> -> memref<100000x128xf32, #tpu.memory_space<hbm>>
        tpu.enqueue_indirect_dma source(%dma_start3A_1045 : memref<100000x128xf32, #tpu.memory_space<hbm>>) target(%arg13 : memref<104x128xf32, #tpu.memory_space<vmem>>) offsets(%dma_start3A_1042 : memref<104xi32, #tpu.memory_space<vmem>>) semaphore(%arg21 : memref<!tpu.dma_semaphore, #tpu.memory_space<semaphore_mem>>)
      } else {
      }
      %dma_wait3A_566 = arith.constant 0 : i32
      %dma_wait3A_567 = arith.constant 0 : i32
      %dma_wait3A_568 = tpu.memref_slice %arg5[%dma_wait3A_566, %dma_wait3A_567] : memref<128x104xi32, #tpu.memory_space<vmem>> -> memref<1x104xi32, #tpu.memory_space<vmem>>
      %dma_wait3A_569 = tpu.memref_squeeze %dma_wait3A_568 : memref<1x104xi32, #tpu.memory_space<vmem>> -> memref<104xi32, #tpu.memory_space<vmem>>
      %dma_wait3A_570 = arith.constant 0 : i32
      %dma_wait3A_571 = arith.constant 0 : i32
      %dma_wait3A_572 = tpu.memref_slice %arg3[%dma_wait3A_570, %dma_wait3A_571] : memref<100000x128xf32, #tpu.memory_space<hbm>> -> memref<100000x128xf32, #tpu.memory_space<hbm>>
      tpu.wait_indirect_dma semaphore(%arg17 : memref<!tpu.dma_semaphore, #tpu.memory_space<semaphore_mem>>) src(%dma_wait3A_572 : memref<100000x128xf32, #tpu.memory_space<hbm>>) dst(%arg9 : memref<104x128xf32, #tpu.memory_space<vmem>>)
      %mul3A_573 = arith.constant 4 : i32
      %mul3A_574 = arith.muli %add3A_553, %mul3A_573 : i32
      %add3A_575 = arith.addi %mul3A_4, %mul3A_574 : i32
      %add3A_576 = arith.constant 0 : i32
      %add3A_577 = arith.addi %add3A_575, %add3A_576 : i32
      %dma_start3A_578 = arith.constant 0 : i32
      %dma_start3A_579 = arith.constant 0 : i32
      %dma_start3A_580 = tpu.memref_slice %arg9[%dma_start3A_578, %dma_start3A_579] : memref<104x128xf32, #tpu.memory_space<vmem>> -> memref<26x128xf32, #tpu.memory_space<vmem>>
      %dma_start3A_581 = arith.constant 0 : i32
      %dma_start3A_582 = arith.constant 0 : i32
      %dma_start3A_583 = tpu.memref_slice %arg4[%add3A_577, %dma_start3A_581, %dma_start3A_582] : memref<16384x26x128xf32, #tpu.memory_space<hbm>> -> memref<1x26x128xf32, #tpu.memory_space<hbm>>
      %dma_start3A_584 = tpu.memref_squeeze %dma_start3A_583 : memref<1x26x128xf32, #tpu.memory_space<hbm>> -> memref<26x128xf32, #tpu.memory_space<hbm>>
      %dma_start3A_585 = arith.constant 0 : i32
      %dma_start3A_586 = arith.constant 0 : i32
      %dma_start3A_587 = tpu.memref_slice %arg4[%add3A_577, %dma_start3A_585, %dma_start3A_586] : memref<16384x26x128xf32, #tpu.memory_space<hbm>> -> memref<1x26x128xf32, #tpu.memory_space<hbm>>
      %dma_start3A_588 = tpu.memref_squeeze %dma_start3A_587 : memref<1x26x128xf32, #tpu.memory_space<hbm>> -> memref<26x128xf32, #tpu.memory_space<hbm>>
      %dma_start3A_589 = arith.constant 0 : i32
      %dma_start3A_590 = arith.constant 0 : i32
      %dma_start3A_591 = tpu.memref_slice %arg9[%dma_start3A_589, %dma_start3A_590] : memref<104x128xf32, #tpu.memory_space<vmem>> -> memref<26x128xf32, #tpu.memory_space<vmem>>
      tpu.enqueue_dma source(%dma_start3A_591 : memref<26x128xf32, #tpu.memory_space<vmem>>) target(%dma_start3A_588 : memref<26x128xf32, #tpu.memory_space<hbm>>) target_semaphore(%arg25 : memref<!tpu.dma_semaphore, #tpu.memory_space<semaphore_mem>>)
      %mul3A_592 = arith.constant 4 : i32
      %mul3A_593 = arith.muli %add3A_553, %mul3A_592 : i32
      %add3A_594 = arith.addi %mul3A_4, %mul3A_593 : i32
      %add3A_595 = arith.constant 1 : i32
      %add3A_596 = arith.addi %add3A_594, %add3A_595 : i32
      %dma_start3A_597 = arith.constant 26 : i32
      %dma_start3A_598 = arith.constant 0 : i32
      %dma_start3A_599 = tpu.memref_slice %arg9[%dma_start3A_597, %dma_start3A_598] : memref<104x128xf32, #tpu.memory_space<vmem>> -> memref<26x128xf32, #tpu.memory_space<vmem>>
      %dma_start3A_600 = arith.constant 0 : i32
      %dma_start3A_601 = arith.constant 0 : i32
      %dma_start3A_602 = tpu.memref_slice %arg4[%add3A_596, %dma_start3A_600, %dma_start3A_601] : memref<16384x26x128xf32, #tpu.memory_space<hbm>> -> memref<1x26x128xf32, #tpu.memory_space<hbm>>
      %dma_start3A_603 = tpu.memref_squeeze %dma_start3A_602 : memref<1x26x128xf32, #tpu.memory_space<hbm>> -> memref<26x128xf32, #tpu.memory_space<hbm>>
      %dma_start3A_604 = arith.constant 0 : i32
      %dma_start3A_605 = arith.constant 0 : i32
      %dma_start3A_606 = tpu.memref_slice %arg4[%add3A_596, %dma_start3A_604, %dma_start3A_605] : memref<16384x26x128xf32, #tpu.memory_space<hbm>> -> memref<1x26x128xf32, #tpu.memory_space<hbm>>
      %dma_start3A_607 = tpu.memref_squeeze %dma_start3A_606 : memref<1x26x128xf32, #tpu.memory_space<hbm>> -> memref<26x128xf32, #tpu.memory_space<hbm>>
      %dma_start3A_608 = arith.constant 26 : i32
      %dma_start3A_609 = arith.constant 0 : i32
      %dma_start3A_610 = tpu.memref_slice %arg9[%dma_start3A_608, %dma_start3A_609] : memref<104x128xf32, #tpu.memory_space<vmem>> -> memref<26x128xf32, #tpu.memory_space<vmem>>
      tpu.enqueue_dma source(%dma_start3A_610 : memref<26x128xf32, #tpu.memory_space<vmem>>) target(%dma_start3A_607 : memref<26x128xf32, #tpu.memory_space<hbm>>) target_semaphore(%arg25 : memref<!tpu.dma_semaphore, #tpu.memory_space<semaphore_mem>>)
      %mul3A_611 = arith.constant 4 : i32
      %mul3A_612 = arith.muli %add3A_553, %mul3A_611 : i32
      %add3A_613 = arith.addi %mul3A_4, %mul3A_612 : i32
      %add3A_614 = arith.constant 2 : i32
      %add3A_615 = arith.addi %add3A_613, %add3A_614 : i32
      %dma_start3A_616 = arith.constant 52 : i32
      %dma_start3A_617 = arith.constant 0 : i32
      %dma_start3A_618 = tpu.memref_slice %arg9[%dma_start3A_616, %dma_start3A_617] : memref<104x128xf32, #tpu.memory_space<vmem>> -> memref<26x128xf32, #tpu.memory_space<vmem>>
      %dma_start3A_619 = arith.constant 0 : i32
      %dma_start3A_620 = arith.constant 0 : i32
      %dma_start3A_621 = tpu.memref_slice %arg4[%add3A_615, %dma_start3A_619, %dma_start3A_620] : memref<16384x26x128xf32, #tpu.memory_space<hbm>> -> memref<1x26x128xf32, #tpu.memory_space<hbm>>
      %dma_start3A_622 = tpu.memref_squeeze %dma_start3A_621 : memref<1x26x128xf32, #tpu.memory_space<hbm>> -> memref<26x128xf32, #tpu.memory_space<hbm>>
      %dma_start3A_623 = arith.constant 0 : i32
      %dma_start3A_624 = arith.constant 0 : i32
      %dma_start3A_625 = tpu.memref_slice %arg4[%add3A_615, %dma_start3A_623, %dma_start3A_624] : memref<16384x26x128xf32, #tpu.memory_space<hbm>> -> memref<1x26x128xf32, #tpu.memory_space<hbm>>
      %dma_start3A_626 = tpu.memref_squeeze %dma_start3A_625 : memref<1x26x128xf32, #tpu.memory_space<hbm>> -> memref<26x128xf32, #tpu.memory_space<hbm>>
      %dma_start3A_627 = arith.constant 52 : i32
      %dma_start3A_628 = arith.constant 0 : i32
      %dma_start3A_629 = tpu.memref_slice %arg9[%dma_start3A_627, %dma_start3A_628] : memref<104x128xf32, #tpu.memory_space<vmem>> -> memref<26x128xf32, #tpu.memory_space<vmem>>
      tpu.enqueue_dma source(%dma_start3A_629 : memref<26x128xf32, #tpu.memory_space<vmem>>) target(%dma_start3A_626 : memref<26x128xf32, #tpu.memory_space<hbm>>) target_semaphore(%arg25 : memref<!tpu.dma_semaphore, #tpu.memory_space<semaphore_mem>>)
      %mul3A_630 = arith.constant 4 : i32
      %mul3A_631 = arith.muli %add3A_553, %mul3A_630 : i32
      %add3A_632 = arith.addi %mul3A_4, %mul3A_631 : i32
      %add3A_633 = arith.constant 3 : i32
      %add3A_634 = arith.addi %add3A_632, %add3A_633 : i32
      %dma_start3A_635 = arith.constant 78 : i32
      %dma_start3A_636 = arith.constant 0 : i32
      %dma_start3A_637 = tpu.memref_slice %arg9[%dma_start3A_635, %dma_start3A_636] : memref<104x128xf32, #tpu.memory_space<vmem>> -> memref<26x128xf32, #tpu.memory_space<vmem>>
      %dma_start3A_638 = arith.constant 0 : i32
      %dma_start3A_639 = arith.constant 0 : i32
      %dma_start3A_640 = tpu.memref_slice %arg4[%add3A_634, %dma_start3A_638, %dma_start3A_639] : memref<16384x26x128xf32, #tpu.memory_space<hbm>> -> memref<1x26x128xf32, #tpu.memory_space<hbm>>
      %dma_start3A_641 = tpu.memref_squeeze %dma_start3A_640 : memref<1x26x128xf32, #tpu.memory_space<hbm>> -> memref<26x128xf32, #tpu.memory_space<hbm>>
      %dma_start3A_642 = arith.constant 0 : i32
      %dma_start3A_643 = arith.constant 0 : i32
      %dma_start3A_644 = tpu.memref_slice %arg4[%add3A_634, %dma_start3A_642, %dma_start3A_643] : memref<16384x26x128xf32, #tpu.memory_space<hbm>> -> memref<1x26x128xf32, #tpu.memory_space<hbm>>
      %dma_start3A_645 = tpu.memref_squeeze %dma_start3A_644 : memref<1x26x128xf32, #tpu.memory_space<hbm>> -> memref<26x128xf32, #tpu.memory_space<hbm>>
      %dma_start3A_646 = arith.constant 78 : i32
      %dma_start3A_647 = arith.constant 0 : i32
      %dma_start3A_648 = tpu.memref_slice %arg9[%dma_start3A_646, %dma_start3A_647] : memref<104x128xf32, #tpu.memory_space<vmem>> -> memref<26x128xf32, #tpu.memory_space<vmem>>
      tpu.enqueue_dma source(%dma_start3A_648 : memref<26x128xf32, #tpu.memory_space<vmem>>) target(%dma_start3A_645 : memref<26x128xf32, #tpu.memory_space<hbm>>) target_semaphore(%arg25 : memref<!tpu.dma_semaphore, #tpu.memory_space<semaphore_mem>>)
      %add3A_649 = arith.constant 4 : i32
      %add3A_650 = arith.addi %mul3A_264, %add3A_649 : i32
      %ge3A_651 = arith.constant 4 : i32
      %ge3A_652 = arith.cmpi sge, %add3A_650, %ge3A_651 : i32
      %convert_element_type3A_653 = arith.extui %ge3A_652 : i1 to i32
      %cond3A_654 = arith.constant 0 : i32
      %cond3A_655 = arith.cmpi ne, %convert_element_type3A_653, %cond3A_654 : i32
      scf.if %cond3A_655 {
        %dma_wait3A_1038 = arith.constant 0 : i32
        %dma_wait3A_1039 = arith.constant 0 : i32
        %dma_wait3A_1040 = tpu.memref_slice %arg6[%dma_wait3A_1038, %dma_wait3A_1039] : memref<104x128xf32, #tpu.memory_space<vmem>> -> memref<26x128xf32, #tpu.memory_space<vmem>>
        %dma_wait3A_1041 = arith.constant 0 : i32
        %dma_wait3A_1042 = arith.constant 0 : i32
        %dma_wait3A_1043 = tpu.memref_slice %arg4[%mul3A_4, %dma_wait3A_1041, %dma_wait3A_1042] : memref<16384x26x128xf32, #tpu.memory_space<hbm>> -> memref<1x26x128xf32, #tpu.memory_space<hbm>>
        %dma_wait3A_1044 = tpu.memref_squeeze %dma_wait3A_1043 : memref<1x26x128xf32, #tpu.memory_space<hbm>> -> memref<26x128xf32, #tpu.memory_space<hbm>>
        %dma_wait3A_1045 = arith.constant 0 : i32
        %dma_wait3A_1046 = arith.constant 0 : i32
        %dma_wait3A_1047 = tpu.memref_slice %arg4[%mul3A_4, %dma_wait3A_1045, %dma_wait3A_1046] : memref<16384x26x128xf32, #tpu.memory_space<hbm>> -> memref<1x26x128xf32, #tpu.memory_space<hbm>>
        %dma_wait3A_1048 = tpu.memref_squeeze %dma_wait3A_1047 : memref<1x26x128xf32, #tpu.memory_space<hbm>> -> memref<26x128xf32, #tpu.memory_space<hbm>>
        %dma_wait3A_1049 = arith.constant 0 : i32
        %dma_wait3A_1050 = arith.constant 0 : i32
        %dma_wait3A_1051 = tpu.memref_slice %arg6[%dma_wait3A_1049, %dma_wait3A_1050] : memref<104x128xf32, #tpu.memory_space<vmem>> -> memref<26x128xf32, #tpu.memory_space<vmem>>
        tpu.wait_dma2 semaphore(%arg22 : memref<!tpu.dma_semaphore, #tpu.memory_space<semaphore_mem>>) src(%dma_wait3A_1051 : memref<26x128xf32, #tpu.memory_space<vmem>>) dst(%dma_wait3A_1048 : memref<26x128xf32, #tpu.memory_space<hbm>>)
        %dma_wait3A_1052 = arith.constant 0 : i32
        %dma_wait3A_1053 = arith.constant 0 : i32
        %dma_wait3A_1054 = tpu.memref_slice %arg6[%dma_wait3A_1052, %dma_wait3A_1053] : memref<104x128xf32, #tpu.memory_space<vmem>> -> memref<26x128xf32, #tpu.memory_space<vmem>>
        %dma_wait3A_1055 = arith.constant 0 : i32
        %dma_wait3A_1056 = arith.constant 0 : i32
        %dma_wait3A_1057 = tpu.memref_slice %arg4[%mul3A_4, %dma_wait3A_1055, %dma_wait3A_1056] : memref<16384x26x128xf32, #tpu.memory_space<hbm>> -> memref<1x26x128xf32, #tpu.memory_space<hbm>>
        %dma_wait3A_1058 = tpu.memref_squeeze %dma_wait3A_1057 : memref<1x26x128xf32, #tpu.memory_space<hbm>> -> memref<26x128xf32, #tpu.memory_space<hbm>>
        %dma_wait3A_1059 = arith.constant 0 : i32
        %dma_wait3A_1060 = arith.constant 0 : i32
        %dma_wait3A_1061 = tpu.memref_slice %arg4[%mul3A_4, %dma_wait3A_1059, %dma_wait3A_1060] : memref<16384x26x128xf32, #tpu.memory_space<hbm>> -> memref<1x26x128xf32, #tpu.memory_space<hbm>>
        %dma_wait3A_1062 = tpu.memref_squeeze %dma_wait3A_1061 : memref<1x26x128xf32, #tpu.memory_space<hbm>> -> memref<26x128xf32, #tpu.memory_space<hbm>>
        %dma_wait3A_1063 = arith.constant 0 : i32
        %dma_wait3A_1064 = arith.constant 0 : i32
        %dma_wait3A_1065 = tpu.memref_slice %arg6[%dma_wait3A_1063, %dma_wait3A_1064] : memref<104x128xf32, #tpu.memory_space<vmem>> -> memref<26x128xf32, #tpu.memory_space<vmem>>
        tpu.wait_dma2 semaphore(%arg22 : memref<!tpu.dma_semaphore, #tpu.memory_space<semaphore_mem>>) src(%dma_wait3A_1065 : memref<26x128xf32, #tpu.memory_space<vmem>>) dst(%dma_wait3A_1062 : memref<26x128xf32, #tpu.memory_space<hbm>>)
        %dma_wait3A_1066 = arith.constant 0 : i32
        %dma_wait3A_1067 = arith.constant 0 : i32
        %dma_wait3A_1068 = tpu.memref_slice %arg6[%dma_wait3A_1066, %dma_wait3A_1067] : memref<104x128xf32, #tpu.memory_space<vmem>> -> memref<26x128xf32, #tpu.memory_space<vmem>>
        %dma_wait3A_1069 = arith.constant 0 : i32
        %dma_wait3A_1070 = arith.constant 0 : i32
        %dma_wait3A_1071 = tpu.memref_slice %arg4[%mul3A_4, %dma_wait3A_1069, %dma_wait3A_1070] : memref<16384x26x128xf32, #tpu.memory_space<hbm>> -> memref<1x26x128xf32, #tpu.memory_space<hbm>>
        %dma_wait3A_1072 = tpu.memref_squeeze %dma_wait3A_1071 : memref<1x26x128xf32, #tpu.memory_space<hbm>> -> memref<26x128xf32, #tpu.memory_space<hbm>>
        %dma_wait3A_1073 = arith.constant 0 : i32
        %dma_wait3A_1074 = arith.constant 0 : i32
        %dma_wait3A_1075 = tpu.memref_slice %arg4[%mul3A_4, %dma_wait3A_1073, %dma_wait3A_1074] : memref<16384x26x128xf32, #tpu.memory_space<hbm>> -> memref<1x26x128xf32, #tpu.memory_space<hbm>>
        %dma_wait3A_1076 = tpu.memref_squeeze %dma_wait3A_1075 : memref<1x26x128xf32, #tpu.memory_space<hbm>> -> memref<26x128xf32, #tpu.memory_space<hbm>>
        %dma_wait3A_1077 = arith.constant 0 : i32
        %dma_wait3A_1078 = arith.constant 0 : i32
        %dma_wait3A_1079 = tpu.memref_slice %arg6[%dma_wait3A_1077, %dma_wait3A_1078] : memref<104x128xf32, #tpu.memory_space<vmem>> -> memref<26x128xf32, #tpu.memory_space<vmem>>
        tpu.wait_dma2 semaphore(%arg22 : memref<!tpu.dma_semaphore, #tpu.memory_space<semaphore_mem>>) src(%dma_wait3A_1079 : memref<26x128xf32, #tpu.memory_space<vmem>>) dst(%dma_wait3A_1076 : memref<26x128xf32, #tpu.memory_space<hbm>>)
        %dma_wait3A_1080 = arith.constant 0 : i32
        %dma_wait3A_1081 = arith.constant 0 : i32
        %dma_wait3A_1082 = tpu.memref_slice %arg6[%dma_wait3A_1080, %dma_wait3A_1081] : memref<104x128xf32, #tpu.memory_space<vmem>> -> memref<26x128xf32, #tpu.memory_space<vmem>>
        %dma_wait3A_1083 = arith.constant 0 : i32
        %dma_wait3A_1084 = arith.constant 0 : i32
        %dma_wait3A_1085 = tpu.memref_slice %arg4[%mul3A_4, %dma_wait3A_1083, %dma_wait3A_1084] : memref<16384x26x128xf32, #tpu.memory_space<hbm>> -> memref<1x26x128xf32, #tpu.memory_space<hbm>>
        %dma_wait3A_1086 = tpu.memref_squeeze %dma_wait3A_1085 : memref<1x26x128xf32, #tpu.memory_space<hbm>> -> memref<26x128xf32, #tpu.memory_space<hbm>>
        %dma_wait3A_1087 = arith.constant 0 : i32
        %dma_wait3A_1088 = arith.constant 0 : i32
        %dma_wait3A_1089 = tpu.memref_slice %arg4[%mul3A_4, %dma_wait3A_1087, %dma_wait3A_1088] : memref<16384x26x128xf32, #tpu.memory_space<hbm>> -> memref<1x26x128xf32, #tpu.memory_space<hbm>>
        %dma_wait3A_1090 = tpu.memref_squeeze %dma_wait3A_1089 : memref<1x26x128xf32, #tpu.memory_space<hbm>> -> memref<26x128xf32, #tpu.memory_space<hbm>>
        %dma_wait3A_1091 = arith.constant 0 : i32
        %dma_wait3A_1092 = arith.constant 0 : i32
        %dma_wait3A_1093 = tpu.memref_slice %arg6[%dma_wait3A_1091, %dma_wait3A_1092] : memref<104x128xf32, #tpu.memory_space<vmem>> -> memref<26x128xf32, #tpu.memory_space<vmem>>
        tpu.wait_dma2 semaphore(%arg22 : memref<!tpu.dma_semaphore, #tpu.memory_space<semaphore_mem>>) src(%dma_wait3A_1093 : memref<26x128xf32, #tpu.memory_space<vmem>>) dst(%dma_wait3A_1090 : memref<26x128xf32, #tpu.memory_space<hbm>>)
      } else {
      }
      %add3A_656 = arith.constant 4 : i32
      %add3A_657 = arith.addi %add3A_650, %add3A_656 : i32
      %lt3A_658 = arith.constant 128 : i32
      %lt3A_659 = arith.cmpi slt, %add3A_657, %lt3A_658 : i32
      %convert_element_type3A_660 = arith.extui %lt3A_659 : i1 to i32
      %cond3A_661 = arith.constant 0 : i32
      %cond3A_662 = arith.cmpi ne, %convert_element_type3A_660, %cond3A_661 : i32
      scf.if %cond3A_662 {
        %add3A_1038 = arith.constant 4 : i32
        %add3A_1039 = arith.addi %add3A_650, %add3A_1038 : i32
        %dma_start3A_1040 = arith.constant 0 : i32
        %dma_start3A_1041 = tpu.memref_slice %arg5[%add3A_1039, %dma_start3A_1040] : memref<128x104xi32, #tpu.memory_space<vmem>> -> memref<1x104xi32, #tpu.memory_space<vmem>>
        %dma_start3A_1042 = tpu.memref_squeeze %dma_start3A_1041 : memref<1x104xi32, #tpu.memory_space<vmem>> -> memref<104xi32, #tpu.memory_space<vmem>>
        %dma_start3A_1043 = arith.constant 0 : i32
        %dma_start3A_1044 = arith.constant 0 : i32
        %dma_start3A_1045 = tpu.memref_slice %arg3[%dma_start3A_1043, %dma_start3A_1044] : memref<100000x128xf32, #tpu.memory_space<hbm>> -> memref<100000x128xf32, #tpu.memory_space<hbm>>
        tpu.enqueue_indirect_dma source(%dma_start3A_1045 : memref<100000x128xf32, #tpu.memory_space<hbm>>) target(%arg6 : memref<104x128xf32, #tpu.memory_space<vmem>>) offsets(%dma_start3A_1042 : memref<104xi32, #tpu.memory_space<vmem>>) semaphore(%arg14 : memref<!tpu.dma_semaphore, #tpu.memory_space<semaphore_mem>>)
      } else {
      }
      %dma_wait3A_663 = arith.constant 0 : i32
      %dma_wait3A_664 = arith.constant 0 : i32
      %dma_wait3A_665 = tpu.memref_slice %arg5[%dma_wait3A_663, %dma_wait3A_664] : memref<128x104xi32, #tpu.memory_space<vmem>> -> memref<1x104xi32, #tpu.memory_space<vmem>>
      %dma_wait3A_666 = tpu.memref_squeeze %dma_wait3A_665 : memref<1x104xi32, #tpu.memory_space<vmem>> -> memref<104xi32, #tpu.memory_space<vmem>>
      %dma_wait3A_667 = arith.constant 0 : i32
      %dma_wait3A_668 = arith.constant 0 : i32
      %dma_wait3A_669 = tpu.memref_slice %arg3[%dma_wait3A_667, %dma_wait3A_668] : memref<100000x128xf32, #tpu.memory_space<hbm>> -> memref<100000x128xf32, #tpu.memory_space<hbm>>
      tpu.wait_indirect_dma semaphore(%arg18 : memref<!tpu.dma_semaphore, #tpu.memory_space<semaphore_mem>>) src(%dma_wait3A_669 : memref<100000x128xf32, #tpu.memory_space<hbm>>) dst(%arg10 : memref<104x128xf32, #tpu.memory_space<vmem>>)
      %mul3A_670 = arith.constant 4 : i32
      %mul3A_671 = arith.muli %add3A_650, %mul3A_670 : i32
      %add3A_672 = arith.addi %mul3A_4, %mul3A_671 : i32
      %add3A_673 = arith.constant 0 : i32
      %add3A_674 = arith.addi %add3A_672, %add3A_673 : i32
      %dma_start3A_675 = arith.constant 0 : i32
      %dma_start3A_676 = arith.constant 0 : i32
      %dma_start3A_677 = tpu.memref_slice %arg10[%dma_start3A_675, %dma_start3A_676] : memref<104x128xf32, #tpu.memory_space<vmem>> -> memref<26x128xf32, #tpu.memory_space<vmem>>
      %dma_start3A_678 = arith.constant 0 : i32
      %dma_start3A_679 = arith.constant 0 : i32
      %dma_start3A_680 = tpu.memref_slice %arg4[%add3A_674, %dma_start3A_678, %dma_start3A_679] : memref<16384x26x128xf32, #tpu.memory_space<hbm>> -> memref<1x26x128xf32, #tpu.memory_space<hbm>>
      %dma_start3A_681 = tpu.memref_squeeze %dma_start3A_680 : memref<1x26x128xf32, #tpu.memory_space<hbm>> -> memref<26x128xf32, #tpu.memory_space<hbm>>
      %dma_start3A_682 = arith.constant 0 : i32
      %dma_start3A_683 = arith.constant 0 : i32
      %dma_start3A_684 = tpu.memref_slice %arg4[%add3A_674, %dma_start3A_682, %dma_start3A_683] : memref<16384x26x128xf32, #tpu.memory_space<hbm>> -> memref<1x26x128xf32, #tpu.memory_space<hbm>>
      %dma_start3A_685 = tpu.memref_squeeze %dma_start3A_684 : memref<1x26x128xf32, #tpu.memory_space<hbm>> -> memref<26x128xf32, #tpu.memory_space<hbm>>
      %dma_start3A_686 = arith.constant 0 : i32
      %dma_start3A_687 = arith.constant 0 : i32
      %dma_start3A_688 = tpu.memref_slice %arg10[%dma_start3A_686, %dma_start3A_687] : memref<104x128xf32, #tpu.memory_space<vmem>> -> memref<26x128xf32, #tpu.memory_space<vmem>>
      tpu.enqueue_dma source(%dma_start3A_688 : memref<26x128xf32, #tpu.memory_space<vmem>>) target(%dma_start3A_685 : memref<26x128xf32, #tpu.memory_space<hbm>>) target_semaphore(%arg26 : memref<!tpu.dma_semaphore, #tpu.memory_space<semaphore_mem>>)
      %mul3A_689 = arith.constant 4 : i32
      %mul3A_690 = arith.muli %add3A_650, %mul3A_689 : i32
      %add3A_691 = arith.addi %mul3A_4, %mul3A_690 : i32
      %add3A_692 = arith.constant 1 : i32
      %add3A_693 = arith.addi %add3A_691, %add3A_692 : i32
      %dma_start3A_694 = arith.constant 26 : i32
      %dma_start3A_695 = arith.constant 0 : i32
      %dma_start3A_696 = tpu.memref_slice %arg10[%dma_start3A_694, %dma_start3A_695] : memref<104x128xf32, #tpu.memory_space<vmem>> -> memref<26x128xf32, #tpu.memory_space<vmem>>
      %dma_start3A_697 = arith.constant 0 : i32
      %dma_start3A_698 = arith.constant 0 : i32
      %dma_start3A_699 = tpu.memref_slice %arg4[%add3A_693, %dma_start3A_697, %dma_start3A_698] : memref<16384x26x128xf32, #tpu.memory_space<hbm>> -> memref<1x26x128xf32, #tpu.memory_space<hbm>>
      %dma_start3A_700 = tpu.memref_squeeze %dma_start3A_699 : memref<1x26x128xf32, #tpu.memory_space<hbm>> -> memref<26x128xf32, #tpu.memory_space<hbm>>
      %dma_start3A_701 = arith.constant 0 : i32
      %dma_start3A_702 = arith.constant 0 : i32
      %dma_start3A_703 = tpu.memref_slice %arg4[%add3A_693, %dma_start3A_701, %dma_start3A_702] : memref<16384x26x128xf32, #tpu.memory_space<hbm>> -> memref<1x26x128xf32, #tpu.memory_space<hbm>>
      %dma_start3A_704 = tpu.memref_squeeze %dma_start3A_703 : memref<1x26x128xf32, #tpu.memory_space<hbm>> -> memref<26x128xf32, #tpu.memory_space<hbm>>
      %dma_start3A_705 = arith.constant 26 : i32
      %dma_start3A_706 = arith.constant 0 : i32
      %dma_start3A_707 = tpu.memref_slice %arg10[%dma_start3A_705, %dma_start3A_706] : memref<104x128xf32, #tpu.memory_space<vmem>> -> memref<26x128xf32, #tpu.memory_space<vmem>>
      tpu.enqueue_dma source(%dma_start3A_707 : memref<26x128xf32, #tpu.memory_space<vmem>>) target(%dma_start3A_704 : memref<26x128xf32, #tpu.memory_space<hbm>>) target_semaphore(%arg26 : memref<!tpu.dma_semaphore, #tpu.memory_space<semaphore_mem>>)
      %mul3A_708 = arith.constant 4 : i32
      %mul3A_709 = arith.muli %add3A_650, %mul3A_708 : i32
      %add3A_710 = arith.addi %mul3A_4, %mul3A_709 : i32
      %add3A_711 = arith.constant 2 : i32
      %add3A_712 = arith.addi %add3A_710, %add3A_711 : i32
      %dma_start3A_713 = arith.constant 52 : i32
      %dma_start3A_714 = arith.constant 0 : i32
      %dma_start3A_715 = tpu.memref_slice %arg10[%dma_start3A_713, %dma_start3A_714] : memref<104x128xf32, #tpu.memory_space<vmem>> -> memref<26x128xf32, #tpu.memory_space<vmem>>
      %dma_start3A_716 = arith.constant 0 : i32
      %dma_start3A_717 = arith.constant 0 : i32
      %dma_start3A_718 = tpu.memref_slice %arg4[%add3A_712, %dma_start3A_716, %dma_start3A_717] : memref<16384x26x128xf32, #tpu.memory_space<hbm>> -> memref<1x26x128xf32, #tpu.memory_space<hbm>>
      %dma_start3A_719 = tpu.memref_squeeze %dma_start3A_718 : memref<1x26x128xf32, #tpu.memory_space<hbm>> -> memref<26x128xf32, #tpu.memory_space<hbm>>
      %dma_start3A_720 = arith.constant 0 : i32
      %dma_start3A_721 = arith.constant 0 : i32
      %dma_start3A_722 = tpu.memref_slice %arg4[%add3A_712, %dma_start3A_720, %dma_start3A_721] : memref<16384x26x128xf32, #tpu.memory_space<hbm>> -> memref<1x26x128xf32, #tpu.memory_space<hbm>>
      %dma_start3A_723 = tpu.memref_squeeze %dma_start3A_722 : memref<1x26x128xf32, #tpu.memory_space<hbm>> -> memref<26x128xf32, #tpu.memory_space<hbm>>
      %dma_start3A_724 = arith.constant 52 : i32
      %dma_start3A_725 = arith.constant 0 : i32
      %dma_start3A_726 = tpu.memref_slice %arg10[%dma_start3A_724, %dma_start3A_725] : memref<104x128xf32, #tpu.memory_space<vmem>> -> memref<26x128xf32, #tpu.memory_space<vmem>>
      tpu.enqueue_dma source(%dma_start3A_726 : memref<26x128xf32, #tpu.memory_space<vmem>>) target(%dma_start3A_723 : memref<26x128xf32, #tpu.memory_space<hbm>>) target_semaphore(%arg26 : memref<!tpu.dma_semaphore, #tpu.memory_space<semaphore_mem>>)
      %mul3A_727 = arith.constant 4 : i32
      %mul3A_728 = arith.muli %add3A_650, %mul3A_727 : i32
      %add3A_729 = arith.addi %mul3A_4, %mul3A_728 : i32
      %add3A_730 = arith.constant 3 : i32
      %add3A_731 = arith.addi %add3A_729, %add3A_730 : i32
      %dma_start3A_732 = arith.constant 78 : i32
      %dma_start3A_733 = arith.constant 0 : i32
      %dma_start3A_734 = tpu.memref_slice %arg10[%dma_start3A_732, %dma_start3A_733] : memref<104x128xf32, #tpu.memory_space<vmem>> -> memref<26x128xf32, #tpu.memory_space<vmem>>
      %dma_start3A_735 = arith.constant 0 : i32
      %dma_start3A_736 = arith.constant 0 : i32
      %dma_start3A_737 = tpu.memref_slice %arg4[%add3A_731, %dma_start3A_735, %dma_start3A_736] : memref<16384x26x128xf32, #tpu.memory_space<hbm>> -> memref<1x26x128xf32, #tpu.memory_space<hbm>>
      %dma_start3A_738 = tpu.memref_squeeze %dma_start3A_737 : memref<1x26x128xf32, #tpu.memory_space<hbm>> -> memref<26x128xf32, #tpu.memory_space<hbm>>
      %dma_start3A_739 = arith.constant 0 : i32
      %dma_start3A_740 = arith.constant 0 : i32
      %dma_start3A_741 = tpu.memref_slice %arg4[%add3A_731, %dma_start3A_739, %dma_start3A_740] : memref<16384x26x128xf32, #tpu.memory_space<hbm>> -> memref<1x26x128xf32, #tpu.memory_space<hbm>>
      %dma_start3A_742 = tpu.memref_squeeze %dma_start3A_741 : memref<1x26x128xf32, #tpu.memory_space<hbm>> -> memref<26x128xf32, #tpu.memory_space<hbm>>
      %dma_start3A_743 = arith.constant 78 : i32
      %dma_start3A_744 = arith.constant 0 : i32
      %dma_start3A_745 = tpu.memref_slice %arg10[%dma_start3A_743, %dma_start3A_744] : memref<104x128xf32, #tpu.memory_space<vmem>> -> memref<26x128xf32, #tpu.memory_space<vmem>>
      tpu.enqueue_dma source(%dma_start3A_745 : memref<26x128xf32, #tpu.memory_space<vmem>>) target(%dma_start3A_742 : memref<26x128xf32, #tpu.memory_space<hbm>>) target_semaphore(%arg26 : memref<!tpu.dma_semaphore, #tpu.memory_space<semaphore_mem>>)
      %add3A_746 = arith.constant 5 : i32
      %add3A_747 = arith.addi %mul3A_264, %add3A_746 : i32
      %ge3A_748 = arith.constant 4 : i32
      %ge3A_749 = arith.cmpi sge, %add3A_747, %ge3A_748 : i32
      %convert_element_type3A_750 = arith.extui %ge3A_749 : i1 to i32
      %cond3A_751 = arith.constant 0 : i32
      %cond3A_752 = arith.cmpi ne, %convert_element_type3A_750, %cond3A_751 : i32
      scf.if %cond3A_752 {
        %dma_wait3A_1038 = arith.constant 0 : i32
        %dma_wait3A_1039 = arith.constant 0 : i32
        %dma_wait3A_1040 = tpu.memref_slice %arg7[%dma_wait3A_1038, %dma_wait3A_1039] : memref<104x128xf32, #tpu.memory_space<vmem>> -> memref<26x128xf32, #tpu.memory_space<vmem>>
        %dma_wait3A_1041 = arith.constant 0 : i32
        %dma_wait3A_1042 = arith.constant 0 : i32
        %dma_wait3A_1043 = tpu.memref_slice %arg4[%mul3A_4, %dma_wait3A_1041, %dma_wait3A_1042] : memref<16384x26x128xf32, #tpu.memory_space<hbm>> -> memref<1x26x128xf32, #tpu.memory_space<hbm>>
        %dma_wait3A_1044 = tpu.memref_squeeze %dma_wait3A_1043 : memref<1x26x128xf32, #tpu.memory_space<hbm>> -> memref<26x128xf32, #tpu.memory_space<hbm>>
        %dma_wait3A_1045 = arith.constant 0 : i32
        %dma_wait3A_1046 = arith.constant 0 : i32
        %dma_wait3A_1047 = tpu.memref_slice %arg4[%mul3A_4, %dma_wait3A_1045, %dma_wait3A_1046] : memref<16384x26x128xf32, #tpu.memory_space<hbm>> -> memref<1x26x128xf32, #tpu.memory_space<hbm>>
        %dma_wait3A_1048 = tpu.memref_squeeze %dma_wait3A_1047 : memref<1x26x128xf32, #tpu.memory_space<hbm>> -> memref<26x128xf32, #tpu.memory_space<hbm>>
        %dma_wait3A_1049 = arith.constant 0 : i32
        %dma_wait3A_1050 = arith.constant 0 : i32
        %dma_wait3A_1051 = tpu.memref_slice %arg7[%dma_wait3A_1049, %dma_wait3A_1050] : memref<104x128xf32, #tpu.memory_space<vmem>> -> memref<26x128xf32, #tpu.memory_space<vmem>>
        tpu.wait_dma2 semaphore(%arg23 : memref<!tpu.dma_semaphore, #tpu.memory_space<semaphore_mem>>) src(%dma_wait3A_1051 : memref<26x128xf32, #tpu.memory_space<vmem>>) dst(%dma_wait3A_1048 : memref<26x128xf32, #tpu.memory_space<hbm>>)
        %dma_wait3A_1052 = arith.constant 0 : i32
        %dma_wait3A_1053 = arith.constant 0 : i32
        %dma_wait3A_1054 = tpu.memref_slice %arg7[%dma_wait3A_1052, %dma_wait3A_1053] : memref<104x128xf32, #tpu.memory_space<vmem>> -> memref<26x128xf32, #tpu.memory_space<vmem>>
        %dma_wait3A_1055 = arith.constant 0 : i32
        %dma_wait3A_1056 = arith.constant 0 : i32
        %dma_wait3A_1057 = tpu.memref_slice %arg4[%mul3A_4, %dma_wait3A_1055, %dma_wait3A_1056] : memref<16384x26x128xf32, #tpu.memory_space<hbm>> -> memref<1x26x128xf32, #tpu.memory_space<hbm>>
        %dma_wait3A_1058 = tpu.memref_squeeze %dma_wait3A_1057 : memref<1x26x128xf32, #tpu.memory_space<hbm>> -> memref<26x128xf32, #tpu.memory_space<hbm>>
        %dma_wait3A_1059 = arith.constant 0 : i32
        %dma_wait3A_1060 = arith.constant 0 : i32
        %dma_wait3A_1061 = tpu.memref_slice %arg4[%mul3A_4, %dma_wait3A_1059, %dma_wait3A_1060] : memref<16384x26x128xf32, #tpu.memory_space<hbm>> -> memref<1x26x128xf32, #tpu.memory_space<hbm>>
        %dma_wait3A_1062 = tpu.memref_squeeze %dma_wait3A_1061 : memref<1x26x128xf32, #tpu.memory_space<hbm>> -> memref<26x128xf32, #tpu.memory_space<hbm>>
        %dma_wait3A_1063 = arith.constant 0 : i32
        %dma_wait3A_1064 = arith.constant 0 : i32
        %dma_wait3A_1065 = tpu.memref_slice %arg7[%dma_wait3A_1063, %dma_wait3A_1064] : memref<104x128xf32, #tpu.memory_space<vmem>> -> memref<26x128xf32, #tpu.memory_space<vmem>>
        tpu.wait_dma2 semaphore(%arg23 : memref<!tpu.dma_semaphore, #tpu.memory_space<semaphore_mem>>) src(%dma_wait3A_1065 : memref<26x128xf32, #tpu.memory_space<vmem>>) dst(%dma_wait3A_1062 : memref<26x128xf32, #tpu.memory_space<hbm>>)
        %dma_wait3A_1066 = arith.constant 0 : i32
        %dma_wait3A_1067 = arith.constant 0 : i32
        %dma_wait3A_1068 = tpu.memref_slice %arg7[%dma_wait3A_1066, %dma_wait3A_1067] : memref<104x128xf32, #tpu.memory_space<vmem>> -> memref<26x128xf32, #tpu.memory_space<vmem>>
        %dma_wait3A_1069 = arith.constant 0 : i32
        %dma_wait3A_1070 = arith.constant 0 : i32
        %dma_wait3A_1071 = tpu.memref_slice %arg4[%mul3A_4, %dma_wait3A_1069, %dma_wait3A_1070] : memref<16384x26x128xf32, #tpu.memory_space<hbm>> -> memref<1x26x128xf32, #tpu.memory_space<hbm>>
        %dma_wait3A_1072 = tpu.memref_squeeze %dma_wait3A_1071 : memref<1x26x128xf32, #tpu.memory_space<hbm>> -> memref<26x128xf32, #tpu.memory_space<hbm>>
        %dma_wait3A_1073 = arith.constant 0 : i32
        %dma_wait3A_1074 = arith.constant 0 : i32
        %dma_wait3A_1075 = tpu.memref_slice %arg4[%mul3A_4, %dma_wait3A_1073, %dma_wait3A_1074] : memref<16384x26x128xf32, #tpu.memory_space<hbm>> -> memref<1x26x128xf32, #tpu.memory_space<hbm>>
        %dma_wait3A_1076 = tpu.memref_squeeze %dma_wait3A_1075 : memref<1x26x128xf32, #tpu.memory_space<hbm>> -> memref<26x128xf32, #tpu.memory_space<hbm>>
        %dma_wait3A_1077 = arith.constant 0 : i32
        %dma_wait3A_1078 = arith.constant 0 : i32
        %dma_wait3A_1079 = tpu.memref_slice %arg7[%dma_wait3A_1077, %dma_wait3A_1078] : memref<104x128xf32, #tpu.memory_space<vmem>> -> memref<26x128xf32, #tpu.memory_space<vmem>>
        tpu.wait_dma2 semaphore(%arg23 : memref<!tpu.dma_semaphore, #tpu.memory_space<semaphore_mem>>) src(%dma_wait3A_1079 : memref<26x128xf32, #tpu.memory_space<vmem>>) dst(%dma_wait3A_1076 : memref<26x128xf32, #tpu.memory_space<hbm>>)
        %dma_wait3A_1080 = arith.constant 0 : i32
        %dma_wait3A_1081 = arith.constant 0 : i32
        %dma_wait3A_1082 = tpu.memref_slice %arg7[%dma_wait3A_1080, %dma_wait3A_1081] : memref<104x128xf32, #tpu.memory_space<vmem>> -> memref<26x128xf32, #tpu.memory_space<vmem>>
        %dma_wait3A_1083 = arith.constant 0 : i32
        %dma_wait3A_1084 = arith.constant 0 : i32
        %dma_wait3A_1085 = tpu.memref_slice %arg4[%mul3A_4, %dma_wait3A_1083, %dma_wait3A_1084] : memref<16384x26x128xf32, #tpu.memory_space<hbm>> -> memref<1x26x128xf32, #tpu.memory_space<hbm>>
        %dma_wait3A_1086 = tpu.memref_squeeze %dma_wait3A_1085 : memref<1x26x128xf32, #tpu.memory_space<hbm>> -> memref<26x128xf32, #tpu.memory_space<hbm>>
        %dma_wait3A_1087 = arith.constant 0 : i32
        %dma_wait3A_1088 = arith.constant 0 : i32
        %dma_wait3A_1089 = tpu.memref_slice %arg4[%mul3A_4, %dma_wait3A_1087, %dma_wait3A_1088] : memref<16384x26x128xf32, #tpu.memory_space<hbm>> -> memref<1x26x128xf32, #tpu.memory_space<hbm>>
        %dma_wait3A_1090 = tpu.memref_squeeze %dma_wait3A_1089 : memref<1x26x128xf32, #tpu.memory_space<hbm>> -> memref<26x128xf32, #tpu.memory_space<hbm>>
        %dma_wait3A_1091 = arith.constant 0 : i32
        %dma_wait3A_1092 = arith.constant 0 : i32
        %dma_wait3A_1093 = tpu.memref_slice %arg7[%dma_wait3A_1091, %dma_wait3A_1092] : memref<104x128xf32, #tpu.memory_space<vmem>> -> memref<26x128xf32, #tpu.memory_space<vmem>>
        tpu.wait_dma2 semaphore(%arg23 : memref<!tpu.dma_semaphore, #tpu.memory_space<semaphore_mem>>) src(%dma_wait3A_1093 : memref<26x128xf32, #tpu.memory_space<vmem>>) dst(%dma_wait3A_1090 : memref<26x128xf32, #tpu.memory_space<hbm>>)
      } else {
      }
      %add3A_753 = arith.constant 4 : i32
      %add3A_754 = arith.addi %add3A_747, %add3A_753 : i32
      %lt3A_755 = arith.constant 128 : i32
      %lt3A_756 = arith.cmpi slt, %add3A_754, %lt3A_755 : i32
      %convert_element_type3A_757 = arith.extui %lt3A_756 : i1 to i32
      %cond3A_758 = arith.constant 0 : i32
      %cond3A_759 = arith.cmpi ne, %convert_element_type3A_757, %cond3A_758 : i32
      scf.if %cond3A_759 {
        %add3A_1038 = arith.constant 4 : i32
        %add3A_1039 = arith.addi %add3A_747, %add3A_1038 : i32
        %dma_start3A_1040 = arith.constant 0 : i32
        %dma_start3A_1041 = tpu.memref_slice %arg5[%add3A_1039, %dma_start3A_1040] : memref<128x104xi32, #tpu.memory_space<vmem>> -> memref<1x104xi32, #tpu.memory_space<vmem>>
        %dma_start3A_1042 = tpu.memref_squeeze %dma_start3A_1041 : memref<1x104xi32, #tpu.memory_space<vmem>> -> memref<104xi32, #tpu.memory_space<vmem>>
        %dma_start3A_1043 = arith.constant 0 : i32
        %dma_start3A_1044 = arith.constant 0 : i32
        %dma_start3A_1045 = tpu.memref_slice %arg3[%dma_start3A_1043, %dma_start3A_1044] : memref<100000x128xf32, #tpu.memory_space<hbm>> -> memref<100000x128xf32, #tpu.memory_space<hbm>>
        tpu.enqueue_indirect_dma source(%dma_start3A_1045 : memref<100000x128xf32, #tpu.memory_space<hbm>>) target(%arg7 : memref<104x128xf32, #tpu.memory_space<vmem>>) offsets(%dma_start3A_1042 : memref<104xi32, #tpu.memory_space<vmem>>) semaphore(%arg15 : memref<!tpu.dma_semaphore, #tpu.memory_space<semaphore_mem>>)
      } else {
      }
      %dma_wait3A_760 = arith.constant 0 : i32
      %dma_wait3A_761 = arith.constant 0 : i32
      %dma_wait3A_762 = tpu.memref_slice %arg5[%dma_wait3A_760, %dma_wait3A_761] : memref<128x104xi32, #tpu.memory_space<vmem>> -> memref<1x104xi32, #tpu.memory_space<vmem>>
      %dma_wait3A_763 = tpu.memref_squeeze %dma_wait3A_762 : memref<1x104xi32, #tpu.memory_space<vmem>> -> memref<104xi32, #tpu.memory_space<vmem>>
      %dma_wait3A_764 = arith.constant 0 : i32
      %dma_wait3A_765 = arith.constant 0 : i32
      %dma_wait3A_766 = tpu.memref_slice %arg3[%dma_wait3A_764, %dma_wait3A_765] : memref<100000x128xf32, #tpu.memory_space<hbm>> -> memref<100000x128xf32, #tpu.memory_space<hbm>>
      tpu.wait_indirect_dma semaphore(%arg19 : memref<!tpu.dma_semaphore, #tpu.memory_space<semaphore_mem>>) src(%dma_wait3A_766 : memref<100000x128xf32, #tpu.memory_space<hbm>>) dst(%arg11 : memref<104x128xf32, #tpu.memory_space<vmem>>)
      %mul3A_767 = arith.constant 4 : i32
      %mul3A_768 = arith.muli %add3A_747, %mul3A_767 : i32
      %add3A_769 = arith.addi %mul3A_4, %mul3A_768 : i32
      %add3A_770 = arith.constant 0 : i32
      %add3A_771 = arith.addi %add3A_769, %add3A_770 : i32
      %dma_start3A_772 = arith.constant 0 : i32
      %dma_start3A_773 = arith.constant 0 : i32
      %dma_start3A_774 = tpu.memref_slice %arg11[%dma_start3A_772, %dma_start3A_773] : memref<104x128xf32, #tpu.memory_space<vmem>> -> memref<26x128xf32, #tpu.memory_space<vmem>>
      %dma_start3A_775 = arith.constant 0 : i32
      %dma_start3A_776 = arith.constant 0 : i32
      %dma_start3A_777 = tpu.memref_slice %arg4[%add3A_771, %dma_start3A_775, %dma_start3A_776] : memref<16384x26x128xf32, #tpu.memory_space<hbm>> -> memref<1x26x128xf32, #tpu.memory_space<hbm>>
      %dma_start3A_778 = tpu.memref_squeeze %dma_start3A_777 : memref<1x26x128xf32, #tpu.memory_space<hbm>> -> memref<26x128xf32, #tpu.memory_space<hbm>>
      %dma_start3A_779 = arith.constant 0 : i32
      %dma_start3A_780 = arith.constant 0 : i32
      %dma_start3A_781 = tpu.memref_slice %arg4[%add3A_771, %dma_start3A_779, %dma_start3A_780] : memref<16384x26x128xf32, #tpu.memory_space<hbm>> -> memref<1x26x128xf32, #tpu.memory_space<hbm>>
      %dma_start3A_782 = tpu.memref_squeeze %dma_start3A_781 : memref<1x26x128xf32, #tpu.memory_space<hbm>> -> memref<26x128xf32, #tpu.memory_space<hbm>>
      %dma_start3A_783 = arith.constant 0 : i32
      %dma_start3A_784 = arith.constant 0 : i32
      %dma_start3A_785 = tpu.memref_slice %arg11[%dma_start3A_783, %dma_start3A_784] : memref<104x128xf32, #tpu.memory_space<vmem>> -> memref<26x128xf32, #tpu.memory_space<vmem>>
      tpu.enqueue_dma source(%dma_start3A_785 : memref<26x128xf32, #tpu.memory_space<vmem>>) target(%dma_start3A_782 : memref<26x128xf32, #tpu.memory_space<hbm>>) target_semaphore(%arg27 : memref<!tpu.dma_semaphore, #tpu.memory_space<semaphore_mem>>)
      %mul3A_786 = arith.constant 4 : i32
      %mul3A_787 = arith.muli %add3A_747, %mul3A_786 : i32
      %add3A_788 = arith.addi %mul3A_4, %mul3A_787 : i32
      %add3A_789 = arith.constant 1 : i32
      %add3A_790 = arith.addi %add3A_788, %add3A_789 : i32
      %dma_start3A_791 = arith.constant 26 : i32
      %dma_start3A_792 = arith.constant 0 : i32
      %dma_start3A_793 = tpu.memref_slice %arg11[%dma_start3A_791, %dma_start3A_792] : memref<104x128xf32, #tpu.memory_space<vmem>> -> memref<26x128xf32, #tpu.memory_space<vmem>>
      %dma_start3A_794 = arith.constant 0 : i32
      %dma_start3A_795 = arith.constant 0 : i32
      %dma_start3A_796 = tpu.memref_slice %arg4[%add3A_790, %dma_start3A_794, %dma_start3A_795] : memref<16384x26x128xf32, #tpu.memory_space<hbm>> -> memref<1x26x128xf32, #tpu.memory_space<hbm>>
      %dma_start3A_797 = tpu.memref_squeeze %dma_start3A_796 : memref<1x26x128xf32, #tpu.memory_space<hbm>> -> memref<26x128xf32, #tpu.memory_space<hbm>>
      %dma_start3A_798 = arith.constant 0 : i32
      %dma_start3A_799 = arith.constant 0 : i32
      %dma_start3A_800 = tpu.memref_slice %arg4[%add3A_790, %dma_start3A_798, %dma_start3A_799] : memref<16384x26x128xf32, #tpu.memory_space<hbm>> -> memref<1x26x128xf32, #tpu.memory_space<hbm>>
      %dma_start3A_801 = tpu.memref_squeeze %dma_start3A_800 : memref<1x26x128xf32, #tpu.memory_space<hbm>> -> memref<26x128xf32, #tpu.memory_space<hbm>>
      %dma_start3A_802 = arith.constant 26 : i32
      %dma_start3A_803 = arith.constant 0 : i32
      %dma_start3A_804 = tpu.memref_slice %arg11[%dma_start3A_802, %dma_start3A_803] : memref<104x128xf32, #tpu.memory_space<vmem>> -> memref<26x128xf32, #tpu.memory_space<vmem>>
      tpu.enqueue_dma source(%dma_start3A_804 : memref<26x128xf32, #tpu.memory_space<vmem>>) target(%dma_start3A_801 : memref<26x128xf32, #tpu.memory_space<hbm>>) target_semaphore(%arg27 : memref<!tpu.dma_semaphore, #tpu.memory_space<semaphore_mem>>)
      %mul3A_805 = arith.constant 4 : i32
      %mul3A_806 = arith.muli %add3A_747, %mul3A_805 : i32
      %add3A_807 = arith.addi %mul3A_4, %mul3A_806 : i32
      %add3A_808 = arith.constant 2 : i32
      %add3A_809 = arith.addi %add3A_807, %add3A_808 : i32
      %dma_start3A_810 = arith.constant 52 : i32
      %dma_start3A_811 = arith.constant 0 : i32
      %dma_start3A_812 = tpu.memref_slice %arg11[%dma_start3A_810, %dma_start3A_811] : memref<104x128xf32, #tpu.memory_space<vmem>> -> memref<26x128xf32, #tpu.memory_space<vmem>>
      %dma_start3A_813 = arith.constant 0 : i32
      %dma_start3A_814 = arith.constant 0 : i32
      %dma_start3A_815 = tpu.memref_slice %arg4[%add3A_809, %dma_start3A_813, %dma_start3A_814] : memref<16384x26x128xf32, #tpu.memory_space<hbm>> -> memref<1x26x128xf32, #tpu.memory_space<hbm>>
      %dma_start3A_816 = tpu.memref_squeeze %dma_start3A_815 : memref<1x26x128xf32, #tpu.memory_space<hbm>> -> memref<26x128xf32, #tpu.memory_space<hbm>>
      %dma_start3A_817 = arith.constant 0 : i32
      %dma_start3A_818 = arith.constant 0 : i32
      %dma_start3A_819 = tpu.memref_slice %arg4[%add3A_809, %dma_start3A_817, %dma_start3A_818] : memref<16384x26x128xf32, #tpu.memory_space<hbm>> -> memref<1x26x128xf32, #tpu.memory_space<hbm>>
      %dma_start3A_820 = tpu.memref_squeeze %dma_start3A_819 : memref<1x26x128xf32, #tpu.memory_space<hbm>> -> memref<26x128xf32, #tpu.memory_space<hbm>>
      %dma_start3A_821 = arith.constant 52 : i32
      %dma_start3A_822 = arith.constant 0 : i32
      %dma_start3A_823 = tpu.memref_slice %arg11[%dma_start3A_821, %dma_start3A_822] : memref<104x128xf32, #tpu.memory_space<vmem>> -> memref<26x128xf32, #tpu.memory_space<vmem>>
      tpu.enqueue_dma source(%dma_start3A_823 : memref<26x128xf32, #tpu.memory_space<vmem>>) target(%dma_start3A_820 : memref<26x128xf32, #tpu.memory_space<hbm>>) target_semaphore(%arg27 : memref<!tpu.dma_semaphore, #tpu.memory_space<semaphore_mem>>)
      %mul3A_824 = arith.constant 4 : i32
      %mul3A_825 = arith.muli %add3A_747, %mul3A_824 : i32
      %add3A_826 = arith.addi %mul3A_4, %mul3A_825 : i32
      %add3A_827 = arith.constant 3 : i32
      %add3A_828 = arith.addi %add3A_826, %add3A_827 : i32
      %dma_start3A_829 = arith.constant 78 : i32
      %dma_start3A_830 = arith.constant 0 : i32
      %dma_start3A_831 = tpu.memref_slice %arg11[%dma_start3A_829, %dma_start3A_830] : memref<104x128xf32, #tpu.memory_space<vmem>> -> memref<26x128xf32, #tpu.memory_space<vmem>>
      %dma_start3A_832 = arith.constant 0 : i32
      %dma_start3A_833 = arith.constant 0 : i32
      %dma_start3A_834 = tpu.memref_slice %arg4[%add3A_828, %dma_start3A_832, %dma_start3A_833] : memref<16384x26x128xf32, #tpu.memory_space<hbm>> -> memref<1x26x128xf32, #tpu.memory_space<hbm>>
      %dma_start3A_835 = tpu.memref_squeeze %dma_start3A_834 : memref<1x26x128xf32, #tpu.memory_space<hbm>> -> memref<26x128xf32, #tpu.memory_space<hbm>>
      %dma_start3A_836 = arith.constant 0 : i32
      %dma_start3A_837 = arith.constant 0 : i32
      %dma_start3A_838 = tpu.memref_slice %arg4[%add3A_828, %dma_start3A_836, %dma_start3A_837] : memref<16384x26x128xf32, #tpu.memory_space<hbm>> -> memref<1x26x128xf32, #tpu.memory_space<hbm>>
      %dma_start3A_839 = tpu.memref_squeeze %dma_start3A_838 : memref<1x26x128xf32, #tpu.memory_space<hbm>> -> memref<26x128xf32, #tpu.memory_space<hbm>>
      %dma_start3A_840 = arith.constant 78 : i32
      %dma_start3A_841 = arith.constant 0 : i32
      %dma_start3A_842 = tpu.memref_slice %arg11[%dma_start3A_840, %dma_start3A_841] : memref<104x128xf32, #tpu.memory_space<vmem>> -> memref<26x128xf32, #tpu.memory_space<vmem>>
      tpu.enqueue_dma source(%dma_start3A_842 : memref<26x128xf32, #tpu.memory_space<vmem>>) target(%dma_start3A_839 : memref<26x128xf32, #tpu.memory_space<hbm>>) target_semaphore(%arg27 : memref<!tpu.dma_semaphore, #tpu.memory_space<semaphore_mem>>)
      %add3A_843 = arith.constant 6 : i32
      %add3A_844 = arith.addi %mul3A_264, %add3A_843 : i32
      %ge3A_845 = arith.constant 4 : i32
      %ge3A_846 = arith.cmpi sge, %add3A_844, %ge3A_845 : i32
      %convert_element_type3A_847 = arith.extui %ge3A_846 : i1 to i32
      %cond3A_848 = arith.constant 0 : i32
      %cond3A_849 = arith.cmpi ne, %convert_element_type3A_847, %cond3A_848 : i32
      scf.if %cond3A_849 {
        %dma_wait3A_1038 = arith.constant 0 : i32
        %dma_wait3A_1039 = arith.constant 0 : i32
        %dma_wait3A_1040 = tpu.memref_slice %arg8[%dma_wait3A_1038, %dma_wait3A_1039] : memref<104x128xf32, #tpu.memory_space<vmem>> -> memref<26x128xf32, #tpu.memory_space<vmem>>
        %dma_wait3A_1041 = arith.constant 0 : i32
        %dma_wait3A_1042 = arith.constant 0 : i32
        %dma_wait3A_1043 = tpu.memref_slice %arg4[%mul3A_4, %dma_wait3A_1041, %dma_wait3A_1042] : memref<16384x26x128xf32, #tpu.memory_space<hbm>> -> memref<1x26x128xf32, #tpu.memory_space<hbm>>
        %dma_wait3A_1044 = tpu.memref_squeeze %dma_wait3A_1043 : memref<1x26x128xf32, #tpu.memory_space<hbm>> -> memref<26x128xf32, #tpu.memory_space<hbm>>
        %dma_wait3A_1045 = arith.constant 0 : i32
        %dma_wait3A_1046 = arith.constant 0 : i32
        %dma_wait3A_1047 = tpu.memref_slice %arg4[%mul3A_4, %dma_wait3A_1045, %dma_wait3A_1046] : memref<16384x26x128xf32, #tpu.memory_space<hbm>> -> memref<1x26x128xf32, #tpu.memory_space<hbm>>
        %dma_wait3A_1048 = tpu.memref_squeeze %dma_wait3A_1047 : memref<1x26x128xf32, #tpu.memory_space<hbm>> -> memref<26x128xf32, #tpu.memory_space<hbm>>
        %dma_wait3A_1049 = arith.constant 0 : i32
        %dma_wait3A_1050 = arith.constant 0 : i32
        %dma_wait3A_1051 = tpu.memref_slice %arg8[%dma_wait3A_1049, %dma_wait3A_1050] : memref<104x128xf32, #tpu.memory_space<vmem>> -> memref<26x128xf32, #tpu.memory_space<vmem>>
        tpu.wait_dma2 semaphore(%arg24 : memref<!tpu.dma_semaphore, #tpu.memory_space<semaphore_mem>>) src(%dma_wait3A_1051 : memref<26x128xf32, #tpu.memory_space<vmem>>) dst(%dma_wait3A_1048 : memref<26x128xf32, #tpu.memory_space<hbm>>)
        %dma_wait3A_1052 = arith.constant 0 : i32
        %dma_wait3A_1053 = arith.constant 0 : i32
        %dma_wait3A_1054 = tpu.memref_slice %arg8[%dma_wait3A_1052, %dma_wait3A_1053] : memref<104x128xf32, #tpu.memory_space<vmem>> -> memref<26x128xf32, #tpu.memory_space<vmem>>
        %dma_wait3A_1055 = arith.constant 0 : i32
        %dma_wait3A_1056 = arith.constant 0 : i32
        %dma_wait3A_1057 = tpu.memref_slice %arg4[%mul3A_4, %dma_wait3A_1055, %dma_wait3A_1056] : memref<16384x26x128xf32, #tpu.memory_space<hbm>> -> memref<1x26x128xf32, #tpu.memory_space<hbm>>
        %dma_wait3A_1058 = tpu.memref_squeeze %dma_wait3A_1057 : memref<1x26x128xf32, #tpu.memory_space<hbm>> -> memref<26x128xf32, #tpu.memory_space<hbm>>
        %dma_wait3A_1059 = arith.constant 0 : i32
        %dma_wait3A_1060 = arith.constant 0 : i32
        %dma_wait3A_1061 = tpu.memref_slice %arg4[%mul3A_4, %dma_wait3A_1059, %dma_wait3A_1060] : memref<16384x26x128xf32, #tpu.memory_space<hbm>> -> memref<1x26x128xf32, #tpu.memory_space<hbm>>
        %dma_wait3A_1062 = tpu.memref_squeeze %dma_wait3A_1061 : memref<1x26x128xf32, #tpu.memory_space<hbm>> -> memref<26x128xf32, #tpu.memory_space<hbm>>
        %dma_wait3A_1063 = arith.constant 0 : i32
        %dma_wait3A_1064 = arith.constant 0 : i32
        %dma_wait3A_1065 = tpu.memref_slice %arg8[%dma_wait3A_1063, %dma_wait3A_1064] : memref<104x128xf32, #tpu.memory_space<vmem>> -> memref<26x128xf32, #tpu.memory_space<vmem>>
        tpu.wait_dma2 semaphore(%arg24 : memref<!tpu.dma_semaphore, #tpu.memory_space<semaphore_mem>>) src(%dma_wait3A_1065 : memref<26x128xf32, #tpu.memory_space<vmem>>) dst(%dma_wait3A_1062 : memref<26x128xf32, #tpu.memory_space<hbm>>)
        %dma_wait3A_1066 = arith.constant 0 : i32
        %dma_wait3A_1067 = arith.constant 0 : i32
        %dma_wait3A_1068 = tpu.memref_slice %arg8[%dma_wait3A_1066, %dma_wait3A_1067] : memref<104x128xf32, #tpu.memory_space<vmem>> -> memref<26x128xf32, #tpu.memory_space<vmem>>
        %dma_wait3A_1069 = arith.constant 0 : i32
        %dma_wait3A_1070 = arith.constant 0 : i32
        %dma_wait3A_1071 = tpu.memref_slice %arg4[%mul3A_4, %dma_wait3A_1069, %dma_wait3A_1070] : memref<16384x26x128xf32, #tpu.memory_space<hbm>> -> memref<1x26x128xf32, #tpu.memory_space<hbm>>
        %dma_wait3A_1072 = tpu.memref_squeeze %dma_wait3A_1071 : memref<1x26x128xf32, #tpu.memory_space<hbm>> -> memref<26x128xf32, #tpu.memory_space<hbm>>
        %dma_wait3A_1073 = arith.constant 0 : i32
        %dma_wait3A_1074 = arith.constant 0 : i32
        %dma_wait3A_1075 = tpu.memref_slice %arg4[%mul3A_4, %dma_wait3A_1073, %dma_wait3A_1074] : memref<16384x26x128xf32, #tpu.memory_space<hbm>> -> memref<1x26x128xf32, #tpu.memory_space<hbm>>
        %dma_wait3A_1076 = tpu.memref_squeeze %dma_wait3A_1075 : memref<1x26x128xf32, #tpu.memory_space<hbm>> -> memref<26x128xf32, #tpu.memory_space<hbm>>
        %dma_wait3A_1077 = arith.constant 0 : i32
        %dma_wait3A_1078 = arith.constant 0 : i32
        %dma_wait3A_1079 = tpu.memref_slice %arg8[%dma_wait3A_1077, %dma_wait3A_1078] : memref<104x128xf32, #tpu.memory_space<vmem>> -> memref<26x128xf32, #tpu.memory_space<vmem>>
        tpu.wait_dma2 semaphore(%arg24 : memref<!tpu.dma_semaphore, #tpu.memory_space<semaphore_mem>>) src(%dma_wait3A_1079 : memref<26x128xf32, #tpu.memory_space<vmem>>) dst(%dma_wait3A_1076 : memref<26x128xf32, #tpu.memory_space<hbm>>)
        %dma_wait3A_1080 = arith.constant 0 : i32
        %dma_wait3A_1081 = arith.constant 0 : i32
        %dma_wait3A_1082 = tpu.memref_slice %arg8[%dma_wait3A_1080, %dma_wait3A_1081] : memref<104x128xf32, #tpu.memory_space<vmem>> -> memref<26x128xf32, #tpu.memory_space<vmem>>
        %dma_wait3A_1083 = arith.constant 0 : i32
        %dma_wait3A_1084 = arith.constant 0 : i32
        %dma_wait3A_1085 = tpu.memref_slice %arg4[%mul3A_4, %dma_wait3A_1083, %dma_wait3A_1084] : memref<16384x26x128xf32, #tpu.memory_space<hbm>> -> memref<1x26x128xf32, #tpu.memory_space<hbm>>
        %dma_wait3A_1086 = tpu.memref_squeeze %dma_wait3A_1085 : memref<1x26x128xf32, #tpu.memory_space<hbm>> -> memref<26x128xf32, #tpu.memory_space<hbm>>
        %dma_wait3A_1087 = arith.constant 0 : i32
        %dma_wait3A_1088 = arith.constant 0 : i32
        %dma_wait3A_1089 = tpu.memref_slice %arg4[%mul3A_4, %dma_wait3A_1087, %dma_wait3A_1088] : memref<16384x26x128xf32, #tpu.memory_space<hbm>> -> memref<1x26x128xf32, #tpu.memory_space<hbm>>
        %dma_wait3A_1090 = tpu.memref_squeeze %dma_wait3A_1089 : memref<1x26x128xf32, #tpu.memory_space<hbm>> -> memref<26x128xf32, #tpu.memory_space<hbm>>
        %dma_wait3A_1091 = arith.constant 0 : i32
        %dma_wait3A_1092 = arith.constant 0 : i32
        %dma_wait3A_1093 = tpu.memref_slice %arg8[%dma_wait3A_1091, %dma_wait3A_1092] : memref<104x128xf32, #tpu.memory_space<vmem>> -> memref<26x128xf32, #tpu.memory_space<vmem>>
        tpu.wait_dma2 semaphore(%arg24 : memref<!tpu.dma_semaphore, #tpu.memory_space<semaphore_mem>>) src(%dma_wait3A_1093 : memref<26x128xf32, #tpu.memory_space<vmem>>) dst(%dma_wait3A_1090 : memref<26x128xf32, #tpu.memory_space<hbm>>)
      } else {
      }
      %add3A_850 = arith.constant 4 : i32
      %add3A_851 = arith.addi %add3A_844, %add3A_850 : i32
      %lt3A_852 = arith.constant 128 : i32
      %lt3A_853 = arith.cmpi slt, %add3A_851, %lt3A_852 : i32
      %convert_element_type3A_854 = arith.extui %lt3A_853 : i1 to i32
      %cond3A_855 = arith.constant 0 : i32
      %cond3A_856 = arith.cmpi ne, %convert_element_type3A_854, %cond3A_855 : i32
      scf.if %cond3A_856 {
        %add3A_1038 = arith.constant 4 : i32
        %add3A_1039 = arith.addi %add3A_844, %add3A_1038 : i32
        %dma_start3A_1040 = arith.constant 0 : i32
        %dma_start3A_1041 = tpu.memref_slice %arg5[%add3A_1039, %dma_start3A_1040] : memref<128x104xi32, #tpu.memory_space<vmem>> -> memref<1x104xi32, #tpu.memory_space<vmem>>
        %dma_start3A_1042 = tpu.memref_squeeze %dma_start3A_1041 : memref<1x104xi32, #tpu.memory_space<vmem>> -> memref<104xi32, #tpu.memory_space<vmem>>
        %dma_start3A_1043 = arith.constant 0 : i32
        %dma_start3A_1044 = arith.constant 0 : i32
        %dma_start3A_1045 = tpu.memref_slice %arg3[%dma_start3A_1043, %dma_start3A_1044] : memref<100000x128xf32, #tpu.memory_space<hbm>> -> memref<100000x128xf32, #tpu.memory_space<hbm>>
        tpu.enqueue_indirect_dma source(%dma_start3A_1045 : memref<100000x128xf32, #tpu.memory_space<hbm>>) target(%arg8 : memref<104x128xf32, #tpu.memory_space<vmem>>) offsets(%dma_start3A_1042 : memref<104xi32, #tpu.memory_space<vmem>>) semaphore(%arg16 : memref<!tpu.dma_semaphore, #tpu.memory_space<semaphore_mem>>)
      } else {
      }
      %dma_wait3A_857 = arith.constant 0 : i32
      %dma_wait3A_858 = arith.constant 0 : i32
      %dma_wait3A_859 = tpu.memref_slice %arg5[%dma_wait3A_857, %dma_wait3A_858] : memref<128x104xi32, #tpu.memory_space<vmem>> -> memref<1x104xi32, #tpu.memory_space<vmem>>
      %dma_wait3A_860 = tpu.memref_squeeze %dma_wait3A_859 : memref<1x104xi32, #tpu.memory_space<vmem>> -> memref<104xi32, #tpu.memory_space<vmem>>
      %dma_wait3A_861 = arith.constant 0 : i32
      %dma_wait3A_862 = arith.constant 0 : i32
      %dma_wait3A_863 = tpu.memref_slice %arg3[%dma_wait3A_861, %dma_wait3A_862] : memref<100000x128xf32, #tpu.memory_space<hbm>> -> memref<100000x128xf32, #tpu.memory_space<hbm>>
      tpu.wait_indirect_dma semaphore(%arg20 : memref<!tpu.dma_semaphore, #tpu.memory_space<semaphore_mem>>) src(%dma_wait3A_863 : memref<100000x128xf32, #tpu.memory_space<hbm>>) dst(%arg12 : memref<104x128xf32, #tpu.memory_space<vmem>>)
      %mul3A_864 = arith.constant 4 : i32
      %mul3A_865 = arith.muli %add3A_844, %mul3A_864 : i32
      %add3A_866 = arith.addi %mul3A_4, %mul3A_865 : i32
      %add3A_867 = arith.constant 0 : i32
      %add3A_868 = arith.addi %add3A_866, %add3A_867 : i32
      %dma_start3A_869 = arith.constant 0 : i32
      %dma_start3A_870 = arith.constant 0 : i32
      %dma_start3A_871 = tpu.memref_slice %arg12[%dma_start3A_869, %dma_start3A_870] : memref<104x128xf32, #tpu.memory_space<vmem>> -> memref<26x128xf32, #tpu.memory_space<vmem>>
      %dma_start3A_872 = arith.constant 0 : i32
      %dma_start3A_873 = arith.constant 0 : i32
      %dma_start3A_874 = tpu.memref_slice %arg4[%add3A_868, %dma_start3A_872, %dma_start3A_873] : memref<16384x26x128xf32, #tpu.memory_space<hbm>> -> memref<1x26x128xf32, #tpu.memory_space<hbm>>
      %dma_start3A_875 = tpu.memref_squeeze %dma_start3A_874 : memref<1x26x128xf32, #tpu.memory_space<hbm>> -> memref<26x128xf32, #tpu.memory_space<hbm>>
      %dma_start3A_876 = arith.constant 0 : i32
      %dma_start3A_877 = arith.constant 0 : i32
      %dma_start3A_878 = tpu.memref_slice %arg4[%add3A_868, %dma_start3A_876, %dma_start3A_877] : memref<16384x26x128xf32, #tpu.memory_space<hbm>> -> memref<1x26x128xf32, #tpu.memory_space<hbm>>
      %dma_start3A_879 = tpu.memref_squeeze %dma_start3A_878 : memref<1x26x128xf32, #tpu.memory_space<hbm>> -> memref<26x128xf32, #tpu.memory_space<hbm>>
      %dma_start3A_880 = arith.constant 0 : i32
      %dma_start3A_881 = arith.constant 0 : i32
      %dma_start3A_882 = tpu.memref_slice %arg12[%dma_start3A_880, %dma_start3A_881] : memref<104x128xf32, #tpu.memory_space<vmem>> -> memref<26x128xf32, #tpu.memory_space<vmem>>
      tpu.enqueue_dma source(%dma_start3A_882 : memref<26x128xf32, #tpu.memory_space<vmem>>) target(%dma_start3A_879 : memref<26x128xf32, #tpu.memory_space<hbm>>) target_semaphore(%arg28 : memref<!tpu.dma_semaphore, #tpu.memory_space<semaphore_mem>>)
      %mul3A_883 = arith.constant 4 : i32
      %mul3A_884 = arith.muli %add3A_844, %mul3A_883 : i32
      %add3A_885 = arith.addi %mul3A_4, %mul3A_884 : i32
      %add3A_886 = arith.constant 1 : i32
      %add3A_887 = arith.addi %add3A_885, %add3A_886 : i32
      %dma_start3A_888 = arith.constant 26 : i32
      %dma_start3A_889 = arith.constant 0 : i32
      %dma_start3A_890 = tpu.memref_slice %arg12[%dma_start3A_888, %dma_start3A_889] : memref<104x128xf32, #tpu.memory_space<vmem>> -> memref<26x128xf32, #tpu.memory_space<vmem>>
      %dma_start3A_891 = arith.constant 0 : i32
      %dma_start3A_892 = arith.constant 0 : i32
      %dma_start3A_893 = tpu.memref_slice %arg4[%add3A_887, %dma_start3A_891, %dma_start3A_892] : memref<16384x26x128xf32, #tpu.memory_space<hbm>> -> memref<1x26x128xf32, #tpu.memory_space<hbm>>
      %dma_start3A_894 = tpu.memref_squeeze %dma_start3A_893 : memref<1x26x128xf32, #tpu.memory_space<hbm>> -> memref<26x128xf32, #tpu.memory_space<hbm>>
      %dma_start3A_895 = arith.constant 0 : i32
      %dma_start3A_896 = arith.constant 0 : i32
      %dma_start3A_897 = tpu.memref_slice %arg4[%add3A_887, %dma_start3A_895, %dma_start3A_896] : memref<16384x26x128xf32, #tpu.memory_space<hbm>> -> memref<1x26x128xf32, #tpu.memory_space<hbm>>
      %dma_start3A_898 = tpu.memref_squeeze %dma_start3A_897 : memref<1x26x128xf32, #tpu.memory_space<hbm>> -> memref<26x128xf32, #tpu.memory_space<hbm>>
      %dma_start3A_899 = arith.constant 26 : i32
      %dma_start3A_900 = arith.constant 0 : i32
      %dma_start3A_901 = tpu.memref_slice %arg12[%dma_start3A_899, %dma_start3A_900] : memref<104x128xf32, #tpu.memory_space<vmem>> -> memref<26x128xf32, #tpu.memory_space<vmem>>
      tpu.enqueue_dma source(%dma_start3A_901 : memref<26x128xf32, #tpu.memory_space<vmem>>) target(%dma_start3A_898 : memref<26x128xf32, #tpu.memory_space<hbm>>) target_semaphore(%arg28 : memref<!tpu.dma_semaphore, #tpu.memory_space<semaphore_mem>>)
      %mul3A_902 = arith.constant 4 : i32
      %mul3A_903 = arith.muli %add3A_844, %mul3A_902 : i32
      %add3A_904 = arith.addi %mul3A_4, %mul3A_903 : i32
      %add3A_905 = arith.constant 2 : i32
      %add3A_906 = arith.addi %add3A_904, %add3A_905 : i32
      %dma_start3A_907 = arith.constant 52 : i32
      %dma_start3A_908 = arith.constant 0 : i32
      %dma_start3A_909 = tpu.memref_slice %arg12[%dma_start3A_907, %dma_start3A_908] : memref<104x128xf32, #tpu.memory_space<vmem>> -> memref<26x128xf32, #tpu.memory_space<vmem>>
      %dma_start3A_910 = arith.constant 0 : i32
      %dma_start3A_911 = arith.constant 0 : i32
      %dma_start3A_912 = tpu.memref_slice %arg4[%add3A_906, %dma_start3A_910, %dma_start3A_911] : memref<16384x26x128xf32, #tpu.memory_space<hbm>> -> memref<1x26x128xf32, #tpu.memory_space<hbm>>
      %dma_start3A_913 = tpu.memref_squeeze %dma_start3A_912 : memref<1x26x128xf32, #tpu.memory_space<hbm>> -> memref<26x128xf32, #tpu.memory_space<hbm>>
      %dma_start3A_914 = arith.constant 0 : i32
      %dma_start3A_915 = arith.constant 0 : i32
      %dma_start3A_916 = tpu.memref_slice %arg4[%add3A_906, %dma_start3A_914, %dma_start3A_915] : memref<16384x26x128xf32, #tpu.memory_space<hbm>> -> memref<1x26x128xf32, #tpu.memory_space<hbm>>
      %dma_start3A_917 = tpu.memref_squeeze %dma_start3A_916 : memref<1x26x128xf32, #tpu.memory_space<hbm>> -> memref<26x128xf32, #tpu.memory_space<hbm>>
      %dma_start3A_918 = arith.constant 52 : i32
      %dma_start3A_919 = arith.constant 0 : i32
      %dma_start3A_920 = tpu.memref_slice %arg12[%dma_start3A_918, %dma_start3A_919] : memref<104x128xf32, #tpu.memory_space<vmem>> -> memref<26x128xf32, #tpu.memory_space<vmem>>
      tpu.enqueue_dma source(%dma_start3A_920 : memref<26x128xf32, #tpu.memory_space<vmem>>) target(%dma_start3A_917 : memref<26x128xf32, #tpu.memory_space<hbm>>) target_semaphore(%arg28 : memref<!tpu.dma_semaphore, #tpu.memory_space<semaphore_mem>>)
      %mul3A_921 = arith.constant 4 : i32
      %mul3A_922 = arith.muli %add3A_844, %mul3A_921 : i32
      %add3A_923 = arith.addi %mul3A_4, %mul3A_922 : i32
      %add3A_924 = arith.constant 3 : i32
      %add3A_925 = arith.addi %add3A_923, %add3A_924 : i32
      %dma_start3A_926 = arith.constant 78 : i32
      %dma_start3A_927 = arith.constant 0 : i32
      %dma_start3A_928 = tpu.memref_slice %arg12[%dma_start3A_926, %dma_start3A_927] : memref<104x128xf32, #tpu.memory_space<vmem>> -> memref<26x128xf32, #tpu.memory_space<vmem>>
      %dma_start3A_929 = arith.constant 0 : i32
      %dma_start3A_930 = arith.constant 0 : i32
      %dma_start3A_931 = tpu.memref_slice %arg4[%add3A_925, %dma_start3A_929, %dma_start3A_930] : memref<16384x26x128xf32, #tpu.memory_space<hbm>> -> memref<1x26x128xf32, #tpu.memory_space<hbm>>
      %dma_start3A_932 = tpu.memref_squeeze %dma_start3A_931 : memref<1x26x128xf32, #tpu.memory_space<hbm>> -> memref<26x128xf32, #tpu.memory_space<hbm>>
      %dma_start3A_933 = arith.constant 0 : i32
      %dma_start3A_934 = arith.constant 0 : i32
      %dma_start3A_935 = tpu.memref_slice %arg4[%add3A_925, %dma_start3A_933, %dma_start3A_934] : memref<16384x26x128xf32, #tpu.memory_space<hbm>> -> memref<1x26x128xf32, #tpu.memory_space<hbm>>
      %dma_start3A_936 = tpu.memref_squeeze %dma_start3A_935 : memref<1x26x128xf32, #tpu.memory_space<hbm>> -> memref<26x128xf32, #tpu.memory_space<hbm>>
      %dma_start3A_937 = arith.constant 78 : i32
      %dma_start3A_938 = arith.constant 0 : i32
      %dma_start3A_939 = tpu.memref_slice %arg12[%dma_start3A_937, %dma_start3A_938] : memref<104x128xf32, #tpu.memory_space<vmem>> -> memref<26x128xf32, #tpu.memory_space<vmem>>
      tpu.enqueue_dma source(%dma_start3A_939 : memref<26x128xf32, #tpu.memory_space<vmem>>) target(%dma_start3A_936 : memref<26x128xf32, #tpu.memory_space<hbm>>) target_semaphore(%arg28 : memref<!tpu.dma_semaphore, #tpu.memory_space<semaphore_mem>>)
      %add3A_940 = arith.constant 7 : i32
      %add3A_941 = arith.addi %mul3A_264, %add3A_940 : i32
      %ge3A_942 = arith.constant 4 : i32
      %ge3A_943 = arith.cmpi sge, %add3A_941, %ge3A_942 : i32
      %convert_element_type3A_944 = arith.extui %ge3A_943 : i1 to i32
      %cond3A_945 = arith.constant 0 : i32
      %cond3A_946 = arith.cmpi ne, %convert_element_type3A_944, %cond3A_945 : i32
      scf.if %cond3A_946 {
        %dma_wait3A_1038 = arith.constant 0 : i32
        %dma_wait3A_1039 = arith.constant 0 : i32
        %dma_wait3A_1040 = tpu.memref_slice %arg9[%dma_wait3A_1038, %dma_wait3A_1039] : memref<104x128xf32, #tpu.memory_space<vmem>> -> memref<26x128xf32, #tpu.memory_space<vmem>>
        %dma_wait3A_1041 = arith.constant 0 : i32
        %dma_wait3A_1042 = arith.constant 0 : i32
        %dma_wait3A_1043 = tpu.memref_slice %arg4[%mul3A_4, %dma_wait3A_1041, %dma_wait3A_1042] : memref<16384x26x128xf32, #tpu.memory_space<hbm>> -> memref<1x26x128xf32, #tpu.memory_space<hbm>>
        %dma_wait3A_1044 = tpu.memref_squeeze %dma_wait3A_1043 : memref<1x26x128xf32, #tpu.memory_space<hbm>> -> memref<26x128xf32, #tpu.memory_space<hbm>>
        %dma_wait3A_1045 = arith.constant 0 : i32
        %dma_wait3A_1046 = arith.constant 0 : i32
        %dma_wait3A_1047 = tpu.memref_slice %arg4[%mul3A_4, %dma_wait3A_1045, %dma_wait3A_1046] : memref<16384x26x128xf32, #tpu.memory_space<hbm>> -> memref<1x26x128xf32, #tpu.memory_space<hbm>>
        %dma_wait3A_1048 = tpu.memref_squeeze %dma_wait3A_1047 : memref<1x26x128xf32, #tpu.memory_space<hbm>> -> memref<26x128xf32, #tpu.memory_space<hbm>>
        %dma_wait3A_1049 = arith.constant 0 : i32
        %dma_wait3A_1050 = arith.constant 0 : i32
        %dma_wait3A_1051 = tpu.memref_slice %arg9[%dma_wait3A_1049, %dma_wait3A_1050] : memref<104x128xf32, #tpu.memory_space<vmem>> -> memref<26x128xf32, #tpu.memory_space<vmem>>
        tpu.wait_dma2 semaphore(%arg25 : memref<!tpu.dma_semaphore, #tpu.memory_space<semaphore_mem>>) src(%dma_wait3A_1051 : memref<26x128xf32, #tpu.memory_space<vmem>>) dst(%dma_wait3A_1048 : memref<26x128xf32, #tpu.memory_space<hbm>>)
        %dma_wait3A_1052 = arith.constant 0 : i32
        %dma_wait3A_1053 = arith.constant 0 : i32
        %dma_wait3A_1054 = tpu.memref_slice %arg9[%dma_wait3A_1052, %dma_wait3A_1053] : memref<104x128xf32, #tpu.memory_space<vmem>> -> memref<26x128xf32, #tpu.memory_space<vmem>>
        %dma_wait3A_1055 = arith.constant 0 : i32
        %dma_wait3A_1056 = arith.constant 0 : i32
        %dma_wait3A_1057 = tpu.memref_slice %arg4[%mul3A_4, %dma_wait3A_1055, %dma_wait3A_1056] : memref<16384x26x128xf32, #tpu.memory_space<hbm>> -> memref<1x26x128xf32, #tpu.memory_space<hbm>>
        %dma_wait3A_1058 = tpu.memref_squeeze %dma_wait3A_1057 : memref<1x26x128xf32, #tpu.memory_space<hbm>> -> memref<26x128xf32, #tpu.memory_space<hbm>>
        %dma_wait3A_1059 = arith.constant 0 : i32
        %dma_wait3A_1060 = arith.constant 0 : i32
        %dma_wait3A_1061 = tpu.memref_slice %arg4[%mul3A_4, %dma_wait3A_1059, %dma_wait3A_1060] : memref<16384x26x128xf32, #tpu.memory_space<hbm>> -> memref<1x26x128xf32, #tpu.memory_space<hbm>>
        %dma_wait3A_1062 = tpu.memref_squeeze %dma_wait3A_1061 : memref<1x26x128xf32, #tpu.memory_space<hbm>> -> memref<26x128xf32, #tpu.memory_space<hbm>>
        %dma_wait3A_1063 = arith.constant 0 : i32
        %dma_wait3A_1064 = arith.constant 0 : i32
        %dma_wait3A_1065 = tpu.memref_slice %arg9[%dma_wait3A_1063, %dma_wait3A_1064] : memref<104x128xf32, #tpu.memory_space<vmem>> -> memref<26x128xf32, #tpu.memory_space<vmem>>
        tpu.wait_dma2 semaphore(%arg25 : memref<!tpu.dma_semaphore, #tpu.memory_space<semaphore_mem>>) src(%dma_wait3A_1065 : memref<26x128xf32, #tpu.memory_space<vmem>>) dst(%dma_wait3A_1062 : memref<26x128xf32, #tpu.memory_space<hbm>>)
        %dma_wait3A_1066 = arith.constant 0 : i32
        %dma_wait3A_1067 = arith.constant 0 : i32
        %dma_wait3A_1068 = tpu.memref_slice %arg9[%dma_wait3A_1066, %dma_wait3A_1067] : memref<104x128xf32, #tpu.memory_space<vmem>> -> memref<26x128xf32, #tpu.memory_space<vmem>>
        %dma_wait3A_1069 = arith.constant 0 : i32
        %dma_wait3A_1070 = arith.constant 0 : i32
        %dma_wait3A_1071 = tpu.memref_slice %arg4[%mul3A_4, %dma_wait3A_1069, %dma_wait3A_1070] : memref<16384x26x128xf32, #tpu.memory_space<hbm>> -> memref<1x26x128xf32, #tpu.memory_space<hbm>>
        %dma_wait3A_1072 = tpu.memref_squeeze %dma_wait3A_1071 : memref<1x26x128xf32, #tpu.memory_space<hbm>> -> memref<26x128xf32, #tpu.memory_space<hbm>>
        %dma_wait3A_1073 = arith.constant 0 : i32
        %dma_wait3A_1074 = arith.constant 0 : i32
        %dma_wait3A_1075 = tpu.memref_slice %arg4[%mul3A_4, %dma_wait3A_1073, %dma_wait3A_1074] : memref<16384x26x128xf32, #tpu.memory_space<hbm>> -> memref<1x26x128xf32, #tpu.memory_space<hbm>>
        %dma_wait3A_1076 = tpu.memref_squeeze %dma_wait3A_1075 : memref<1x26x128xf32, #tpu.memory_space<hbm>> -> memref<26x128xf32, #tpu.memory_space<hbm>>
        %dma_wait3A_1077 = arith.constant 0 : i32
        %dma_wait3A_1078 = arith.constant 0 : i32
        %dma_wait3A_1079 = tpu.memref_slice %arg9[%dma_wait3A_1077, %dma_wait3A_1078] : memref<104x128xf32, #tpu.memory_space<vmem>> -> memref<26x128xf32, #tpu.memory_space<vmem>>
        tpu.wait_dma2 semaphore(%arg25 : memref<!tpu.dma_semaphore, #tpu.memory_space<semaphore_mem>>) src(%dma_wait3A_1079 : memref<26x128xf32, #tpu.memory_space<vmem>>) dst(%dma_wait3A_1076 : memref<26x128xf32, #tpu.memory_space<hbm>>)
        %dma_wait3A_1080 = arith.constant 0 : i32
        %dma_wait3A_1081 = arith.constant 0 : i32
        %dma_wait3A_1082 = tpu.memref_slice %arg9[%dma_wait3A_1080, %dma_wait3A_1081] : memref<104x128xf32, #tpu.memory_space<vmem>> -> memref<26x128xf32, #tpu.memory_space<vmem>>
        %dma_wait3A_1083 = arith.constant 0 : i32
        %dma_wait3A_1084 = arith.constant 0 : i32
        %dma_wait3A_1085 = tpu.memref_slice %arg4[%mul3A_4, %dma_wait3A_1083, %dma_wait3A_1084] : memref<16384x26x128xf32, #tpu.memory_space<hbm>> -> memref<1x26x128xf32, #tpu.memory_space<hbm>>
        %dma_wait3A_1086 = tpu.memref_squeeze %dma_wait3A_1085 : memref<1x26x128xf32, #tpu.memory_space<hbm>> -> memref<26x128xf32, #tpu.memory_space<hbm>>
        %dma_wait3A_1087 = arith.constant 0 : i32
        %dma_wait3A_1088 = arith.constant 0 : i32
        %dma_wait3A_1089 = tpu.memref_slice %arg4[%mul3A_4, %dma_wait3A_1087, %dma_wait3A_1088] : memref<16384x26x128xf32, #tpu.memory_space<hbm>> -> memref<1x26x128xf32, #tpu.memory_space<hbm>>
        %dma_wait3A_1090 = tpu.memref_squeeze %dma_wait3A_1089 : memref<1x26x128xf32, #tpu.memory_space<hbm>> -> memref<26x128xf32, #tpu.memory_space<hbm>>
        %dma_wait3A_1091 = arith.constant 0 : i32
        %dma_wait3A_1092 = arith.constant 0 : i32
        %dma_wait3A_1093 = tpu.memref_slice %arg9[%dma_wait3A_1091, %dma_wait3A_1092] : memref<104x128xf32, #tpu.memory_space<vmem>> -> memref<26x128xf32, #tpu.memory_space<vmem>>
        tpu.wait_dma2 semaphore(%arg25 : memref<!tpu.dma_semaphore, #tpu.memory_space<semaphore_mem>>) src(%dma_wait3A_1093 : memref<26x128xf32, #tpu.memory_space<vmem>>) dst(%dma_wait3A_1090 : memref<26x128xf32, #tpu.memory_space<hbm>>)
      } else {
      }
      %add3A_947 = arith.constant 4 : i32
      %add3A_948 = arith.addi %add3A_941, %add3A_947 : i32
      %lt3A_949 = arith.constant 128 : i32
      %lt3A_950 = arith.cmpi slt, %add3A_948, %lt3A_949 : i32
      %convert_element_type3A_951 = arith.extui %lt3A_950 : i1 to i32
      %cond3A_952 = arith.constant 0 : i32
      %cond3A_953 = arith.cmpi ne, %convert_element_type3A_951, %cond3A_952 : i32
      scf.if %cond3A_953 {
        %add3A_1038 = arith.constant 4 : i32
        %add3A_1039 = arith.addi %add3A_941, %add3A_1038 : i32
        %dma_start3A_1040 = arith.constant 0 : i32
        %dma_start3A_1041 = tpu.memref_slice %arg5[%add3A_1039, %dma_start3A_1040] : memref<128x104xi32, #tpu.memory_space<vmem>> -> memref<1x104xi32, #tpu.memory_space<vmem>>
        %dma_start3A_1042 = tpu.memref_squeeze %dma_start3A_1041 : memref<1x104xi32, #tpu.memory_space<vmem>> -> memref<104xi32, #tpu.memory_space<vmem>>
        %dma_start3A_1043 = arith.constant 0 : i32
        %dma_start3A_1044 = arith.constant 0 : i32
        %dma_start3A_1045 = tpu.memref_slice %arg3[%dma_start3A_1043, %dma_start3A_1044] : memref<100000x128xf32, #tpu.memory_space<hbm>> -> memref<100000x128xf32, #tpu.memory_space<hbm>>
        tpu.enqueue_indirect_dma source(%dma_start3A_1045 : memref<100000x128xf32, #tpu.memory_space<hbm>>) target(%arg9 : memref<104x128xf32, #tpu.memory_space<vmem>>) offsets(%dma_start3A_1042 : memref<104xi32, #tpu.memory_space<vmem>>) semaphore(%arg17 : memref<!tpu.dma_semaphore, #tpu.memory_space<semaphore_mem>>)
      } else {
      }
      %dma_wait3A_954 = arith.constant 0 : i32
      %dma_wait3A_955 = arith.constant 0 : i32
      %dma_wait3A_956 = tpu.memref_slice %arg5[%dma_wait3A_954, %dma_wait3A_955] : memref<128x104xi32, #tpu.memory_space<vmem>> -> memref<1x104xi32, #tpu.memory_space<vmem>>
      %dma_wait3A_957 = tpu.memref_squeeze %dma_wait3A_956 : memref<1x104xi32, #tpu.memory_space<vmem>> -> memref<104xi32, #tpu.memory_space<vmem>>
      %dma_wait3A_958 = arith.constant 0 : i32
      %dma_wait3A_959 = arith.constant 0 : i32
      %dma_wait3A_960 = tpu.memref_slice %arg3[%dma_wait3A_958, %dma_wait3A_959] : memref<100000x128xf32, #tpu.memory_space<hbm>> -> memref<100000x128xf32, #tpu.memory_space<hbm>>
      tpu.wait_indirect_dma semaphore(%arg21 : memref<!tpu.dma_semaphore, #tpu.memory_space<semaphore_mem>>) src(%dma_wait3A_960 : memref<100000x128xf32, #tpu.memory_space<hbm>>) dst(%arg13 : memref<104x128xf32, #tpu.memory_space<vmem>>)
      %mul3A_961 = arith.constant 4 : i32
      %mul3A_962 = arith.muli %add3A_941, %mul3A_961 : i32
      %add3A_963 = arith.addi %mul3A_4, %mul3A_962 : i32
      %add3A_964 = arith.constant 0 : i32
      %add3A_965 = arith.addi %add3A_963, %add3A_964 : i32
      %dma_start3A_966 = arith.constant 0 : i32
      %dma_start3A_967 = arith.constant 0 : i32
      %dma_start3A_968 = tpu.memref_slice %arg13[%dma_start3A_966, %dma_start3A_967] : memref<104x128xf32, #tpu.memory_space<vmem>> -> memref<26x128xf32, #tpu.memory_space<vmem>>
      %dma_start3A_969 = arith.constant 0 : i32
      %dma_start3A_970 = arith.constant 0 : i32
      %dma_start3A_971 = tpu.memref_slice %arg4[%add3A_965, %dma_start3A_969, %dma_start3A_970] : memref<16384x26x128xf32, #tpu.memory_space<hbm>> -> memref<1x26x128xf32, #tpu.memory_space<hbm>>
      %dma_start3A_972 = tpu.memref_squeeze %dma_start3A_971 : memref<1x26x128xf32, #tpu.memory_space<hbm>> -> memref<26x128xf32, #tpu.memory_space<hbm>>
      %dma_start3A_973 = arith.constant 0 : i32
      %dma_start3A_974 = arith.constant 0 : i32
      %dma_start3A_975 = tpu.memref_slice %arg4[%add3A_965, %dma_start3A_973, %dma_start3A_974] : memref<16384x26x128xf32, #tpu.memory_space<hbm>> -> memref<1x26x128xf32, #tpu.memory_space<hbm>>
      %dma_start3A_976 = tpu.memref_squeeze %dma_start3A_975 : memref<1x26x128xf32, #tpu.memory_space<hbm>> -> memref<26x128xf32, #tpu.memory_space<hbm>>
      %dma_start3A_977 = arith.constant 0 : i32
      %dma_start3A_978 = arith.constant 0 : i32
      %dma_start3A_979 = tpu.memref_slice %arg13[%dma_start3A_977, %dma_start3A_978] : memref<104x128xf32, #tpu.memory_space<vmem>> -> memref<26x128xf32, #tpu.memory_space<vmem>>
      tpu.enqueue_dma source(%dma_start3A_979 : memref<26x128xf32, #tpu.memory_space<vmem>>) target(%dma_start3A_976 : memref<26x128xf32, #tpu.memory_space<hbm>>) target_semaphore(%arg29 : memref<!tpu.dma_semaphore, #tpu.memory_space<semaphore_mem>>)
      %mul3A_980 = arith.constant 4 : i32
      %mul3A_981 = arith.muli %add3A_941, %mul3A_980 : i32
      %add3A_982 = arith.addi %mul3A_4, %mul3A_981 : i32
      %add3A_983 = arith.constant 1 : i32
      %add3A_984 = arith.addi %add3A_982, %add3A_983 : i32
      %dma_start3A_985 = arith.constant 26 : i32
      %dma_start3A_986 = arith.constant 0 : i32
      %dma_start3A_987 = tpu.memref_slice %arg13[%dma_start3A_985, %dma_start3A_986] : memref<104x128xf32, #tpu.memory_space<vmem>> -> memref<26x128xf32, #tpu.memory_space<vmem>>
      %dma_start3A_988 = arith.constant 0 : i32
      %dma_start3A_989 = arith.constant 0 : i32
      %dma_start3A_990 = tpu.memref_slice %arg4[%add3A_984, %dma_start3A_988, %dma_start3A_989] : memref<16384x26x128xf32, #tpu.memory_space<hbm>> -> memref<1x26x128xf32, #tpu.memory_space<hbm>>
      %dma_start3A_991 = tpu.memref_squeeze %dma_start3A_990 : memref<1x26x128xf32, #tpu.memory_space<hbm>> -> memref<26x128xf32, #tpu.memory_space<hbm>>
      %dma_start3A_992 = arith.constant 0 : i32
      %dma_start3A_993 = arith.constant 0 : i32
      %dma_start3A_994 = tpu.memref_slice %arg4[%add3A_984, %dma_start3A_992, %dma_start3A_993] : memref<16384x26x128xf32, #tpu.memory_space<hbm>> -> memref<1x26x128xf32, #tpu.memory_space<hbm>>
      %dma_start3A_995 = tpu.memref_squeeze %dma_start3A_994 : memref<1x26x128xf32, #tpu.memory_space<hbm>> -> memref<26x128xf32, #tpu.memory_space<hbm>>
      %dma_start3A_996 = arith.constant 26 : i32
      %dma_start3A_997 = arith.constant 0 : i32
      %dma_start3A_998 = tpu.memref_slice %arg13[%dma_start3A_996, %dma_start3A_997] : memref<104x128xf32, #tpu.memory_space<vmem>> -> memref<26x128xf32, #tpu.memory_space<vmem>>
      tpu.enqueue_dma source(%dma_start3A_998 : memref<26x128xf32, #tpu.memory_space<vmem>>) target(%dma_start3A_995 : memref<26x128xf32, #tpu.memory_space<hbm>>) target_semaphore(%arg29 : memref<!tpu.dma_semaphore, #tpu.memory_space<semaphore_mem>>)
      %mul3A_999 = arith.constant 4 : i32
      %mul3A_1000 = arith.muli %add3A_941, %mul3A_999 : i32
      %add3A_1001 = arith.addi %mul3A_4, %mul3A_1000 : i32
      %add3A_1002 = arith.constant 2 : i32
      %add3A_1003 = arith.addi %add3A_1001, %add3A_1002 : i32
      %dma_start3A_1004 = arith.constant 52 : i32
      %dma_start3A_1005 = arith.constant 0 : i32
      %dma_start3A_1006 = tpu.memref_slice %arg13[%dma_start3A_1004, %dma_start3A_1005] : memref<104x128xf32, #tpu.memory_space<vmem>> -> memref<26x128xf32, #tpu.memory_space<vmem>>
      %dma_start3A_1007 = arith.constant 0 : i32
      %dma_start3A_1008 = arith.constant 0 : i32
      %dma_start3A_1009 = tpu.memref_slice %arg4[%add3A_1003, %dma_start3A_1007, %dma_start3A_1008] : memref<16384x26x128xf32, #tpu.memory_space<hbm>> -> memref<1x26x128xf32, #tpu.memory_space<hbm>>
      %dma_start3A_1010 = tpu.memref_squeeze %dma_start3A_1009 : memref<1x26x128xf32, #tpu.memory_space<hbm>> -> memref<26x128xf32, #tpu.memory_space<hbm>>
      %dma_start3A_1011 = arith.constant 0 : i32
      %dma_start3A_1012 = arith.constant 0 : i32
      %dma_start3A_1013 = tpu.memref_slice %arg4[%add3A_1003, %dma_start3A_1011, %dma_start3A_1012] : memref<16384x26x128xf32, #tpu.memory_space<hbm>> -> memref<1x26x128xf32, #tpu.memory_space<hbm>>
      %dma_start3A_1014 = tpu.memref_squeeze %dma_start3A_1013 : memref<1x26x128xf32, #tpu.memory_space<hbm>> -> memref<26x128xf32, #tpu.memory_space<hbm>>
      %dma_start3A_1015 = arith.constant 52 : i32
      %dma_start3A_1016 = arith.constant 0 : i32
      %dma_start3A_1017 = tpu.memref_slice %arg13[%dma_start3A_1015, %dma_start3A_1016] : memref<104x128xf32, #tpu.memory_space<vmem>> -> memref<26x128xf32, #tpu.memory_space<vmem>>
      tpu.enqueue_dma source(%dma_start3A_1017 : memref<26x128xf32, #tpu.memory_space<vmem>>) target(%dma_start3A_1014 : memref<26x128xf32, #tpu.memory_space<hbm>>) target_semaphore(%arg29 : memref<!tpu.dma_semaphore, #tpu.memory_space<semaphore_mem>>)
      %mul3A_1018 = arith.constant 4 : i32
      %mul3A_1019 = arith.muli %add3A_941, %mul3A_1018 : i32
      %add3A_1020 = arith.addi %mul3A_4, %mul3A_1019 : i32
      %add3A_1021 = arith.constant 3 : i32
      %add3A_1022 = arith.addi %add3A_1020, %add3A_1021 : i32
      %dma_start3A_1023 = arith.constant 78 : i32
      %dma_start3A_1024 = arith.constant 0 : i32
      %dma_start3A_1025 = tpu.memref_slice %arg13[%dma_start3A_1023, %dma_start3A_1024] : memref<104x128xf32, #tpu.memory_space<vmem>> -> memref<26x128xf32, #tpu.memory_space<vmem>>
      %dma_start3A_1026 = arith.constant 0 : i32
      %dma_start3A_1027 = arith.constant 0 : i32
      %dma_start3A_1028 = tpu.memref_slice %arg4[%add3A_1022, %dma_start3A_1026, %dma_start3A_1027] : memref<16384x26x128xf32, #tpu.memory_space<hbm>> -> memref<1x26x128xf32, #tpu.memory_space<hbm>>
      %dma_start3A_1029 = tpu.memref_squeeze %dma_start3A_1028 : memref<1x26x128xf32, #tpu.memory_space<hbm>> -> memref<26x128xf32, #tpu.memory_space<hbm>>
      %dma_start3A_1030 = arith.constant 0 : i32
      %dma_start3A_1031 = arith.constant 0 : i32
      %dma_start3A_1032 = tpu.memref_slice %arg4[%add3A_1022, %dma_start3A_1030, %dma_start3A_1031] : memref<16384x26x128xf32, #tpu.memory_space<hbm>> -> memref<1x26x128xf32, #tpu.memory_space<hbm>>
      %dma_start3A_1033 = tpu.memref_squeeze %dma_start3A_1032 : memref<1x26x128xf32, #tpu.memory_space<hbm>> -> memref<26x128xf32, #tpu.memory_space<hbm>>
      %dma_start3A_1034 = arith.constant 78 : i32
      %dma_start3A_1035 = arith.constant 0 : i32
      %dma_start3A_1036 = tpu.memref_slice %arg13[%dma_start3A_1034, %dma_start3A_1035] : memref<104x128xf32, #tpu.memory_space<vmem>> -> memref<26x128xf32, #tpu.memory_space<vmem>>
      tpu.enqueue_dma source(%dma_start3A_1036 : memref<26x128xf32, #tpu.memory_space<vmem>>) target(%dma_start3A_1033 : memref<26x128xf32, #tpu.memory_space<hbm>>) target_semaphore(%arg29 : memref<!tpu.dma_semaphore, #tpu.memory_space<semaphore_mem>>)
      %scan3A_1037 = arith.constant 0 : i32
      scf.yield %scan3A_1037 : i32
    }
    %scan3A_37 = arith.constant 16 : i32
    %dma_wait3A = arith.constant 0 : i32
    %dma_wait3A_38 = arith.constant 0 : i32
    %dma_wait3A_39 = tpu.memref_slice %arg10[%dma_wait3A, %dma_wait3A_38] : memref<104x128xf32, #tpu.memory_space<vmem>> -> memref<26x128xf32, #tpu.memory_space<vmem>>
    %dma_wait3A_40 = arith.constant 0 : i32
    %dma_wait3A_41 = arith.constant 0 : i32
    %dma_wait3A_42 = tpu.memref_slice %arg4[%mul3A_4, %dma_wait3A_40, %dma_wait3A_41] : memref<16384x26x128xf32, #tpu.memory_space<hbm>> -> memref<1x26x128xf32, #tpu.memory_space<hbm>>
    %dma_wait3A_43 = tpu.memref_squeeze %dma_wait3A_42 : memref<1x26x128xf32, #tpu.memory_space<hbm>> -> memref<26x128xf32, #tpu.memory_space<hbm>>
    %dma_wait3A_44 = arith.constant 0 : i32
    %dma_wait3A_45 = arith.constant 0 : i32
    %dma_wait3A_46 = tpu.memref_slice %arg4[%mul3A_4, %dma_wait3A_44, %dma_wait3A_45] : memref<16384x26x128xf32, #tpu.memory_space<hbm>> -> memref<1x26x128xf32, #tpu.memory_space<hbm>>
    %dma_wait3A_47 = tpu.memref_squeeze %dma_wait3A_46 : memref<1x26x128xf32, #tpu.memory_space<hbm>> -> memref<26x128xf32, #tpu.memory_space<hbm>>
    %dma_wait3A_48 = arith.constant 0 : i32
    %dma_wait3A_49 = arith.constant 0 : i32
    %dma_wait3A_50 = tpu.memref_slice %arg10[%dma_wait3A_48, %dma_wait3A_49] : memref<104x128xf32, #tpu.memory_space<vmem>> -> memref<26x128xf32, #tpu.memory_space<vmem>>
    tpu.wait_dma2 semaphore(%arg26 : memref<!tpu.dma_semaphore, #tpu.memory_space<semaphore_mem>>) src(%dma_wait3A_50 : memref<26x128xf32, #tpu.memory_space<vmem>>) dst(%dma_wait3A_47 : memref<26x128xf32, #tpu.memory_space<hbm>>)
    %dma_wait3A_51 = arith.constant 0 : i32
    %dma_wait3A_52 = arith.constant 0 : i32
    %dma_wait3A_53 = tpu.memref_slice %arg10[%dma_wait3A_51, %dma_wait3A_52] : memref<104x128xf32, #tpu.memory_space<vmem>> -> memref<26x128xf32, #tpu.memory_space<vmem>>
    %dma_wait3A_54 = arith.constant 0 : i32
    %dma_wait3A_55 = arith.constant 0 : i32
    %dma_wait3A_56 = tpu.memref_slice %arg4[%mul3A_4, %dma_wait3A_54, %dma_wait3A_55] : memref<16384x26x128xf32, #tpu.memory_space<hbm>> -> memref<1x26x128xf32, #tpu.memory_space<hbm>>
    %dma_wait3A_57 = tpu.memref_squeeze %dma_wait3A_56 : memref<1x26x128xf32, #tpu.memory_space<hbm>> -> memref<26x128xf32, #tpu.memory_space<hbm>>
    %dma_wait3A_58 = arith.constant 0 : i32
    %dma_wait3A_59 = arith.constant 0 : i32
    %dma_wait3A_60 = tpu.memref_slice %arg4[%mul3A_4, %dma_wait3A_58, %dma_wait3A_59] : memref<16384x26x128xf32, #tpu.memory_space<hbm>> -> memref<1x26x128xf32, #tpu.memory_space<hbm>>
    %dma_wait3A_61 = tpu.memref_squeeze %dma_wait3A_60 : memref<1x26x128xf32, #tpu.memory_space<hbm>> -> memref<26x128xf32, #tpu.memory_space<hbm>>
    %dma_wait3A_62 = arith.constant 0 : i32
    %dma_wait3A_63 = arith.constant 0 : i32
    %dma_wait3A_64 = tpu.memref_slice %arg10[%dma_wait3A_62, %dma_wait3A_63] : memref<104x128xf32, #tpu.memory_space<vmem>> -> memref<26x128xf32, #tpu.memory_space<vmem>>
    tpu.wait_dma2 semaphore(%arg26 : memref<!tpu.dma_semaphore, #tpu.memory_space<semaphore_mem>>) src(%dma_wait3A_64 : memref<26x128xf32, #tpu.memory_space<vmem>>) dst(%dma_wait3A_61 : memref<26x128xf32, #tpu.memory_space<hbm>>)
    %dma_wait3A_65 = arith.constant 0 : i32
    %dma_wait3A_66 = arith.constant 0 : i32
    %dma_wait3A_67 = tpu.memref_slice %arg10[%dma_wait3A_65, %dma_wait3A_66] : memref<104x128xf32, #tpu.memory_space<vmem>> -> memref<26x128xf32, #tpu.memory_space<vmem>>
    %dma_wait3A_68 = arith.constant 0 : i32
    %dma_wait3A_69 = arith.constant 0 : i32
    %dma_wait3A_70 = tpu.memref_slice %arg4[%mul3A_4, %dma_wait3A_68, %dma_wait3A_69] : memref<16384x26x128xf32, #tpu.memory_space<hbm>> -> memref<1x26x128xf32, #tpu.memory_space<hbm>>
    %dma_wait3A_71 = tpu.memref_squeeze %dma_wait3A_70 : memref<1x26x128xf32, #tpu.memory_space<hbm>> -> memref<26x128xf32, #tpu.memory_space<hbm>>
    %dma_wait3A_72 = arith.constant 0 : i32
    %dma_wait3A_73 = arith.constant 0 : i32
    %dma_wait3A_74 = tpu.memref_slice %arg4[%mul3A_4, %dma_wait3A_72, %dma_wait3A_73] : memref<16384x26x128xf32, #tpu.memory_space<hbm>> -> memref<1x26x128xf32, #tpu.memory_space<hbm>>
    %dma_wait3A_75 = tpu.memref_squeeze %dma_wait3A_74 : memref<1x26x128xf32, #tpu.memory_space<hbm>> -> memref<26x128xf32, #tpu.memory_space<hbm>>
    %dma_wait3A_76 = arith.constant 0 : i32
    %dma_wait3A_77 = arith.constant 0 : i32
    %dma_wait3A_78 = tpu.memref_slice %arg10[%dma_wait3A_76, %dma_wait3A_77] : memref<104x128xf32, #tpu.memory_space<vmem>> -> memref<26x128xf32, #tpu.memory_space<vmem>>
    tpu.wait_dma2 semaphore(%arg26 : memref<!tpu.dma_semaphore, #tpu.memory_space<semaphore_mem>>) src(%dma_wait3A_78 : memref<26x128xf32, #tpu.memory_space<vmem>>) dst(%dma_wait3A_75 : memref<26x128xf32, #tpu.memory_space<hbm>>)
    %dma_wait3A_79 = arith.constant 0 : i32
    %dma_wait3A_80 = arith.constant 0 : i32
    %dma_wait3A_81 = tpu.memref_slice %arg10[%dma_wait3A_79, %dma_wait3A_80] : memref<104x128xf32, #tpu.memory_space<vmem>> -> memref<26x128xf32, #tpu.memory_space<vmem>>
    %dma_wait3A_82 = arith.constant 0 : i32
    %dma_wait3A_83 = arith.constant 0 : i32
    %dma_wait3A_84 = tpu.memref_slice %arg4[%mul3A_4, %dma_wait3A_82, %dma_wait3A_83] : memref<16384x26x128xf32, #tpu.memory_space<hbm>> -> memref<1x26x128xf32, #tpu.memory_space<hbm>>
    %dma_wait3A_85 = tpu.memref_squeeze %dma_wait3A_84 : memref<1x26x128xf32, #tpu.memory_space<hbm>> -> memref<26x128xf32, #tpu.memory_space<hbm>>
    %dma_wait3A_86 = arith.constant 0 : i32
    %dma_wait3A_87 = arith.constant 0 : i32
    %dma_wait3A_88 = tpu.memref_slice %arg4[%mul3A_4, %dma_wait3A_86, %dma_wait3A_87] : memref<16384x26x128xf32, #tpu.memory_space<hbm>> -> memref<1x26x128xf32, #tpu.memory_space<hbm>>
    %dma_wait3A_89 = tpu.memref_squeeze %dma_wait3A_88 : memref<1x26x128xf32, #tpu.memory_space<hbm>> -> memref<26x128xf32, #tpu.memory_space<hbm>>
    %dma_wait3A_90 = arith.constant 0 : i32
    %dma_wait3A_91 = arith.constant 0 : i32
    %dma_wait3A_92 = tpu.memref_slice %arg10[%dma_wait3A_90, %dma_wait3A_91] : memref<104x128xf32, #tpu.memory_space<vmem>> -> memref<26x128xf32, #tpu.memory_space<vmem>>
    tpu.wait_dma2 semaphore(%arg26 : memref<!tpu.dma_semaphore, #tpu.memory_space<semaphore_mem>>) src(%dma_wait3A_92 : memref<26x128xf32, #tpu.memory_space<vmem>>) dst(%dma_wait3A_89 : memref<26x128xf32, #tpu.memory_space<hbm>>)
    %dma_wait3A_93 = arith.constant 0 : i32
    %dma_wait3A_94 = arith.constant 0 : i32
    %dma_wait3A_95 = tpu.memref_slice %arg11[%dma_wait3A_93, %dma_wait3A_94] : memref<104x128xf32, #tpu.memory_space<vmem>> -> memref<26x128xf32, #tpu.memory_space<vmem>>
    %dma_wait3A_96 = arith.constant 0 : i32
    %dma_wait3A_97 = arith.constant 0 : i32
    %dma_wait3A_98 = tpu.memref_slice %arg4[%mul3A_4, %dma_wait3A_96, %dma_wait3A_97] : memref<16384x26x128xf32, #tpu.memory_space<hbm>> -> memref<1x26x128xf32, #tpu.memory_space<hbm>>
    %dma_wait3A_99 = tpu.memref_squeeze %dma_wait3A_98 : memref<1x26x128xf32, #tpu.memory_space<hbm>> -> memref<26x128xf32, #tpu.memory_space<hbm>>
    %dma_wait3A_100 = arith.constant 0 : i32
    %dma_wait3A_101 = arith.constant 0 : i32
    %dma_wait3A_102 = tpu.memref_slice %arg4[%mul3A_4, %dma_wait3A_100, %dma_wait3A_101] : memref<16384x26x128xf32, #tpu.memory_space<hbm>> -> memref<1x26x128xf32, #tpu.memory_space<hbm>>
    %dma_wait3A_103 = tpu.memref_squeeze %dma_wait3A_102 : memref<1x26x128xf32, #tpu.memory_space<hbm>> -> memref<26x128xf32, #tpu.memory_space<hbm>>
    %dma_wait3A_104 = arith.constant 0 : i32
    %dma_wait3A_105 = arith.constant 0 : i32
    %dma_wait3A_106 = tpu.memref_slice %arg11[%dma_wait3A_104, %dma_wait3A_105] : memref<104x128xf32, #tpu.memory_space<vmem>> -> memref<26x128xf32, #tpu.memory_space<vmem>>
    tpu.wait_dma2 semaphore(%arg27 : memref<!tpu.dma_semaphore, #tpu.memory_space<semaphore_mem>>) src(%dma_wait3A_106 : memref<26x128xf32, #tpu.memory_space<vmem>>) dst(%dma_wait3A_103 : memref<26x128xf32, #tpu.memory_space<hbm>>)
    %dma_wait3A_107 = arith.constant 0 : i32
    %dma_wait3A_108 = arith.constant 0 : i32
    %dma_wait3A_109 = tpu.memref_slice %arg11[%dma_wait3A_107, %dma_wait3A_108] : memref<104x128xf32, #tpu.memory_space<vmem>> -> memref<26x128xf32, #tpu.memory_space<vmem>>
    %dma_wait3A_110 = arith.constant 0 : i32
    %dma_wait3A_111 = arith.constant 0 : i32
    %dma_wait3A_112 = tpu.memref_slice %arg4[%mul3A_4, %dma_wait3A_110, %dma_wait3A_111] : memref<16384x26x128xf32, #tpu.memory_space<hbm>> -> memref<1x26x128xf32, #tpu.memory_space<hbm>>
    %dma_wait3A_113 = tpu.memref_squeeze %dma_wait3A_112 : memref<1x26x128xf32, #tpu.memory_space<hbm>> -> memref<26x128xf32, #tpu.memory_space<hbm>>
    %dma_wait3A_114 = arith.constant 0 : i32
    %dma_wait3A_115 = arith.constant 0 : i32
    %dma_wait3A_116 = tpu.memref_slice %arg4[%mul3A_4, %dma_wait3A_114, %dma_wait3A_115] : memref<16384x26x128xf32, #tpu.memory_space<hbm>> -> memref<1x26x128xf32, #tpu.memory_space<hbm>>
    %dma_wait3A_117 = tpu.memref_squeeze %dma_wait3A_116 : memref<1x26x128xf32, #tpu.memory_space<hbm>> -> memref<26x128xf32, #tpu.memory_space<hbm>>
    %dma_wait3A_118 = arith.constant 0 : i32
    %dma_wait3A_119 = arith.constant 0 : i32
    %dma_wait3A_120 = tpu.memref_slice %arg11[%dma_wait3A_118, %dma_wait3A_119] : memref<104x128xf32, #tpu.memory_space<vmem>> -> memref<26x128xf32, #tpu.memory_space<vmem>>
    tpu.wait_dma2 semaphore(%arg27 : memref<!tpu.dma_semaphore, #tpu.memory_space<semaphore_mem>>) src(%dma_wait3A_120 : memref<26x128xf32, #tpu.memory_space<vmem>>) dst(%dma_wait3A_117 : memref<26x128xf32, #tpu.memory_space<hbm>>)
    %dma_wait3A_121 = arith.constant 0 : i32
    %dma_wait3A_122 = arith.constant 0 : i32
    %dma_wait3A_123 = tpu.memref_slice %arg11[%dma_wait3A_121, %dma_wait3A_122] : memref<104x128xf32, #tpu.memory_space<vmem>> -> memref<26x128xf32, #tpu.memory_space<vmem>>
    %dma_wait3A_124 = arith.constant 0 : i32
    %dma_wait3A_125 = arith.constant 0 : i32
    %dma_wait3A_126 = tpu.memref_slice %arg4[%mul3A_4, %dma_wait3A_124, %dma_wait3A_125] : memref<16384x26x128xf32, #tpu.memory_space<hbm>> -> memref<1x26x128xf32, #tpu.memory_space<hbm>>
    %dma_wait3A_127 = tpu.memref_squeeze %dma_wait3A_126 : memref<1x26x128xf32, #tpu.memory_space<hbm>> -> memref<26x128xf32, #tpu.memory_space<hbm>>
    %dma_wait3A_128 = arith.constant 0 : i32
    %dma_wait3A_129 = arith.constant 0 : i32
    %dma_wait3A_130 = tpu.memref_slice %arg4[%mul3A_4, %dma_wait3A_128, %dma_wait3A_129] : memref<16384x26x128xf32, #tpu.memory_space<hbm>> -> memref<1x26x128xf32, #tpu.memory_space<hbm>>
    %dma_wait3A_131 = tpu.memref_squeeze %dma_wait3A_130 : memref<1x26x128xf32, #tpu.memory_space<hbm>> -> memref<26x128xf32, #tpu.memory_space<hbm>>
    %dma_wait3A_132 = arith.constant 0 : i32
    %dma_wait3A_133 = arith.constant 0 : i32
    %dma_wait3A_134 = tpu.memref_slice %arg11[%dma_wait3A_132, %dma_wait3A_133] : memref<104x128xf32, #tpu.memory_space<vmem>> -> memref<26x128xf32, #tpu.memory_space<vmem>>
    tpu.wait_dma2 semaphore(%arg27 : memref<!tpu.dma_semaphore, #tpu.memory_space<semaphore_mem>>) src(%dma_wait3A_134 : memref<26x128xf32, #tpu.memory_space<vmem>>) dst(%dma_wait3A_131 : memref<26x128xf32, #tpu.memory_space<hbm>>)
    %dma_wait3A_135 = arith.constant 0 : i32
    %dma_wait3A_136 = arith.constant 0 : i32
    %dma_wait3A_137 = tpu.memref_slice %arg11[%dma_wait3A_135, %dma_wait3A_136] : memref<104x128xf32, #tpu.memory_space<vmem>> -> memref<26x128xf32, #tpu.memory_space<vmem>>
    %dma_wait3A_138 = arith.constant 0 : i32
    %dma_wait3A_139 = arith.constant 0 : i32
    %dma_wait3A_140 = tpu.memref_slice %arg4[%mul3A_4, %dma_wait3A_138, %dma_wait3A_139] : memref<16384x26x128xf32, #tpu.memory_space<hbm>> -> memref<1x26x128xf32, #tpu.memory_space<hbm>>
    %dma_wait3A_141 = tpu.memref_squeeze %dma_wait3A_140 : memref<1x26x128xf32, #tpu.memory_space<hbm>> -> memref<26x128xf32, #tpu.memory_space<hbm>>
    %dma_wait3A_142 = arith.constant 0 : i32
    %dma_wait3A_143 = arith.constant 0 : i32
    %dma_wait3A_144 = tpu.memref_slice %arg4[%mul3A_4, %dma_wait3A_142, %dma_wait3A_143] : memref<16384x26x128xf32, #tpu.memory_space<hbm>> -> memref<1x26x128xf32, #tpu.memory_space<hbm>>
    %dma_wait3A_145 = tpu.memref_squeeze %dma_wait3A_144 : memref<1x26x128xf32, #tpu.memory_space<hbm>> -> memref<26x128xf32, #tpu.memory_space<hbm>>
    %dma_wait3A_146 = arith.constant 0 : i32
    %dma_wait3A_147 = arith.constant 0 : i32
    %dma_wait3A_148 = tpu.memref_slice %arg11[%dma_wait3A_146, %dma_wait3A_147] : memref<104x128xf32, #tpu.memory_space<vmem>> -> memref<26x128xf32, #tpu.memory_space<vmem>>
    tpu.wait_dma2 semaphore(%arg27 : memref<!tpu.dma_semaphore, #tpu.memory_space<semaphore_mem>>) src(%dma_wait3A_148 : memref<26x128xf32, #tpu.memory_space<vmem>>) dst(%dma_wait3A_145 : memref<26x128xf32, #tpu.memory_space<hbm>>)
    %dma_wait3A_149 = arith.constant 0 : i32
    %dma_wait3A_150 = arith.constant 0 : i32
    %dma_wait3A_151 = tpu.memref_slice %arg12[%dma_wait3A_149, %dma_wait3A_150] : memref<104x128xf32, #tpu.memory_space<vmem>> -> memref<26x128xf32, #tpu.memory_space<vmem>>
    %dma_wait3A_152 = arith.constant 0 : i32
    %dma_wait3A_153 = arith.constant 0 : i32
    %dma_wait3A_154 = tpu.memref_slice %arg4[%mul3A_4, %dma_wait3A_152, %dma_wait3A_153] : memref<16384x26x128xf32, #tpu.memory_space<hbm>> -> memref<1x26x128xf32, #tpu.memory_space<hbm>>
    %dma_wait3A_155 = tpu.memref_squeeze %dma_wait3A_154 : memref<1x26x128xf32, #tpu.memory_space<hbm>> -> memref<26x128xf32, #tpu.memory_space<hbm>>
    %dma_wait3A_156 = arith.constant 0 : i32
    %dma_wait3A_157 = arith.constant 0 : i32
    %dma_wait3A_158 = tpu.memref_slice %arg4[%mul3A_4, %dma_wait3A_156, %dma_wait3A_157] : memref<16384x26x128xf32, #tpu.memory_space<hbm>> -> memref<1x26x128xf32, #tpu.memory_space<hbm>>
    %dma_wait3A_159 = tpu.memref_squeeze %dma_wait3A_158 : memref<1x26x128xf32, #tpu.memory_space<hbm>> -> memref<26x128xf32, #tpu.memory_space<hbm>>
    %dma_wait3A_160 = arith.constant 0 : i32
    %dma_wait3A_161 = arith.constant 0 : i32
    %dma_wait3A_162 = tpu.memref_slice %arg12[%dma_wait3A_160, %dma_wait3A_161] : memref<104x128xf32, #tpu.memory_space<vmem>> -> memref<26x128xf32, #tpu.memory_space<vmem>>
    tpu.wait_dma2 semaphore(%arg28 : memref<!tpu.dma_semaphore, #tpu.memory_space<semaphore_mem>>) src(%dma_wait3A_162 : memref<26x128xf32, #tpu.memory_space<vmem>>) dst(%dma_wait3A_159 : memref<26x128xf32, #tpu.memory_space<hbm>>)
    %dma_wait3A_163 = arith.constant 0 : i32
    %dma_wait3A_164 = arith.constant 0 : i32
    %dma_wait3A_165 = tpu.memref_slice %arg12[%dma_wait3A_163, %dma_wait3A_164] : memref<104x128xf32, #tpu.memory_space<vmem>> -> memref<26x128xf32, #tpu.memory_space<vmem>>
    %dma_wait3A_166 = arith.constant 0 : i32
    %dma_wait3A_167 = arith.constant 0 : i32
    %dma_wait3A_168 = tpu.memref_slice %arg4[%mul3A_4, %dma_wait3A_166, %dma_wait3A_167] : memref<16384x26x128xf32, #tpu.memory_space<hbm>> -> memref<1x26x128xf32, #tpu.memory_space<hbm>>
    %dma_wait3A_169 = tpu.memref_squeeze %dma_wait3A_168 : memref<1x26x128xf32, #tpu.memory_space<hbm>> -> memref<26x128xf32, #tpu.memory_space<hbm>>
    %dma_wait3A_170 = arith.constant 0 : i32
    %dma_wait3A_171 = arith.constant 0 : i32
    %dma_wait3A_172 = tpu.memref_slice %arg4[%mul3A_4, %dma_wait3A_170, %dma_wait3A_171] : memref<16384x26x128xf32, #tpu.memory_space<hbm>> -> memref<1x26x128xf32, #tpu.memory_space<hbm>>
    %dma_wait3A_173 = tpu.memref_squeeze %dma_wait3A_172 : memref<1x26x128xf32, #tpu.memory_space<hbm>> -> memref<26x128xf32, #tpu.memory_space<hbm>>
    %dma_wait3A_174 = arith.constant 0 : i32
    %dma_wait3A_175 = arith.constant 0 : i32
    %dma_wait3A_176 = tpu.memref_slice %arg12[%dma_wait3A_174, %dma_wait3A_175] : memref<104x128xf32, #tpu.memory_space<vmem>> -> memref<26x128xf32, #tpu.memory_space<vmem>>
    tpu.wait_dma2 semaphore(%arg28 : memref<!tpu.dma_semaphore, #tpu.memory_space<semaphore_mem>>) src(%dma_wait3A_176 : memref<26x128xf32, #tpu.memory_space<vmem>>) dst(%dma_wait3A_173 : memref<26x128xf32, #tpu.memory_space<hbm>>)
    %dma_wait3A_177 = arith.constant 0 : i32
    %dma_wait3A_178 = arith.constant 0 : i32
    %dma_wait3A_179 = tpu.memref_slice %arg12[%dma_wait3A_177, %dma_wait3A_178] : memref<104x128xf32, #tpu.memory_space<vmem>> -> memref<26x128xf32, #tpu.memory_space<vmem>>
    %dma_wait3A_180 = arith.constant 0 : i32
    %dma_wait3A_181 = arith.constant 0 : i32
    %dma_wait3A_182 = tpu.memref_slice %arg4[%mul3A_4, %dma_wait3A_180, %dma_wait3A_181] : memref<16384x26x128xf32, #tpu.memory_space<hbm>> -> memref<1x26x128xf32, #tpu.memory_space<hbm>>
    %dma_wait3A_183 = tpu.memref_squeeze %dma_wait3A_182 : memref<1x26x128xf32, #tpu.memory_space<hbm>> -> memref<26x128xf32, #tpu.memory_space<hbm>>
    %dma_wait3A_184 = arith.constant 0 : i32
    %dma_wait3A_185 = arith.constant 0 : i32
    %dma_wait3A_186 = tpu.memref_slice %arg4[%mul3A_4, %dma_wait3A_184, %dma_wait3A_185] : memref<16384x26x128xf32, #tpu.memory_space<hbm>> -> memref<1x26x128xf32, #tpu.memory_space<hbm>>
    %dma_wait3A_187 = tpu.memref_squeeze %dma_wait3A_186 : memref<1x26x128xf32, #tpu.memory_space<hbm>> -> memref<26x128xf32, #tpu.memory_space<hbm>>
    %dma_wait3A_188 = arith.constant 0 : i32
    %dma_wait3A_189 = arith.constant 0 : i32
    %dma_wait3A_190 = tpu.memref_slice %arg12[%dma_wait3A_188, %dma_wait3A_189] : memref<104x128xf32, #tpu.memory_space<vmem>> -> memref<26x128xf32, #tpu.memory_space<vmem>>
    tpu.wait_dma2 semaphore(%arg28 : memref<!tpu.dma_semaphore, #tpu.memory_space<semaphore_mem>>) src(%dma_wait3A_190 : memref<26x128xf32, #tpu.memory_space<vmem>>) dst(%dma_wait3A_187 : memref<26x128xf32, #tpu.memory_space<hbm>>)
    %dma_wait3A_191 = arith.constant 0 : i32
    %dma_wait3A_192 = arith.constant 0 : i32
    %dma_wait3A_193 = tpu.memref_slice %arg12[%dma_wait3A_191, %dma_wait3A_192] : memref<104x128xf32, #tpu.memory_space<vmem>> -> memref<26x128xf32, #tpu.memory_space<vmem>>
    %dma_wait3A_194 = arith.constant 0 : i32
    %dma_wait3A_195 = arith.constant 0 : i32
    %dma_wait3A_196 = tpu.memref_slice %arg4[%mul3A_4, %dma_wait3A_194, %dma_wait3A_195] : memref<16384x26x128xf32, #tpu.memory_space<hbm>> -> memref<1x26x128xf32, #tpu.memory_space<hbm>>
    %dma_wait3A_197 = tpu.memref_squeeze %dma_wait3A_196 : memref<1x26x128xf32, #tpu.memory_space<hbm>> -> memref<26x128xf32, #tpu.memory_space<hbm>>
    %dma_wait3A_198 = arith.constant 0 : i32
    %dma_wait3A_199 = arith.constant 0 : i32
    %dma_wait3A_200 = tpu.memref_slice %arg4[%mul3A_4, %dma_wait3A_198, %dma_wait3A_199] : memref<16384x26x128xf32, #tpu.memory_space<hbm>> -> memref<1x26x128xf32, #tpu.memory_space<hbm>>
    %dma_wait3A_201 = tpu.memref_squeeze %dma_wait3A_200 : memref<1x26x128xf32, #tpu.memory_space<hbm>> -> memref<26x128xf32, #tpu.memory_space<hbm>>
    %dma_wait3A_202 = arith.constant 0 : i32
    %dma_wait3A_203 = arith.constant 0 : i32
    %dma_wait3A_204 = tpu.memref_slice %arg12[%dma_wait3A_202, %dma_wait3A_203] : memref<104x128xf32, #tpu.memory_space<vmem>> -> memref<26x128xf32, #tpu.memory_space<vmem>>
    tpu.wait_dma2 semaphore(%arg28 : memref<!tpu.dma_semaphore, #tpu.memory_space<semaphore_mem>>) src(%dma_wait3A_204 : memref<26x128xf32, #tpu.memory_space<vmem>>) dst(%dma_wait3A_201 : memref<26x128xf32, #tpu.memory_space<hbm>>)
    %dma_wait3A_205 = arith.constant 0 : i32
    %dma_wait3A_206 = arith.constant 0 : i32
    %dma_wait3A_207 = tpu.memref_slice %arg13[%dma_wait3A_205, %dma_wait3A_206] : memref<104x128xf32, #tpu.memory_space<vmem>> -> memref<26x128xf32, #tpu.memory_space<vmem>>
    %dma_wait3A_208 = arith.constant 0 : i32
    %dma_wait3A_209 = arith.constant 0 : i32
    %dma_wait3A_210 = tpu.memref_slice %arg4[%mul3A_4, %dma_wait3A_208, %dma_wait3A_209] : memref<16384x26x128xf32, #tpu.memory_space<hbm>> -> memref<1x26x128xf32, #tpu.memory_space<hbm>>
    %dma_wait3A_211 = tpu.memref_squeeze %dma_wait3A_210 : memref<1x26x128xf32, #tpu.memory_space<hbm>> -> memref<26x128xf32, #tpu.memory_space<hbm>>
    %dma_wait3A_212 = arith.constant 0 : i32
    %dma_wait3A_213 = arith.constant 0 : i32
    %dma_wait3A_214 = tpu.memref_slice %arg4[%mul3A_4, %dma_wait3A_212, %dma_wait3A_213] : memref<16384x26x128xf32, #tpu.memory_space<hbm>> -> memref<1x26x128xf32, #tpu.memory_space<hbm>>
    %dma_wait3A_215 = tpu.memref_squeeze %dma_wait3A_214 : memref<1x26x128xf32, #tpu.memory_space<hbm>> -> memref<26x128xf32, #tpu.memory_space<hbm>>
    %dma_wait3A_216 = arith.constant 0 : i32
    %dma_wait3A_217 = arith.constant 0 : i32
    %dma_wait3A_218 = tpu.memref_slice %arg13[%dma_wait3A_216, %dma_wait3A_217] : memref<104x128xf32, #tpu.memory_space<vmem>> -> memref<26x128xf32, #tpu.memory_space<vmem>>
    tpu.wait_dma2 semaphore(%arg29 : memref<!tpu.dma_semaphore, #tpu.memory_space<semaphore_mem>>) src(%dma_wait3A_218 : memref<26x128xf32, #tpu.memory_space<vmem>>) dst(%dma_wait3A_215 : memref<26x128xf32, #tpu.memory_space<hbm>>)
    %dma_wait3A_219 = arith.constant 0 : i32
    %dma_wait3A_220 = arith.constant 0 : i32
    %dma_wait3A_221 = tpu.memref_slice %arg13[%dma_wait3A_219, %dma_wait3A_220] : memref<104x128xf32, #tpu.memory_space<vmem>> -> memref<26x128xf32, #tpu.memory_space<vmem>>
    %dma_wait3A_222 = arith.constant 0 : i32
    %dma_wait3A_223 = arith.constant 0 : i32
    %dma_wait3A_224 = tpu.memref_slice %arg4[%mul3A_4, %dma_wait3A_222, %dma_wait3A_223] : memref<16384x26x128xf32, #tpu.memory_space<hbm>> -> memref<1x26x128xf32, #tpu.memory_space<hbm>>
    %dma_wait3A_225 = tpu.memref_squeeze %dma_wait3A_224 : memref<1x26x128xf32, #tpu.memory_space<hbm>> -> memref<26x128xf32, #tpu.memory_space<hbm>>
    %dma_wait3A_226 = arith.constant 0 : i32
    %dma_wait3A_227 = arith.constant 0 : i32
    %dma_wait3A_228 = tpu.memref_slice %arg4[%mul3A_4, %dma_wait3A_226, %dma_wait3A_227] : memref<16384x26x128xf32, #tpu.memory_space<hbm>> -> memref<1x26x128xf32, #tpu.memory_space<hbm>>
    %dma_wait3A_229 = tpu.memref_squeeze %dma_wait3A_228 : memref<1x26x128xf32, #tpu.memory_space<hbm>> -> memref<26x128xf32, #tpu.memory_space<hbm>>
    %dma_wait3A_230 = arith.constant 0 : i32
    %dma_wait3A_231 = arith.constant 0 : i32
    %dma_wait3A_232 = tpu.memref_slice %arg13[%dma_wait3A_230, %dma_wait3A_231] : memref<104x128xf32, #tpu.memory_space<vmem>> -> memref<26x128xf32, #tpu.memory_space<vmem>>
    tpu.wait_dma2 semaphore(%arg29 : memref<!tpu.dma_semaphore, #tpu.memory_space<semaphore_mem>>) src(%dma_wait3A_232 : memref<26x128xf32, #tpu.memory_space<vmem>>) dst(%dma_wait3A_229 : memref<26x128xf32, #tpu.memory_space<hbm>>)
    %dma_wait3A_233 = arith.constant 0 : i32
    %dma_wait3A_234 = arith.constant 0 : i32
    %dma_wait3A_235 = tpu.memref_slice %arg13[%dma_wait3A_233, %dma_wait3A_234] : memref<104x128xf32, #tpu.memory_space<vmem>> -> memref<26x128xf32, #tpu.memory_space<vmem>>
    %dma_wait3A_236 = arith.constant 0 : i32
    %dma_wait3A_237 = arith.constant 0 : i32
    %dma_wait3A_238 = tpu.memref_slice %arg4[%mul3A_4, %dma_wait3A_236, %dma_wait3A_237] : memref<16384x26x128xf32, #tpu.memory_space<hbm>> -> memref<1x26x128xf32, #tpu.memory_space<hbm>>
    %dma_wait3A_239 = tpu.memref_squeeze %dma_wait3A_238 : memref<1x26x128xf32, #tpu.memory_space<hbm>> -> memref<26x128xf32, #tpu.memory_space<hbm>>
    %dma_wait3A_240 = arith.constant 0 : i32
    %dma_wait3A_241 = arith.constant 0 : i32
    %dma_wait3A_242 = tpu.memref_slice %arg4[%mul3A_4, %dma_wait3A_240, %dma_wait3A_241] : memref<16384x26x128xf32, #tpu.memory_space<hbm>> -> memref<1x26x128xf32, #tpu.memory_space<hbm>>
    %dma_wait3A_243 = tpu.memref_squeeze %dma_wait3A_242 : memref<1x26x128xf32, #tpu.memory_space<hbm>> -> memref<26x128xf32, #tpu.memory_space<hbm>>
    %dma_wait3A_244 = arith.constant 0 : i32
    %dma_wait3A_245 = arith.constant 0 : i32
    %dma_wait3A_246 = tpu.memref_slice %arg13[%dma_wait3A_244, %dma_wait3A_245] : memref<104x128xf32, #tpu.memory_space<vmem>> -> memref<26x128xf32, #tpu.memory_space<vmem>>
    tpu.wait_dma2 semaphore(%arg29 : memref<!tpu.dma_semaphore, #tpu.memory_space<semaphore_mem>>) src(%dma_wait3A_246 : memref<26x128xf32, #tpu.memory_space<vmem>>) dst(%dma_wait3A_243 : memref<26x128xf32, #tpu.memory_space<hbm>>)
    %dma_wait3A_247 = arith.constant 0 : i32
    %dma_wait3A_248 = arith.constant 0 : i32
    %dma_wait3A_249 = tpu.memref_slice %arg13[%dma_wait3A_247, %dma_wait3A_248] : memref<104x128xf32, #tpu.memory_space<vmem>> -> memref<26x128xf32, #tpu.memory_space<vmem>>
    %dma_wait3A_250 = arith.constant 0 : i32
    %dma_wait3A_251 = arith.constant 0 : i32
    %dma_wait3A_252 = tpu.memref_slice %arg4[%mul3A_4, %dma_wait3A_250, %dma_wait3A_251] : memref<16384x26x128xf32, #tpu.memory_space<hbm>> -> memref<1x26x128xf32, #tpu.memory_space<hbm>>
    %dma_wait3A_253 = tpu.memref_squeeze %dma_wait3A_252 : memref<1x26x128xf32, #tpu.memory_space<hbm>> -> memref<26x128xf32, #tpu.memory_space<hbm>>
    %dma_wait3A_254 = arith.constant 0 : i32
    %dma_wait3A_255 = arith.constant 0 : i32
    %dma_wait3A_256 = tpu.memref_slice %arg4[%mul3A_4, %dma_wait3A_254, %dma_wait3A_255] : memref<16384x26x128xf32, #tpu.memory_space<hbm>> -> memref<1x26x128xf32, #tpu.memory_space<hbm>>
    %dma_wait3A_257 = tpu.memref_squeeze %dma_wait3A_256 : memref<1x26x128xf32, #tpu.memory_space<hbm>> -> memref<26x128xf32, #tpu.memory_space<hbm>>
    %dma_wait3A_258 = arith.constant 0 : i32
    %dma_wait3A_259 = arith.constant 0 : i32
    %dma_wait3A_260 = tpu.memref_slice %arg13[%dma_wait3A_258, %dma_wait3A_259] : memref<104x128xf32, #tpu.memory_space<vmem>> -> memref<26x128xf32, #tpu.memory_space<vmem>>
    tpu.wait_dma2 semaphore(%arg29 : memref<!tpu.dma_semaphore, #tpu.memory_space<semaphore_mem>>) src(%dma_wait3A_260 : memref<26x128xf32, #tpu.memory_space<vmem>>) dst(%dma_wait3A_257 : memref<26x128xf32, #tpu.memory_space<hbm>>)
    return
  }
}

</mosaic_0001>

<sc_bundles>
// kernel: kernel.3.cloned.1.call-start
scs
__scs_entry_jumppad:
0x0: {  	(pc) =	sbr.rel $0x88, $3  }
0x1: {  	(tag) =	ssettag $0x0;
	lr =	simm.s32 $0x1  }
0x2: {  	[smem:$0x3F9F] =	sst lr;
	_ =	strace $0xD0000000  }
0x3: {  	_ = 	snop  }
0x4: {  	_ = 	snop  }
0x5: {  	_ = 	snop  }
0x6: {  	_ = 	snop  }
0x7: {  	_ = 	snop  }
__scs_overlays_trampoline_lowered:
0x8: {  	[smem:$0x3FAE] =	sst s0  }
0x9: {  	[smem:$0x3FAF] =	sst s1  }
0xa: {  	[smem:$0x3FB0] =	sst s2  }
0xb: {  	[smem:$0x3FB1] =	sst s3  }
0xc: {  	[smem:$0x3FB2] =	sst s4  }
0xd: {  	[smem:$0x3FB3] =	sst s5  }
0xe: {  	[smem:$0x3FB4] =	sst s6  }
0xf: {  	[smem:$0x3FB5] =	sst s7  }
0x10: {  	[smem:$0x3FB6] =	sst s8  }
0x11: {  	[smem:$0x3FB7] =	sst s9;
	s0 =	simm.s32 @!p0 $0x0  }
0x12: {  	s1 =	sld [smem:$0x3F9D];
	s0 =	simm.s32 @p0 $0x1  }
0x13: {  	[smem:$0x3FB8] =	sst s0;
	s0 =	simm.s32 @!p1 $0x0  }
0x14: {  	s2 =	sld [smem:$0x3F9C];
	s0 =	simm.s32 @p1 $0x1  }
0x15: {  	[smem:$0x3FB9] =	sst s0;
	s0 =	simm.s32 @!p2 $0x0  }
0x16: {  	s3 =	sld [smem:$0x3FDB];
	s0 =	simm.s32 @p2 $0x1  }
0x17: {  	s4 =	simm.s32 $0x1BF5;
	[smem:$0x3FBB] =	sst s0  }
0x18: {  	s0 =	sld [smem:$0x3F9E];
	_ =	swait.ge [sflag:s4], $0x0  }
0x19: {  	s7 =	sld [smem:$0x3F9F]  }
0x1a: {  	s8 =	sadd.s32 $0xFFFFE003, lr  }
0x1b: {  	s9 =	sadd.s32 $0xFFFFFEF7, lr;
	s5 =	simm.s32 $0xFFFFFFFF;
	p2 =	slt.u32 s8, $0xFFFFF086  }
0x1c: {  	p1 =	slt.u32 s9, $0xF7A;
	s5 =	simm.s32 @!p2 $0x0  }
0x1d: {  	s5 =	simm.s32 @p1 $0x1;
	p0 =	seq.s32 s7, s2  }
0x1e: {  	s7 =	smul.u32 @!p0 $0xF7A, s2;
	p2 =	seq.s32 @!p0 s5, $0x0  }
0x1f: {  	s9 =	smul.u32 $0xF7A, s1;
	s8 =	simm.s32 @!p0 $0x1BF5;
	p2 =	por !p2, p0  }
0x20: {  	[sflag:s8] =	ssyncset.s32 @!p0 $0xFFFFF086;
	s6 =	sadd.s32 @!p0 s3, s7;
	s7 =	simm.s32 @!p0 $0x108  }
0x21: {  	s3 =	sadd.s32 s3, s9;
	s6 =	sadd.s32 @!p0 $0x88, s6;
	s7 =	simm.s32 @p2 $0x1082  }
0x22: {  	[simem:s7], [sflag:s8] =	dma.local @!p0 [hbm:s6], $0xF7A  }
0x23: {  	s9 =	sor.u32 $0xD0000000, s2;
	s6 =	simm.s32 $0x108;
	_ =	swait.ge @!p0 [sflag:s8], $0x0  }
0x24: {  	s3 =	sadd.s32 $0x88, s3;
	s6 =	simm.s32 @!p1 $0x1082;
	[sflag:s4] =	ssyncset.s32 $0xFFFFF086  }
0x25: {  	[simem:s6], [sflag:s4] =	dma.local [hbm:s3], $0xF7A  }
0x26: {  	[smem:$0x3F9F] =	sst s1;
	(tag) =	ssettag s2;
	_ =	strace s9  }
0x27: {  	s1 =	sld [smem:$0x3FAF]  }
0x28: {  	s2 =	sld [smem:$0x3FB0]  }
0x29: {  	s4 =	sld [smem:$0x3FB2]  }
0x2a: {  	p0 =	seq.s32 s5, $0x0;
	s5 =	sld [smem:$0x3FB3]  }
0x2b: {  	s6 =	sld [smem:$0x3FB4]  }
0x2c: {  	s7 =	sld [smem:$0x3FB5]  }
0x2d: {  	s3 =	simm.s32 $0x108;
	s8 =	sld [smem:$0x3FB6]  }
0x2e: {  	s3 =	simm.s32 @!p0 $0x1082;
	s9 =	sld [smem:$0x3FB7]  }
0x2f: {  	lr =	sadd.s32 s0, s3;
	s0 =	sld [smem:$0x3FAE]  }
0x30: {  	s3 =	sld [smem:$0x3FB1]  }
0x31: {  	[smem:$0x3FBA] =	sst s10  }
0x32: {  	s10 =	sld [smem:$0x3FB8];
	_ =	sdelay $0x3  }
0x33: {  	p0 =	seq.s32 s10, $0x1;
	s10 =	sld [smem:$0x3FBA];
	_ =	sdelay $0x3  }
0x34: {  	[smem:$0x3FBA] =	sst s10  }
0x35: {  	s10 =	sld [smem:$0x3FB9];
	_ =	sdelay $0x3  }
0x36: {  	p1 =	seq.s32 s10, $0x1;
	s10 =	sld [smem:$0x3FBA];
	_ =	sdelay $0x3  }
0x37: {  	[smem:$0x3FBA] =	sst s10  }
0x38: {  	s10 =	sld [smem:$0x3FBB]  }
0x39: {  	_ = 	snop;
	(pc) =	sbr.ind lr, $3  }
0x3a: {  	_ = 	snop  }
0x3b: {  	_ = 	snop  }
0x3c: {  	p2 =	seq.s32 s10, $0x1;
	s10 =	sld [smem:$0x3FBA]  }
0x3d: {  	_ =	shalt  }
0x3e: {  	_ =	shalt  }
0x3f: {  	_ =	shalt  }
0x40: {  	_ =	shalt  }
0x41: {  	_ =	shalt  }
0x42: {  	_ =	shalt  }
0x43: {  	_ =	shalt  }
0x44: {  	_ =	shalt  }
0x45: {  	_ =	shalt  }
0x46: {  	_ =	shalt  }
0x47: {  	_ =	shalt  }
0x48: {  	_ =	shalt  }
0x49: {  	_ =	shalt  }
0x4a: {  	_ =	shalt  }
0x4b: {  	_ =	shalt  }
0x4c: {  	_ =	shalt  }
0x4d: {  	_ =	shalt  }
0x4e: {  	_ =	shalt  }
0x4f: {  	_ =	shalt  }
0x50: {  	_ =	shalt  }
0x51: {  	_ =	shalt  }
0x52: {  	_ =	shalt  }
0x53: {  	_ =	shalt  }
0x54: {  	_ =	shalt  }
0x55: {  	_ =	shalt  }
0x56: {  	_ =	shalt  }
0x57: {  	_ =	shalt  }
0x58: {  	_ =	shalt  }
0x59: {  	_ =	shalt  }
0x5a: {  	_ =	shalt  }
0x5b: {  	_ =	shalt  }
0x5c: {  	_ =	shalt  }
0x5d: {  	_ =	shalt  }
0x5e: {  	_ =	shalt  }
0x5f: {  	_ =	shalt  }
0x60: {  	_ =	shalt  }
0x61: {  	_ =	shalt  }
0x62: {  	_ =	shalt  }
0x63: {  	_ =	shalt  }
0x64: {  	_ =	shalt  }
0x65: {  	_ =	shalt  }
0x66: {  	_ =	shalt  }
0x67: {  	_ =	shalt  }
0x68: {  	_ =	shalt  }
0x69: {  	_ =	shalt  }
0x6a: {  	_ =	shalt  }
0x6b: {  	_ =	shalt  }
0x6c: {  	_ =	shalt  }
0x6d: {  	_ =	shalt  }
0x6e: {  	_ =	shalt  }
0x6f: {  	_ =	shalt  }
0x70: {  	_ =	shalt  }
0x71: {  	_ =	shalt  }
0x72: {  	_ =	shalt  }
0x73: {  	_ =	shalt  }
0x74: {  	_ =	shalt  }
0x75: {  	_ =	shalt  }
0x76: {  	_ =	shalt  }
0x77: {  	_ =	shalt  }
0x78: {  	_ =	shalt  }
0x79: {  	_ =	shalt  }
0x7a: {  	_ =	shalt  }
0x7b: {  	_ =	shalt  }
0x7c: {  	_ =	shalt  }
0x7d: {  	_ =	shalt  }
0x7e: {  	_ =	shalt  }
0x7f: {  	_ =	shalt  }
0x80: {  	_ =	shalt  }
0x81: {  	_ =	shalt  }
0x82: {  	_ =	shalt  }
0x83: {  	_ =	shalt  }
0x84: {  	_ =	shalt  }
0x85: {  	_ =	shalt  }
0x86: {  	_ =	shalt  }
0x87: {  	_ =	shalt  }
.Lfunc_end0:
.L_simem_size_0:
called_computation_lowered:
.L_overlay_start_0:
0x88: {  	s2 =	sld [smem:$0x3FD9]  }
0x89: {  	s3 =	sld [smem:$0x3FFE];
	_ =	sdelay $0x1  }
0x8a: {  	s1 =	srdreg.scid  }
0x8b: {  	s0 =	sand.u32 $0x1, s1  }
0x8c: {  	s17 =	sshll.u32 s0, $0xA;
	s2 =	sadd.s32 s3, s2  }
0x8d: {  	s2 =	sadd.s32 s2, s17  }
0x8e: {  	[smem:$0x3FC6] =	sst s2  }
0x8f: {  	_ = 	snop  }
0x90: {  	s2 =	sld [smem:$0x3FC8]  }
0x91: {  	s18 =	sld [smem:$0x3FD0];
	(tm) =	ssettm $0x1  }
0x92: {  	s4 =	sld [smem:$0x3FFB];
	_ =	sdelay $0x3  }
0x93: {  	_ =	strace s4  }
0x94: {  	s4 =	sld [smem:$0x3FFC];
	_ =	sdelay $0x3  }
0x95: {  	_ =	strace s4  }
0x96: {  	s4 =	sld [smem:$0x3FFD];
	_ =	sdelay $0x3  }
0x97: {  	_ =	strace s4  }
0x98: {  	_ =	strace $0x8FFFFFFF  }
0x99: {  	s19 =	sld [smem:$0x3FDB];
	_ =	sdelay $0x1  }
0x9a: {  	s5 =	simm.s32 $_scs_section_size  }
0x9b: {  	s6 =	simm.s32 $_size__tile_overlayer_lowered;
	s7 =	simm.s32 $_tile_overlayer_lowered  }
0x9c: {  	s22 =	simm.s32 $0x1BFF;
	s21 =	sshll.u32 s7, $0x1;
	s4 =	sadd.s32 s5, s19  }
0x9d: {  	s8 =	simm.s32 $0x0;
	s20 =	sshll.u32 s6, $0x1;
	s6 =	sadd.s32 s21, s4  }
0x9e: {  	[timem:s8], [sflag:s22] =	dma.local [hbm:s6], s20  }
0x9f: {  	_ =	swait.ge [sflag:s22], s20  }
0xa0: {  	s5 =	ssub.s32 $0x0, s20;
	[sflag:s22] =	ssyncset.done $0x0  }
0xa1: {  	[sflag:s22] =	ssyncadd.s32 s5;
	_ =	sdelay $0x1  }
0xa2: {  	s23 =	simm.s32 $0x1B8B  }
0xa3: {  	_ =	swait.ge [sflag:s23], $0x1  }
0xa4: {  	[sflag:s23] =	ssyncset.done $0x0  }
0xa5: {  	s25 =	simm.s32 $0x1B8E;
	s24 =	sld [smem:$0x3FFE];
	[sflag:s23] =	ssyncadd.s32 $0xFFFFFFFF  }
0xa6: {  	s26 =	simm.s32 $execute0_lowered;
	[smem:$0x3FD2] =	sst s25  }
0xa7: {  	s6 =	sshll.u32 s26, $0x1;
	_ =	strace $0x80000046;
	[dreg:$0x1] =	wrdreg $0xFFFFFFFF  }
0xa8: {  	s28 =	simm.s32 $_size_execute0_lowered;
	s4 =	sadd.s32 s4, s6;
	[dreg:$0x0] =	wrdreg $0x0  }
0xa9: {  	s6 =	sshll.u32 s28, $0x1;
	[dreg:$0x2] =	wrdreg s4  }
0xaa: {  	[dreg:$0x3] =	wrdreg s6  }
0xab: {  	[dreg:$0x4] =	wrdreg $0xC0  }
0xac: {  	_ =	task [dreg:s8], $0x5FFFF  }
0xad: {  	[dreg:$0x1] =	wrdreg $0xFFFFFFFF  }
0xae: {  	[dreg:$0x0] =	wrdreg $0x60  }
0xaf: {  	[dreg:$0x2] =	wrdreg s18  }
0xb0: {  	[dreg:$0x3] =	wrdreg s2  }
0xb1: {  	[dreg:$0x4] =	wrdreg s24  }
0xb2: {  	[dreg:$0x5] =	wrdreg $0x9  }
0xb3: {  	_ =	task.clear_ibuf [dreg:s8], $0x6FFFF;
	_ =	strace $0x90000046  }
0xb4: {  	s29 =	simm.s32 $0x9;
	_ =	strace $0x80000048  }
0xb5: {  	_ =	swait.ge [sflag:s29], $0x1  }
0xb6: {  	[sflag:s29] =	ssyncadd.s32 $0xFFFFFFFF  }
0xb7: {  	_ =	strace $0x90000048  }
0xb8: {  	_ =	sfence  }
0xb9: {  	s30 =	sld [smem:$0x0];
	_ =	sdelay $0x2  }
0xba: {  	s31 =	sshll.u32 s1, $0xD;
	s1 =	sshrl.u32 s1, $0x2  }
0xbb: {  	s3 =	sand.u32 $0x4000, s31;
	s1 =	sadd.s32 s1, s30  }
0xbc: {  	s0 =	sor.u32 s3, s0;
	s1 =	sshll.u32 s1, $0x11  }
0xbd: {  	s0 =	sor.u32 s1, s0  }
0xbe: {  	s0 =	sadd.s32 $0x8F2B, s0  }
0xbf: {  	[sflag:s0] =	ssyncadd.remote.s32 $0x1  }
0xc0: {  	_ =	sfence.sel $0xFFFF  }
0xc1: {  	[dreg:$0x0] =	wrdreg $0xFFFFFFFF;
	(pc) =	sbr.abs _section_cstart, $3  }
0xc2: {  	[dreg:$0x1] =	wrdreg $0xFFFFFFFF  }
0xc3: {  	_ =	task.clear_ibuf [dreg:s8], $0x2FFFF;
	_ =	strace $0x9FFFFFFF  }
0xc4: {  	(tm) =	ssettm $0x7FFFFFFF  }
0xc5: {  	_ =	shalt  }
tec
execute0_lowered:
.L_overlay_start_1:
0x0: {  	(tag) =	ssettag $0x1  }
0x1: {  	s0 =	rddreg [dreg:$0x0]  }
0x2: {  	s1 =	rddreg [dreg:$0x1]  }
0x3: {  	s2 =	rddreg [dreg:$0x2];
	s4 =	srdreg.scid;
	s3 =	simm.s32 $0x0  }
0x4: {  	s8 =	stileid.u32;
	s24 =	simm.s32 $0x4D00;
	s25 =	simm.s32 $0x5A00  }
0x5: {  	s26 =	simm.s32 $0x6700;
	s9 =	simm.s32 $0xB500;
	[smem:$0x7FF] =	sst s3  }
0x6: {  	s10 =	simm.s32 $0xC200;
	_ =	strace $0x80000047;
	[dreg:$0x8] =	wrdreg s24  }
0x7: {  	s11 =	simm.s32 $0xCF00;
	s5 =	sshll.u32 s8, $0x13;
	[dreg:$0x9] =	wrdreg s25  }
0x8: {  	s23 =	sshll.u32 s8, $0xC;
	s8 =	simm.s32 $0x9B00;
	[dreg:$0xa] =	wrdreg s26  }
0x9: {  	s12 =	simm.s32 $0xE900;
	s13 =	simm.s32 $0xF600;
	[dreg:$0xd] =	wrdreg s8  }
0xa: {  	s14 =	simm.s32 $0x10300;
	s15 =	simm.s32 $0x11D00;
	[dreg:$0xe] =	wrdreg s9  }
0xb: {  	s16 =	simm.s32 $0x12A00;
	s17 =	simm.s32 $0x13700;
	[dreg:$0xf] =	wrdreg s10  }
0xc: {  	s18 =	simm.s32 $0x15100;
	s28 =	simm.s32 $0xB;
	[dreg:$0x10] =	wrdreg s11  }
0xd: {  	s29 =	simm.s32 $0x7;
	s30 =	simm.s32 $0xC;
	[dreg:$0x11] =	wrdreg s12  }
0xe: {  	s31 =	simm.s32 $0x8;
	s4 =	sand.u32 $0x1, s4;
	[dreg:$0x12] =	wrdreg s13  }
0xf: {  	s2 =	sadd.s32 $0x400, s2;
	s6 =	sshll.u32 s4, $0x12;
	[dreg:$0x13] =	wrdreg s14  }
0x10: {  	s7 =	sadd.s32 s5, s2;
	s19 =	ssub.s32 $0x2, s4;
	[dreg:$0x14] =	wrdreg s15  }
0x11: {  	s4 =	sshll.u32 s4, $0xB;
	s15 =	simm.s32 $0x11000;
	[dreg:$0x15] =	wrdreg s16  }
0x12: {  	s16 =	simm.s32 $0x1;
	[dreg:$0x16] =	wrdreg s17;
	s17 =	simm.s32 $0x14400  }
0x13: {  	[dreg:$0x17] =	wrdreg s18;
	s18 =	simm.s32 $0x2;
	s24 =	simm.s32 $0x1B900  }
0x14: {  	s25 =	simm.s32 $0x1C600;
	s26 =	simm.s32 $0x1D300;
	[dreg:$0x1d] =	wrdreg s24  }
0x15: {  	s12 =	simm.s32 $0x4000;
	s14 =	simm.s32 $0x7400;
	[dreg:$0x1e] =	wrdreg s25  }
0x16: {  	s5 =	sor.u32 s6, s5;
	s6 =	sadd.s32 s6, s7;
	[dreg:$0x1f] =	wrdreg s26  }
0x17: {  	s21 =	sshrl.u32 s19, $0x1;
	s7 =	simm.s32 $0x8E00;
	[dreg:$0x4] =	wrdreg s6  }
0x18: {  	s4 =	sor.u32 s4, s23;
	s23 =	simm.s32 $0x19F00;
	[dreg:$0xc] =	wrdreg s7  }
0x19: {  	s24 =	simm.s32 $0x5;
	s0 =	sadd.s32 s0, s4;
	[dreg:$0x1c] =	wrdreg s23  }
0x1a: {  	s2 =	sadd.s32 s5, s2;
	s4 =	simm.s32 $0x8100;
	[smem:$0x7FC] =	sst s0  }
0x1b: {  	s5 =	ssub.s32 s19, s21;
	s19 =	simm.s32 $0x15E00;
	[dreg:$0xb] =	wrdreg s4  }
0x1c: {  	s25 =	simm.s32 $0xA;
	s21 =	simm.s32 $0x18500;
	[dreg:$0x18] =	wrdreg s19  }
0x1d: {  	s26 =	simm.s32 $0x6;
	s20 =	sadd.s32 $0x1800, s2;
	[dreg:$0x1a] =	wrdreg s21  }
0x1e: {  	s7 =	simm.s32 $0x68;
	s22 =	sadd.s32 $0x1000, s2;
	[dreg:$0x5] =	wrdreg s20  }
0x1f: {  	s23 =	simm.s32 $0x9;
	s2 =	sadd.s32 $0x800, s2;
	[dreg:$0x6] =	wrdreg s22  }
0x20: {  	s6 =	smax.u32 s5, $0x1;
	s19 =	simm.s32 $0x17800;
	[dreg:$0x7] =	wrdreg s2  }
0x21: {  	s21 =	simm.s32 $0x1AC00;
	[smem:$0x7FD] =	sst s6;
	s20 =	simm.s32 $0x16B00  }
0x22: {  	s4 =	simm.s32 $0x0;
	s22 =	simm.s32 $0x19200;
	[dreg:$0x19] =	wrdreg s20  }
0x23: {  	s20 =	simm.s32 $0x3;
	[dreg:$0x1b] =	wrdreg s22;
	s22 =	simm.s32 $0x4  }
.LBB2_1:
0x24: {  	s0 =	sld [smem:$0x7FC];
	_ =	sdelay $0x1  }
0x25: {  	[smem:$0x7FB] =	sst s4;
	s11 =	simm.s32 $0x11  }
0x26: {  	[tilespmem:s3], [sflag:$0x11] =	stream.linear.gather [hbm4b:s0+s3], $0x4000, $0x38;
	[tilespmem:$0x1E000] =	vst v63  }
0x27: {  	_ =	swait.ge [sflag:s11], $0x4000  }
0x28: {  	[sflag:s11] =	ssyncset.done $0x0  }
0x29: {  	s4 =	simm.s32 $0x4000;
	[sflag:s11] =	ssyncadd.s32 $0xFFFFC000  }
0x2a: {  	[tilespmem:s4], [sflag:$0x1] =	stream.indirect.gather [hbm4b:s1+s7], $0x80, s3, s7, $0xb8;
	[tilespmem:$0x1E000] =	vst v63  }
0x2b: {  	s13 =	simm.s32 $0x80;
	s6 =	simm.s32 $0x7400;
	p0 =	por $0x1, $0x1  }
0x2c: {  	[tilespmem:s6], [sflag:$0x2] =	stream.indirect.gather [hbm4b:s1+s7], $0x80, s13, s7, $0xb8;
	[tilespmem:$0x1E000] =	vst v63  }
0x2d: {  	s2 =	simm.s32 $0x100;
	s8 =	simm.s32 $0xA800;
	p0 =	por p0, p0  }
0x2e: {  	[tilespmem:s8], [sflag:$0x3] =	stream.indirect.gather [hbm4b:s1+s7], $0x80, s2, s7, $0xb8;
	[tilespmem:$0x1E000] =	vst v63  }
0x2f: {  	s5 =	simm.s32 $0x180;
	s9 =	simm.s32 $0xDC00;
	s0 =	simm.s32 @!p0 $0xD  }
0x30: {  	[tilespmem:s9], [sflag:$0x4] =	stream.indirect.gather [hbm4b:s1+s7], $0x80, s5, s7, $0xb8;
	[tilespmem:$0x1E000] =	vst v63  }
0x31: {  	_ =	swait.ge @!p0 [sflag:s0], $0xD00  }
0x32: {  	[sflag:s0] =	ssyncset.done @!p0 $0x0  }
0x33: {  	[sflag:s0] =	ssyncadd.s32 @!p0 $0xFFFFF300  }
0x34: {  	_ =	swait.ge @!p0 [sflag:s0], $0xD00  }
0x35: {  	[sflag:s0] =	ssyncset.done @!p0 $0x0  }
0x36: {  	[sflag:s0] =	ssyncadd.s32 @!p0 $0xFFFFF300  }
0x37: {  	_ =	swait.ge @!p0 [sflag:s0], $0xD00  }
0x38: {  	[sflag:s0] =	ssyncset.done @!p0 $0x0  }
0x39: {  	[sflag:s0] =	ssyncadd.s32 @!p0 $0xFFFFF300  }
0x3a: {  	_ =	swait.ge @!p0 [sflag:s0], $0xD00  }
0x3b: {  	[sflag:s0] =	ssyncset.done @!p0 $0x0  }
0x3c: {  	s10 =	simm.s32 $0x200;
	[sflag:s0] =	ssyncadd.s32 @!p0 $0xFFFFF300  }
0x3d: {  	[tilespmem:s15], [sflag:$0x5] =	stream.indirect.gather [hbm4b:s1+s7], $0x80, s10, s7, $0xb8;
	[tilespmem:$0x1E000] =	vst v63  }
0x3e: {  	_ =	swait.ge [sflag:s16], $0x3400  }
0x3f: {  	s11 =	rddreg [dreg:$0x4];
	[sflag:s16] =	ssyncset.done $0x0  }
0x40: {  	[sflag:s16] =	ssyncadd.s32 $0xFFFFCC00;
	s0 =	sadd.s32 $0x0, s11  }
0x41: {  	[hbm4b:s0+s3] =	stream.linear.scatter [tilespmem:s4], [sflag:$0x9], $0xD00, $0x38;
	[tilespmem:$0x1E000] =	vst v63  }
0x42: {  	s2 =	rddreg [dreg:$0x8];
	s13 =	sadd.s32 $0x200, s0  }
0x43: {  	[hbm4b:s13+s3] =	stream.linear.scatter [tilespmem:s2], [sflag:$0x9], $0xD00, $0x38;
	[tilespmem:$0x1E000] =	vst v63  }
0x44: {  	s5 =	rddreg [dreg:$0x9];
	s4 =	sadd.s32 $0x400, s0  }
0x45: {  	[hbm4b:s4+s3] =	stream.linear.scatter [tilespmem:s5], [sflag:$0x9], $0xD00, $0x38;
	[tilespmem:$0x1E000] =	vst v63  }
0x46: {  	s10 =	rddreg [dreg:$0xa];
	s11 =	sadd.s32 $0x600, s0;
	s5 =	simm.s32 @!p0 $0xE  }
0x47: {  	[hbm4b:s11+s3] =	stream.linear.scatter [tilespmem:s10], [sflag:$0x9], $0xD00, $0x38;
	[tilespmem:$0x1E000] =	vst v63  }
0x48: {  	_ =	swait.ge @!p0 [sflag:s5], $0xD00  }
0x49: {  	[sflag:s5] =	ssyncset.done @!p0 $0x0  }
0x4a: {  	[sflag:s5] =	ssyncadd.s32 @!p0 $0xFFFFF300  }
0x4b: {  	_ =	swait.ge @!p0 [sflag:s5], $0xD00  }
0x4c: {  	[sflag:s5] =	ssyncset.done @!p0 $0x0  }
0x4d: {  	[sflag:s5] =	ssyncadd.s32 @!p0 $0xFFFFF300  }
0x4e: {  	_ =	swait.ge @!p0 [sflag:s5], $0xD00  }
0x4f: {  	[sflag:s5] =	ssyncset.done @!p0 $0x0  }
0x50: {  	[sflag:s5] =	ssyncadd.s32 @!p0 $0xFFFFF300  }
0x51: {  	_ =	swait.ge @!p0 [sflag:s5], $0xD00  }
0x52: {  	[sflag:s5] =	ssyncset.done @!p0 $0x0  }
0x53: {  	s13 =	simm.s32 $0x280;
	[sflag:s5] =	ssyncadd.s32 @!p0 $0xFFFFF300  }
0x54: {  	[tilespmem:s17], [sflag:$0x6] =	stream.indirect.gather [hbm4b:s1+s7], $0x80, s13, s7, $0xb8;
	[tilespmem:$0x1E000] =	vst v63  }
0x55: {  	_ =	swait.ge [sflag:s18], $0x3400  }
0x56: {  	s4 =	rddreg [dreg:$0x7];
	[sflag:s18] =	ssyncset.done $0x0  }
0x57: {  	[sflag:s18] =	ssyncadd.s32 $0xFFFFCC00;
	s2 =	sadd.s32 $0x0, s4  }
0x58: {  	[hbm4b:s2+s3] =	stream.linear.scatter [tilespmem:s6], [sflag:$0xA], $0xD00, $0x38;
	[tilespmem:$0x1E000] =	vst v63  }
0x59: {  	s5 =	rddreg [dreg:$0xb];
	s6 =	sadd.s32 $0x200, s2  }
0x5a: {  	[hbm4b:s6+s3] =	stream.linear.scatter [tilespmem:s5], [sflag:$0xA], $0xD00, $0x38;
	[tilespmem:$0x1E000] =	vst v63  }
0x5b: {  	s10 =	rddreg [dreg:$0xc];
	s11 =	sadd.s32 $0x400, s2  }
0x5c: {  	[hbm4b:s11+s3] =	stream.linear.scatter [tilespmem:s10], [sflag:$0xA], $0xD00, $0x38;
	[tilespmem:$0x1E000] =	vst v63  }
0x5d: {  	s13 =	rddreg [dreg:$0xd];
	s4 =	simm.s32 @!p0 $0xF;
	s2 =	sadd.s32 $0x600, s2  }
0x5e: {  	[hbm4b:s2+s3] =	stream.linear.scatter [tilespmem:s13], [sflag:$0xA], $0xD00, $0x38;
	[tilespmem:$0x1E000] =	vst v63  }
0x5f: {  	_ =	swait.ge @!p0 [sflag:s4], $0xD00  }
0x60: {  	[sflag:s4] =	ssyncset.done @!p0 $0x0  }
0x61: {  	[sflag:s4] =	ssyncadd.s32 @!p0 $0xFFFFF300  }
0x62: {  	_ =	swait.ge @!p0 [sflag:s4], $0xD00  }
0x63: {  	[sflag:s4] =	ssyncset.done @!p0 $0x0  }
0x64: {  	[sflag:s4] =	ssyncadd.s32 @!p0 $0xFFFFF300  }
0x65: {  	_ =	swait.ge @!p0 [sflag:s4], $0xD00  }
0x66: {  	[sflag:s4] =	ssyncset.done @!p0 $0x0  }
0x67: {  	[sflag:s4] =	ssyncadd.s32 @!p0 $0xFFFFF300  }
0x68: {  	_ =	swait.ge @!p0 [sflag:s4], $0xD00  }
0x69: {  	[sflag:s4] =	ssyncset.done @!p0 $0x0  }
0x6a: {  	[sflag:s4] =	ssyncadd.s32 @!p0 $0xFFFFF300;
	s4 =	simm.s32 $0x300  }
0x6b: {  	[tilespmem:s19], [sflag:$0x7] =	stream.indirect.gather [hbm4b:s1+s7], $0x80, s4, s7, $0xb8;
	[tilespmem:$0x1E000] =	vst v63  }
0x6c: {  	_ =	swait.ge [sflag:s20], $0x3400  }
0x6d: {  	s5 =	rddreg [dreg:$0x6];
	[sflag:s20] =	ssyncset.done $0x0  }
0x6e: {  	[sflag:s20] =	ssyncadd.s32 $0xFFFFCC00;
	s2 =	sadd.s32 $0x0, s5  }
0x6f: {  	[hbm4b:s2+s3] =	stream.linear.scatter [tilespmem:s8], [sflag:$0xB], $0xD00, $0x38;
	[tilespmem:$0x1E000] =	vst v63  }
0x70: {  	s6 =	rddreg [dreg:$0xe];
	s8 =	sadd.s32 $0x200, s2  }
0x71: {  	[hbm4b:s8+s3] =	stream.linear.scatter [tilespmem:s6], [sflag:$0xB], $0xD00, $0x38;
	[tilespmem:$0x1E000] =	vst v63  }
0x72: {  	s10 =	rddreg [dreg:$0xf];
	s11 =	sadd.s32 $0x400, s2  }
0x73: {  	[hbm4b:s11+s3] =	stream.linear.scatter [tilespmem:s10], [sflag:$0xB], $0xD00, $0x38;
	[tilespmem:$0x1E000] =	vst v63  }
0x74: {  	s4 =	simm.s32 @!p0 $0x10;
	s13 =	rddreg [dreg:$0x10];
	s2 =	sadd.s32 $0x600, s2  }
0x75: {  	[hbm4b:s2+s3] =	stream.linear.scatter [tilespmem:s13], [sflag:$0xB], $0xD00, $0x38;
	[tilespmem:$0x1E000] =	vst v63  }
0x76: {  	_ =	swait.ge @!p0 [sflag:s4], $0xD00  }
0x77: {  	[sflag:s4] =	ssyncset.done @!p0 $0x0  }
0x78: {  	[sflag:s4] =	ssyncadd.s32 @!p0 $0xFFFFF300  }
0x79: {  	_ =	swait.ge @!p0 [sflag:s4], $0xD00  }
0x7a: {  	[sflag:s4] =	ssyncset.done @!p0 $0x0  }
0x7b: {  	[sflag:s4] =	ssyncadd.s32 @!p0 $0xFFFFF300  }
0x7c: {  	_ =	swait.ge @!p0 [sflag:s4], $0xD00  }
0x7d: {  	[sflag:s4] =	ssyncset.done @!p0 $0x0  }
0x7e: {  	[sflag:s4] =	ssyncadd.s32 @!p0 $0xFFFFF300  }
0x7f: {  	_ =	swait.ge @!p0 [sflag:s4], $0xD00  }
0x80: {  	[sflag:s4] =	ssyncset.done @!p0 $0x0  }
0x81: {  	s5 =	simm.s32 $0x380;
	[sflag:s4] =	ssyncadd.s32 @!p0 $0xFFFFF300  }
0x82: {  	[tilespmem:s21], [sflag:$0x8] =	stream.indirect.gather [hbm4b:s1+s7], $0x80, s5, s7, $0xb8;
	[tilespmem:$0x1E000] =	vst v63  }
0x83: {  	_ =	swait.ge [sflag:s22], $0x3400  }
0x84: {  	s6 =	rddreg [dreg:$0x5];
	[sflag:s22] =	ssyncset.done $0x0  }
0x85: {  	[sflag:s22] =	ssyncadd.s32 $0xFFFFCC00;
	s2 =	sadd.s32 $0x0, s6  }
0x86: {  	[hbm4b:s2+s3] =	stream.linear.scatter [tilespmem:s9], [sflag:$0xC], $0xD00, $0x38;
	[tilespmem:$0x1E000] =	vst v63  }
0x87: {  	s8 =	rddreg [dreg:$0x11];
	s9 =	sadd.s32 $0x200, s2  }
0x88: {  	[hbm4b:s9+s3] =	stream.linear.scatter [tilespmem:s8], [sflag:$0xC], $0xD00, $0x38;
	[tilespmem:$0x1E000] =	vst v63  }
0x89: {  	s10 =	rddreg [dreg:$0x12];
	s11 =	sadd.s32 $0x400, s2  }
0x8a: {  	[hbm4b:s11+s3] =	stream.linear.scatter [tilespmem:s10], [sflag:$0xC], $0xD00, $0x38;
	[tilespmem:$0x1E000] =	vst v63  }
0x8b: {  	s13 =	rddreg [dreg:$0x13];
	s2 =	sadd.s32 $0x600, s2  }
0x8c: {  	[hbm4b:s2+s3] =	stream.linear.scatter [tilespmem:s13], [sflag:$0xC], $0xD00, $0x38;
	[tilespmem:$0x1E000] =	vst v63  }
0x8d: {  	_ =	swait.ge [sflag:s23], $0xD00  }
0x8e: {  	[sflag:s23] =	ssyncset.done $0x0  }
0x8f: {  	[sflag:s23] =	ssyncadd.s32 $0xFFFFF300  }
0x90: {  	_ =	swait.ge [sflag:s23], $0xD00  }
0x91: {  	[sflag:s23] =	ssyncset.done $0x0  }
0x92: {  	[sflag:s23] =	ssyncadd.s32 $0xFFFFF300  }
0x93: {  	_ =	swait.ge [sflag:s23], $0xD00  }
0x94: {  	[sflag:s23] =	ssyncset.done $0x0  }
0x95: {  	[sflag:s23] =	ssyncadd.s32 $0xFFFFF300  }
0x96: {  	p0 =	por $0x0, $0x0;
	_ =	swait.ge [sflag:s23], $0xD00  }
0x97: {  	s4 =	simm.s32 @!p0 $0x400;
	[sflag:s23] =	ssyncset.done $0x0  }
0x98: {  	s5 =	simm.s32 @!p0 $0x4000;
	s2 =	simm.s32 @!p0 $0x68;
	[sflag:s23] =	ssyncadd.s32 $0xFFFFF300  }
0x99: {  	[tilespmem:s5], [sflag:$0x1] =	stream.indirect.gather @!p0 [hbm4b:s1+s2], $0x80, s4, s2, $0xb8;
	[tilespmem:$0x1E000] =	vst v63  }
0x9a: {  	_ =	swait.ge [sflag:s24], $0x3400  }
0x9b: {  	[sflag:s24] =	ssyncset.done $0x0  }
0x9c: {  	s5 =	sadd.s32 $0x2000, s0;
	[sflag:s24] =	ssyncadd.s32 $0xFFFFCC00  }
0x9d: {  	[hbm4b:s5+s3] =	stream.linear.scatter [tilespmem:s15], [sflag:$0xD], $0xD00, $0x38;
	[tilespmem:$0x1E000] =	vst v63  }
0x9e: {  	s9 =	sadd.s32 $0x2200, s0;
	s6 =	rddreg [dreg:$0x14]  }
0x9f: {  	[hbm4b:s9+s3] =	stream.linear.scatter [tilespmem:s6], [sflag:$0xD], $0xD00, $0x38;
	[tilespmem:$0x1E000] =	vst v63  }
0xa0: {  	s11 =	sadd.s32 $0x2400, s0;
	s8 =	rddreg [dreg:$0x15]  }
0xa1: {  	[hbm4b:s11+s3] =	stream.linear.scatter [tilespmem:s8], [sflag:$0xD], $0xD00, $0x38;
	[tilespmem:$0x1E000] =	vst v63  }
0xa2: {  	s13 =	sadd.s32 $0x2600, s0;
	s10 =	rddreg [dreg:$0x16]  }
0xa3: {  	[hbm4b:s13+s3] =	stream.linear.scatter [tilespmem:s10], [sflag:$0xD], $0xD00, $0x38;
	[tilespmem:$0x1E000] =	vst v63  }
0xa4: {  	_ =	swait.ge [sflag:s25], $0xD00  }
0xa5: {  	[sflag:s25] =	ssyncset.done $0x0  }
0xa6: {  	[sflag:s25] =	ssyncadd.s32 $0xFFFFF300  }
0xa7: {  	_ =	swait.ge [sflag:s25], $0xD00  }
0xa8: {  	[sflag:s25] =	ssyncset.done $0x0  }
0xa9: {  	[sflag:s25] =	ssyncadd.s32 $0xFFFFF300  }
0xaa: {  	_ =	swait.ge [sflag:s25], $0xD00  }
0xab: {  	[sflag:s25] =	ssyncset.done $0x0  }
0xac: {  	[sflag:s25] =	ssyncadd.s32 $0xFFFFF300  }
0xad: {  	_ =	swait.ge [sflag:s25], $0xD00  }
0xae: {  	[sflag:s25] =	ssyncset.done $0x0  }
0xaf: {  	s4 =	simm.s32 @!p0 $0x480;
	s5 =	simm.s32 @!p0 $0x7400;
	[sflag:s25] =	ssyncadd.s32 $0xFFFFF300  }
0xb0: {  	[tilespmem:s5], [sflag:$0x2] =	stream.indirect.gather @!p0 [hbm4b:s1+s2], $0x80, s4, s2, $0xb8;
	[tilespmem:$0x1E000] =	vst v63  }
0xb1: {  	_ =	swait.ge [sflag:s26], $0x3400  }
0xb2: {  	[sflag:s26] =	ssyncset.done $0x0  }
0xb3: {  	s5 =	sadd.s32 $0x2800, s0;
	[sflag:s26] =	ssyncadd.s32 $0xFFFFCC00  }
0xb4: {  	[hbm4b:s5+s3] =	stream.linear.scatter [tilespmem:s17], [sflag:$0xE], $0xD00, $0x38;
	[tilespmem:$0x1E000] =	vst v63  }
0xb5: {  	s9 =	sadd.s32 $0x2A00, s0;
	s6 =	rddreg [dreg:$0x17]  }
0xb6: {  	[hbm4b:s9+s3] =	stream.linear.scatter [tilespmem:s6], [sflag:$0xE], $0xD00, $0x38;
	[tilespmem:$0x1E000] =	vst v63  }
0xb7: {  	s11 =	sadd.s32 $0x2C00, s0;
	s8 =	rddreg [dreg:$0x18]  }
0xb8: {  	[hbm4b:s11+s3] =	stream.linear.scatter [tilespmem:s8], [sflag:$0xE], $0xD00, $0x38;
	[tilespmem:$0x1E000] =	vst v63  }
0xb9: {  	s13 =	sadd.s32 $0x2E00, s0;
	s10 =	rddreg [dreg:$0x19]  }
0xba: {  	[hbm4b:s13+s3] =	stream.linear.scatter [tilespmem:s10], [sflag:$0xE], $0xD00, $0x38;
	[tilespmem:$0x1E000] =	vst v63  }
0xbb: {  	_ =	swait.ge [sflag:s28], $0xD00  }
0xbc: {  	[sflag:s28] =	ssyncset.done $0x0  }
0xbd: {  	[sflag:s28] =	ssyncadd.s32 $0xFFFFF300  }
0xbe: {  	_ =	swait.ge [sflag:s28], $0xD00  }
0xbf: {  	[sflag:s28] =	ssyncset.done $0x0  }
0xc0: {  	[sflag:s28] =	ssyncadd.s32 $0xFFFFF300  }
0xc1: {  	_ =	swait.ge [sflag:s28], $0xD00  }
0xc2: {  	[sflag:s28] =	ssyncset.done $0x0  }
0xc3: {  	[sflag:s28] =	ssyncadd.s32 $0xFFFFF300  }
0xc4: {  	_ =	swait.ge [sflag:s28], $0xD00  }
0xc5: {  	[sflag:s28] =	ssyncset.done $0x0  }
0xc6: {  	s4 =	simm.s32 @!p0 $0x500;
	s5 =	simm.s32 @!p0 $0xA800;
	[sflag:s28] =	ssyncadd.s32 $0xFFFFF300  }
0xc7: {  	[tilespmem:s5], [sflag:$0x3] =	stream.indirect.gather @!p0 [hbm4b:s1+s2], $0x80, s4, s2, $0xb8;
	[tilespmem:$0x1E000] =	vst v63  }
0xc8: {  	_ =	swait.ge [sflag:s29], $0x3400  }
0xc9: {  	[sflag:s29] =	ssyncset.done $0x0  }
0xca: {  	s6 =	sadd.s32 $0x3000, s0;
	[sflag:s29] =	ssyncadd.s32 $0xFFFFCC00  }
0xcb: {  	[hbm4b:s6+s3] =	stream.linear.scatter [tilespmem:s19], [sflag:$0xF], $0xD00, $0x38;
	[tilespmem:$0x1E000] =	vst v63  }
0xcc: {  	s10 =	sadd.s32 $0x3200, s0;
	s8 =	rddreg [dreg:$0x1a]  }
0xcd: {  	[hbm4b:s10+s3] =	stream.linear.scatter [tilespmem:s8], [sflag:$0xF], $0xD00, $0x38;
	[tilespmem:$0x1E000] =	vst v63  }
0xce: {  	s13 =	sadd.s32 $0x3400, s0;
	s9 =	rddreg [dreg:$0x1b]  }
0xcf: {  	[hbm4b:s13+s3] =	stream.linear.scatter [tilespmem:s9], [sflag:$0xF], $0xD00, $0x38;
	[tilespmem:$0x1E000] =	vst v63  }
0xd0: {  	s11 =	rddreg [dreg:$0x1c];
	s6 =	sadd.s32 $0x3600, s0  }
0xd1: {  	[hbm4b:s6+s3] =	stream.linear.scatter [tilespmem:s11], [sflag:$0xF], $0xD00, $0x38;
	[tilespmem:$0x1E000] =	vst v63  }
0xd2: {  	_ =	swait.ge [sflag:s30], $0xD00  }
0xd3: {  	[sflag:s30] =	ssyncset.done $0x0  }
0xd4: {  	[sflag:s30] =	ssyncadd.s32 $0xFFFFF300  }
0xd5: {  	_ =	swait.ge [sflag:s30], $0xD00  }
0xd6: {  	[sflag:s30] =	ssyncset.done $0x0  }
0xd7: {  	[sflag:s30] =	ssyncadd.s32 $0xFFFFF300  }
0xd8: {  	_ =	swait.ge [sflag:s30], $0xD00  }
0xd9: {  	[sflag:s30] =	ssyncset.done $0x0  }
0xda: {  	[sflag:s30] =	ssyncadd.s32 $0xFFFFF300  }
0xdb: {  	_ =	swait.ge [sflag:s30], $0xD00  }
0xdc: {  	[sflag:s30] =	ssyncset.done $0x0  }
0xdd: {  	s4 =	simm.s32 $0x580;
	s5 =	simm.s32 @!p0 $0xDC00;
	[sflag:s30] =	ssyncadd.s32 $0xFFFFF300  }
0xde: {  	[tilespmem:s5], [sflag:$0x4] =	stream.indirect.gather @!p0 [hbm4b:s1+s2], $0x80, s4, s2, $0xb8;
	[tilespmem:$0x1E000] =	vst v63  }
0xdf: {  	p6 =	por $0x0, $0x0;
	s8 =	sadd.s32 $0x3800, s0;
	_ =	swait.ge [sflag:s31], $0x3400  }
0xe0: {  	s13 =	sadd.s32 $0x3C00, s0;
	s11 =	sadd.s32 $0x3A00, s0;
	[sflag:s31] =	ssyncset.done $0x0  }
0xe1: {  	s6 =	simm.s32 $0x8000;
	s9 =	rddreg [dreg:$0x1d];
	[sflag:s31] =	ssyncadd.s32 $0xFFFFCC00  }
0xe2: {  	[hbm4b:s8+s3] =	stream.linear.scatter [tilespmem:s21], [sflag:$0x10], $0xD00, $0x38;
	[tilespmem:$0x1E000] =	vst v63  }
0xe3: {  	s0 =	sadd.s32 $0x3E00, s0;
	s5 =	simm.s32 $0x4000;
	s10 =	rddreg [dreg:$0x1e]  }
0xe4: {  	[hbm4b:s11+s3] =	stream.linear.scatter [tilespmem:s9], [sflag:$0x10], $0xD00, $0x38;
	[tilespmem:$0x1E000] =	vst v63  }
0xe5: {  	p0 =	por p6, p6;
	s4 =	simm.s32 $0x980;
	s11 =	rddreg [dreg:$0x1f]  }
0xe6: {  	[hbm4b:s13+s3] =	stream.linear.scatter [tilespmem:s10], [sflag:$0x10], $0xD00, $0x38;
	[tilespmem:$0x1E000] =	vst v63  }
.LBB2_2:
0xe7: {  	s2 =	simm.s32 @!p0 $0xD  }
0xe8: {  	[hbm4b:s0+s3] =	stream.linear.scatter [tilespmem:s11], [sflag:$0x10], $0xD00, $0x38;
	[tilespmem:$0x1E000] =	vst v63  }
0xe9: {  	_ =	swait.ge @!p0 [sflag:s2], $0xD00  }
0xea: {  	[sflag:s2] =	ssyncset.done @!p0 $0x0  }
0xeb: {  	[sflag:s2] =	ssyncadd.s32 @!p0 $0xFFFFF300  }
0xec: {  	_ =	swait.ge @!p0 [sflag:s2], $0xD00  }
0xed: {  	[sflag:s2] =	ssyncset.done @!p0 $0x0  }
0xee: {  	[sflag:s2] =	ssyncadd.s32 @!p0 $0xFFFFF300  }
0xef: {  	_ =	swait.ge @!p0 [sflag:s2], $0xD00  }
0xf0: {  	[sflag:s2] =	ssyncset.done @!p0 $0x0  }
0xf1: {  	[sflag:s2] =	ssyncadd.s32 @!p0 $0xFFFFF300  }
0xf2: {  	_ =	swait.ge @!p0 [sflag:s2], $0xD00  }
0xf3: {  	[sflag:s2] =	ssyncset.done @!p0 $0x0  }
0xf4: {  	[sflag:s2] =	ssyncadd.s32 @!p0 $0xFFFFF300;
	s2 =	sadd.s32 $0xFFFFFC80, s4  }
0xf5: {  	[tilespmem:s15], [sflag:$0x5] =	stream.indirect.gather [hbm4b:s1+s7], $0x80, s2, s7, $0xb8;
	[tilespmem:$0x1E000] =	vst v63  }
0xf6: {  	_ =	swait.ge [sflag:s16], $0x3400  }
0xf7: {  	s8 =	rddreg [dreg:$0x4];
	[sflag:s16] =	ssyncset.done $0x0  }
0xf8: {  	[sflag:s16] =	ssyncadd.s32 $0xFFFFCC00;
	s2 =	sadd.s32 s5, s8  }
0xf9: {  	[hbm4b:s2+s3] =	stream.linear.scatter [tilespmem:s12], [sflag:$0x9], $0xD00, $0x38;
	[tilespmem:$0x1E000] =	vst v63  }
0xfa: {  	s10 =	rddreg [dreg:$0x8];
	s13 =	sadd.s32 $0x200, s2  }
0xfb: {  	[hbm4b:s13+s3] =	stream.linear.scatter [tilespmem:s10], [sflag:$0x9], $0xD00, $0x38;
	[tilespmem:$0x1E000] =	vst v63  }
0xfc: {  	s8 =	rddreg [dreg:$0x9];
	s10 =	sadd.s32 $0x400, s2  }
0xfd: {  	[hbm4b:s10+s3] =	stream.linear.scatter [tilespmem:s8], [sflag:$0x9], $0xD00, $0x38;
	[tilespmem:$0x1E000] =	vst v63  }
0xfe: {  	s11 =	simm.s32 @!p0 $0xE;
	s13 =	rddreg [dreg:$0xa];
	s10 =	sadd.s32 $0x600, s2  }
0xff: {  	[hbm4b:s10+s3] =	stream.linear.scatter [tilespmem:s13], [sflag:$0x9], $0xD00, $0x38;
	[tilespmem:$0x1E000] =	vst v63  }
0x100: {  	_ =	swait.ge @!p0 [sflag:s11], $0xD00  }
0x101: {  	[sflag:s11] =	ssyncset.done @!p0 $0x0  }
0x102: {  	[sflag:s11] =	ssyncadd.s32 @!p0 $0xFFFFF300  }
0x103: {  	_ =	swait.ge @!p0 [sflag:s11], $0xD00  }
0x104: {  	[sflag:s11] =	ssyncset.done @!p0 $0x0  }
0x105: {  	[sflag:s11] =	ssyncadd.s32 @!p0 $0xFFFFF300  }
0x106: {  	_ =	swait.ge @!p0 [sflag:s11], $0xD00  }
0x107: {  	[sflag:s11] =	ssyncset.done @!p0 $0x0  }
0x108: {  	[sflag:s11] =	ssyncadd.s32 @!p0 $0xFFFFF300  }
0x109: {  	_ =	swait.ge @!p0 [sflag:s11], $0xD00  }
0x10a: {  	[sflag:s11] =	ssyncset.done @!p0 $0x0  }
0x10b: {  	[sflag:s11] =	ssyncadd.s32 @!p0 $0xFFFFF300;
	s11 =	sadd.s32 $0xFFFFFD00, s4  }
0x10c: {  	[tilespmem:s17], [sflag:$0x6] =	stream.indirect.gather [hbm4b:s1+s7], $0x80, s11, s7, $0xb8;
	[tilespmem:$0x1E000] =	vst v63  }
0x10d: {  	_ =	swait.ge [sflag:s18], $0x3400  }
0x10e: {  	s13 =	rddreg [dreg:$0x7];
	[sflag:s18] =	ssyncset.done $0x0  }
0x10f: {  	[sflag:s18] =	ssyncadd.s32 $0xFFFFCC00;
	s8 =	sadd.s32 s5, s13  }
0x110: {  	[hbm4b:s8+s3] =	stream.linear.scatter [tilespmem:s14], [sflag:$0xA], $0xD00, $0x38;
	[tilespmem:$0x1E000] =	vst v63  }
0x111: {  	s11 =	rddreg [dreg:$0xb];
	s13 =	sadd.s32 $0x200, s8  }
0x112: {  	[hbm4b:s13+s3] =	stream.linear.scatter [tilespmem:s11], [sflag:$0xA], $0xD00, $0x38;
	[tilespmem:$0x1E000] =	vst v63  }
0x113: {  	s10 =	rddreg [dreg:$0xc];
	s11 =	sadd.s32 $0x400, s8  }
0x114: {  	[hbm4b:s11+s3] =	stream.linear.scatter [tilespmem:s10], [sflag:$0xA], $0xD00, $0x38;
	[tilespmem:$0x1E000] =	vst v63  }
0x115: {  	s13 =	rddreg [dreg:$0xd];
	s8 =	sadd.s32 $0x600, s8;
	s10 =	simm.s32 @!p0 $0xF  }
0x116: {  	[hbm4b:s8+s3] =	stream.linear.scatter [tilespmem:s13], [sflag:$0xA], $0xD00, $0x38;
	[tilespmem:$0x1E000] =	vst v63  }
0x117: {  	_ =	swait.ge @!p0 [sflag:s10], $0xD00  }
0x118: {  	[sflag:s10] =	ssyncset.done @!p0 $0x0  }
0x119: {  	[sflag:s10] =	ssyncadd.s32 @!p0 $0xFFFFF300  }
0x11a: {  	_ =	swait.ge @!p0 [sflag:s10], $0xD00  }
0x11b: {  	[sflag:s10] =	ssyncset.done @!p0 $0x0  }
0x11c: {  	[sflag:s10] =	ssyncadd.s32 @!p0 $0xFFFFF300  }
0x11d: {  	_ =	swait.ge @!p0 [sflag:s10], $0xD00  }
0x11e: {  	[sflag:s10] =	ssyncset.done @!p0 $0x0  }
0x11f: {  	[sflag:s10] =	ssyncadd.s32 @!p0 $0xFFFFF300  }
0x120: {  	_ =	swait.ge @!p0 [sflag:s10], $0xD00  }
0x121: {  	[sflag:s10] =	ssyncset.done @!p0 $0x0  }
0x122: {  	[sflag:s10] =	ssyncadd.s32 @!p0 $0xFFFFF300;
	s10 =	sadd.s32 $0xFFFFFD80, s4  }
0x123: {  	[tilespmem:s19], [sflag:$0x7] =	stream.indirect.gather [hbm4b:s1+s7], $0x80, s10, s7, $0xb8;
	[tilespmem:$0x1E000] =	vst v63  }
0x124: {  	_ =	swait.ge [sflag:s20], $0x3400  }
0x125: {  	s11 =	rddreg [dreg:$0x6];
	[sflag:s20] =	ssyncset.done $0x0  }
0x126: {  	s13 =	simm.s32 $0xA800;
	[sflag:s20] =	ssyncadd.s32 $0xFFFFCC00;
	s8 =	sadd.s32 s5, s11  }
0x127: {  	[hbm4b:s8+s3] =	stream.linear.scatter [tilespmem:s13], [sflag:$0xB], $0xD00, $0x38;
	[tilespmem:$0x1E000] =	vst v63  }
0x128: {  	s10 =	rddreg [dreg:$0xe];
	s11 =	sadd.s32 $0x200, s8  }
0x129: {  	[hbm4b:s11+s3] =	stream.linear.scatter [tilespmem:s10], [sflag:$0xB], $0xD00, $0x38;
	[tilespmem:$0x1E000] =	vst v63  }
0x12a: {  	s13 =	rddreg [dreg:$0xf];
	s10 =	sadd.s32 $0x400, s8  }
0x12b: {  	[hbm4b:s10+s3] =	stream.linear.scatter [tilespmem:s13], [sflag:$0xB], $0xD00, $0x38;
	[tilespmem:$0x1E000] =	vst v63  }
0x12c: {  	s11 =	rddreg [dreg:$0x10];
	s8 =	sadd.s32 $0x600, s8;
	s10 =	simm.s32 @!p0 $0x10  }
0x12d: {  	[hbm4b:s8+s3] =	stream.linear.scatter [tilespmem:s11], [sflag:$0xB], $0xD00, $0x38;
	[tilespmem:$0x1E000] =	vst v63  }
0x12e: {  	_ =	swait.ge @!p0 [sflag:s10], $0xD00  }
0x12f: {  	[sflag:s10] =	ssyncset.done @!p0 $0x0  }
0x130: {  	[sflag:s10] =	ssyncadd.s32 @!p0 $0xFFFFF300  }
0x131: {  	_ =	swait.ge @!p0 [sflag:s10], $0xD00  }
0x132: {  	[sflag:s10] =	ssyncset.done @!p0 $0x0  }
0x133: {  	[sflag:s10] =	ssyncadd.s32 @!p0 $0xFFFFF300  }
0x134: {  	_ =	swait.ge @!p0 [sflag:s10], $0xD00  }
0x135: {  	[sflag:s10] =	ssyncset.done @!p0 $0x0  }
0x136: {  	[sflag:s10] =	ssyncadd.s32 @!p0 $0xFFFFF300  }
0x137: {  	_ =	swait.ge @!p0 [sflag:s10], $0xD00  }
0x138: {  	[sflag:s10] =	ssyncset.done @!p0 $0x0  }
0x139: {  	[sflag:s10] =	ssyncadd.s32 @!p0 $0xFFFFF300;
	s10 =	sadd.s32 $0xFFFFFE00, s4  }
0x13a: {  	[tilespmem:s21], [sflag:$0x8] =	stream.indirect.gather [hbm4b:s1+s7], $0x80, s10, s7, $0xb8;
	[tilespmem:$0x1E000] =	vst v63  }
0x13b: {  	_ =	swait.ge [sflag:s22], $0x3400  }
0x13c: {  	s11 =	rddreg [dreg:$0x5];
	[sflag:s22] =	ssyncset.done $0x0  }
0x13d: {  	s13 =	simm.s32 $0xDC00;
	[sflag:s22] =	ssyncadd.s32 $0xFFFFCC00;
	s8 =	sadd.s32 s5, s11  }
0x13e: {  	[hbm4b:s8+s3] =	stream.linear.scatter [tilespmem:s13], [sflag:$0xC], $0xD00, $0x38;
	[tilespmem:$0x1E000] =	vst v63  }
0x13f: {  	s10 =	rddreg [dreg:$0x11];
	s11 =	sadd.s32 $0x200, s8  }
0x140: {  	[hbm4b:s11+s3] =	stream.linear.scatter [tilespmem:s10], [sflag:$0xC], $0xD00, $0x38;
	[tilespmem:$0x1E000] =	vst v63  }
0x141: {  	s13 =	rddreg [dreg:$0x12];
	s10 =	sadd.s32 $0x400, s8  }
0x142: {  	[hbm4b:s10+s3] =	stream.linear.scatter [tilespmem:s13], [sflag:$0xC], $0xD00, $0x38;
	[tilespmem:$0x1E000] =	vst v63  }
0x143: {  	s11 =	rddreg [dreg:$0x13];
	s8 =	sadd.s32 $0x600, s8  }
0x144: {  	[hbm4b:s8+s3] =	stream.linear.scatter [tilespmem:s11], [sflag:$0xC], $0xD00, $0x38;
	[tilespmem:$0x1E000] =	vst v63  }
0x145: {  	_ =	swait.ge [sflag:s23], $0xD00  }
0x146: {  	[sflag:s23] =	ssyncset.done $0x0  }
0x147: {  	[sflag:s23] =	ssyncadd.s32 $0xFFFFF300  }
0x148: {  	_ =	swait.ge [sflag:s23], $0xD00  }
0x149: {  	[sflag:s23] =	ssyncset.done $0x0  }
0x14a: {  	[sflag:s23] =	ssyncadd.s32 $0xFFFFF300  }
0x14b: {  	_ =	swait.ge [sflag:s23], $0xD00  }
0x14c: {  	[sflag:s23] =	ssyncset.done $0x0  }
0x14d: {  	p2 =	seq.s32 s6, $0x0;
	s9 =	smov.u32 s6;
	[sflag:s23] =	ssyncadd.s32 $0xFFFFF300  }
0x14e: {  	p0 =	por p2, p2;
	p2 =	seq.s32 s5, $0x3C000;
	_ =	swait.ge [sflag:s23], $0xD00  }
0x14f: {  	s5 =	smov.u32 s9;
	s9 =	simm.s32 @!p2 $0x68;
	[sflag:s23] =	ssyncset.done $0x0  }
0x150: {  	s10 =	simm.s32 @!p2 $0x4000;
	s8 =	sadd.s32 @!p2 $0xFFFFFE80, s4;
	[sflag:s23] =	ssyncadd.s32 $0xFFFFF300  }
0x151: {  	[tilespmem:s10], [sflag:$0x1] =	stream.indirect.gather @!p2 [hbm4b:s1+s9], $0x80, s8, s9, $0xb8;
	[tilespmem:$0x1E000] =	vst v63  }
0x152: {  	_ =	swait.ge [sflag:s24], $0x3400  }
0x153: {  	[sflag:s24] =	ssyncset.done $0x0  }
0x154: {  	s13 =	sadd.s32 $0x2000, s2;
	[sflag:s24] =	ssyncadd.s32 $0xFFFFCC00  }
0x155: {  	[hbm4b:s13+s3] =	stream.linear.scatter [tilespmem:s15], [sflag:$0xD], $0xD00, $0x38;
	[tilespmem:$0x1E000] =	vst v63  }
0x156: {  	s8 =	sadd.s32 $0x2200, s2;
	s10 =	rddreg [dreg:$0x14]  }
0x157: {  	[hbm4b:s8+s3] =	stream.linear.scatter [tilespmem:s10], [sflag:$0xD], $0xD00, $0x38;
	[tilespmem:$0x1E000] =	vst v63  }
0x158: {  	s11 =	rddreg [dreg:$0x15];
	s10 =	sadd.s32 $0x2400, s2  }
0x159: {  	[hbm4b:s10+s3] =	stream.linear.scatter [tilespmem:s11], [sflag:$0xD], $0xD00, $0x38;
	[tilespmem:$0x1E000] =	vst v63  }
0x15a: {  	s13 =	rddreg [dreg:$0x16];
	s11 =	sadd.s32 $0x2600, s2  }
0x15b: {  	[hbm4b:s11+s3] =	stream.linear.scatter [tilespmem:s13], [sflag:$0xD], $0xD00, $0x38;
	[tilespmem:$0x1E000] =	vst v63  }
0x15c: {  	_ =	swait.ge [sflag:s25], $0xD00  }
0x15d: {  	[sflag:s25] =	ssyncset.done $0x0  }
0x15e: {  	[sflag:s25] =	ssyncadd.s32 $0xFFFFF300  }
0x15f: {  	_ =	swait.ge [sflag:s25], $0xD00  }
0x160: {  	[sflag:s25] =	ssyncset.done $0x0  }
0x161: {  	[sflag:s25] =	ssyncadd.s32 $0xFFFFF300  }
0x162: {  	_ =	swait.ge [sflag:s25], $0xD00  }
0x163: {  	[sflag:s25] =	ssyncset.done $0x0  }
0x164: {  	[sflag:s25] =	ssyncadd.s32 $0xFFFFF300  }
0x165: {  	_ =	swait.ge [sflag:s25], $0xD00  }
0x166: {  	[sflag:s25] =	ssyncset.done $0x0  }
0x167: {  	s8 =	sadd.s32 @!p2 $0xFFFFFF00, s4;
	s10 =	simm.s32 @!p2 $0x7400;
	[sflag:s25] =	ssyncadd.s32 $0xFFFFF300  }
0x168: {  	[tilespmem:s10], [sflag:$0x2] =	stream.indirect.gather @!p2 [hbm4b:s1+s9], $0x80, s8, s9, $0xb8;
	[tilespmem:$0x1E000] =	vst v63  }
0x169: {  	_ =	swait.ge [sflag:s26], $0x3400  }
0x16a: {  	[sflag:s26] =	ssyncset.done $0x0  }
0x16b: {  	s13 =	sadd.s32 $0x2800, s2;
	[sflag:s26] =	ssyncadd.s32 $0xFFFFCC00  }
0x16c: {  	[hbm4b:s13+s3] =	stream.linear.scatter [tilespmem:s17], [sflag:$0xE], $0xD00, $0x38;
	[tilespmem:$0x1E000] =	vst v63  }
0x16d: {  	s8 =	sadd.s32 $0x2A00, s2;
	s10 =	rddreg [dreg:$0x17]  }
0x16e: {  	[hbm4b:s8+s3] =	stream.linear.scatter [tilespmem:s10], [sflag:$0xE], $0xD00, $0x38;
	[tilespmem:$0x1E000] =	vst v63  }
0x16f: {  	s11 =	rddreg [dreg:$0x18];
	s10 =	sadd.s32 $0x2C00, s2  }
0x170: {  	[hbm4b:s10+s3] =	stream.linear.scatter [tilespmem:s11], [sflag:$0xE], $0xD00, $0x38;
	[tilespmem:$0x1E000] =	vst v63  }
0x171: {  	s13 =	rddreg [dreg:$0x19];
	s11 =	sadd.s32 $0x2E00, s2  }
0x172: {  	[hbm4b:s11+s3] =	stream.linear.scatter [tilespmem:s13], [sflag:$0xE], $0xD00, $0x38;
	[tilespmem:$0x1E000] =	vst v63  }
0x173: {  	_ =	swait.ge [sflag:s28], $0xD00  }
0x174: {  	[sflag:s28] =	ssyncset.done $0x0  }
0x175: {  	[sflag:s28] =	ssyncadd.s32 $0xFFFFF300  }
0x176: {  	_ =	swait.ge [sflag:s28], $0xD00  }
0x177: {  	[sflag:s28] =	ssyncset.done $0x0  }
0x178: {  	[sflag:s28] =	ssyncadd.s32 $0xFFFFF300  }
0x179: {  	_ =	swait.ge [sflag:s28], $0xD00  }
0x17a: {  	[sflag:s28] =	ssyncset.done $0x0  }
0x17b: {  	[sflag:s28] =	ssyncadd.s32 $0xFFFFF300  }
0x17c: {  	_ =	swait.ge [sflag:s28], $0xD00  }
0x17d: {  	[sflag:s28] =	ssyncset.done $0x0  }
0x17e: {  	s8 =	sadd.s32 @!p2 $0xFFFFFF80, s4;
	s10 =	simm.s32 @!p2 $0xA800;
	[sflag:s28] =	ssyncadd.s32 $0xFFFFF300  }
0x17f: {  	[tilespmem:s10], [sflag:$0x3] =	stream.indirect.gather @!p2 [hbm4b:s1+s9], $0x80, s8, s9, $0xb8;
	[tilespmem:$0x1E000] =	vst v63  }
0x180: {  	_ =	swait.ge [sflag:s29], $0x3400  }
0x181: {  	[sflag:s29] =	ssyncset.done $0x0  }
0x182: {  	s13 =	sadd.s32 $0x3000, s2;
	[sflag:s29] =	ssyncadd.s32 $0xFFFFCC00  }
0x183: {  	[hbm4b:s13+s3] =	stream.linear.scatter [tilespmem:s19], [sflag:$0xF], $0xD00, $0x38;
	[tilespmem:$0x1E000] =	vst v63  }
0x184: {  	s8 =	sadd.s32 $0x3200, s2;
	s10 =	rddreg [dreg:$0x1a]  }
0x185: {  	[hbm4b:s8+s3] =	stream.linear.scatter [tilespmem:s10], [sflag:$0xF], $0xD00, $0x38;
	[tilespmem:$0x1E000] =	vst v63  }
0x186: {  	s11 =	rddreg [dreg:$0x1b];
	s10 =	sadd.s32 $0x3400, s2  }
0x187: {  	[hbm4b:s10+s3] =	stream.linear.scatter [tilespmem:s11], [sflag:$0xF], $0xD00, $0x38;
	[tilespmem:$0x1E000] =	vst v63  }
0x188: {  	s13 =	rddreg [dreg:$0x1c];
	s10 =	sadd.s32 $0x3600, s2  }
0x189: {  	[hbm4b:s10+s3] =	stream.linear.scatter [tilespmem:s13], [sflag:$0xF], $0xD00, $0x38;
	[tilespmem:$0x1E000] =	vst v63  }
0x18a: {  	_ =	swait.ge [sflag:s30], $0xD00  }
0x18b: {  	[sflag:s30] =	ssyncset.done $0x0  }
0x18c: {  	[sflag:s30] =	ssyncadd.s32 $0xFFFFF300  }
0x18d: {  	_ =	swait.ge [sflag:s30], $0xD00  }
0x18e: {  	[sflag:s30] =	ssyncset.done $0x0  }
0x18f: {  	[sflag:s30] =	ssyncadd.s32 $0xFFFFF300  }
0x190: {  	_ =	swait.ge [sflag:s30], $0xD00  }
0x191: {  	[sflag:s30] =	ssyncset.done $0x0  }
0x192: {  	[sflag:s30] =	ssyncadd.s32 $0xFFFFF300  }
0x193: {  	_ =	swait.ge [sflag:s30], $0xD00  }
0x194: {  	[sflag:s30] =	ssyncset.done $0x0  }
0x195: {  	s8 =	simm.s32 @!p2 $0xDC00;
	[sflag:s30] =	ssyncadd.s32 $0xFFFFF300  }
0x196: {  	[tilespmem:s8], [sflag:$0x4] =	stream.indirect.gather @!p2 [hbm4b:s1+s9], $0x80, s4, s9, $0xb8;
	[tilespmem:$0x1E000] =	vst v63  }
0x197: {  	_ =	swait.ge [sflag:s31], $0x3400  }
0x198: {  	s6 =	sadd.s32 $0x4000, s6;
	[sflag:s31] =	ssyncset.done $0x0  }
0x199: {  	p1 =	sne.s32 s6, $0x40000;
	s11 =	sadd.s32 $0x3800, s2;
	[sflag:s31] =	ssyncadd.s32 $0xFFFFCC00  }
0x19a: {  	[hbm4b:s11+s3] =	stream.linear.scatter [tilespmem:s21], [sflag:$0x10], $0xD00, $0x38;
	[tilespmem:$0x1E000] =	vst v63  }
.Ltmp0:
0x19b: {  	s9 =	rddreg [dreg:$0x1d];
	(pc) =	sbr.rel @p1 .LBB2_2-.Ltmp0, $4  }
0x19c: {  	s0 =	sadd.s32 $0x3E00, s2;
	s13 =	sadd.s32 $0x3A00, s2;
	s10 =	rddreg [dreg:$0x1e]  }
0x19d: {  	[hbm4b:s13+s3] =	stream.linear.scatter [tilespmem:s9], [sflag:$0x10], $0xD00, $0x38;
	[tilespmem:$0x1E000] =	vst v63  }
0x19e: {  	s2 =	sadd.s32 $0x3C00, s2;
	s4 =	sadd.s32 $0x400, s4;
	s11 =	rddreg [dreg:$0x1f]  }
0x19f: {  	[hbm4b:s2+s3] =	stream.linear.scatter [tilespmem:s10], [sflag:$0x10], $0xD00, $0x38;
	[tilespmem:$0x1E000] =	vst v63  }
0x1a0: {  	s2 =	simm.s32 @!p0 $0xD  }
0x1a1: {  	[hbm4b:s0+s3] =	stream.linear.scatter [tilespmem:s11], [sflag:$0x10], $0xD00, $0x38;
	[tilespmem:$0x1E000] =	vst v63  }
0x1a2: {  	_ =	swait.ge @!p0 [sflag:s2], $0xD00  }
0x1a3: {  	[sflag:s2] =	ssyncset.done @!p0 $0x0  }
0x1a4: {  	[sflag:s2] =	ssyncadd.s32 @!p0 $0xFFFFF300  }
0x1a5: {  	_ =	swait.ge @!p0 [sflag:s2], $0xD00  }
0x1a6: {  	[sflag:s2] =	ssyncset.done @!p0 $0x0  }
0x1a7: {  	[sflag:s2] =	ssyncadd.s32 @!p0 $0xFFFFF300  }
0x1a8: {  	_ =	swait.ge @!p0 [sflag:s2], $0xD00  }
0x1a9: {  	[sflag:s2] =	ssyncset.done @!p0 $0x0  }
0x1aa: {  	[sflag:s2] =	ssyncadd.s32 @!p0 $0xFFFFF300  }
0x1ab: {  	_ =	swait.ge @!p0 [sflag:s2], $0xD00  }
0x1ac: {  	[sflag:s2] =	ssyncset.done @!p0 $0x0  }
0x1ad: {  	s10 =	sadd.s32 $0xFFFFFC80, s4;
	[sflag:s2] =	ssyncadd.s32 @!p0 $0xFFFFF300  }
0x1ae: {  	[tilespmem:s15], [sflag:$0x5] =	stream.indirect.gather [hbm4b:s1+s7], $0x80, s10, s7, $0xb8;
	[tilespmem:$0x1E000] =	vst v63  }
0x1af: {  	_ =	swait.ge [sflag:s16], $0x3400  }
0x1b0: {  	s11 =	rddreg [dreg:$0x4];
	[sflag:s16] =	ssyncset.done $0x0  }
0x1b1: {  	[sflag:s16] =	ssyncadd.s32 $0xFFFFCC00;
	s0 =	sadd.s32 s5, s11  }
0x1b2: {  	[hbm4b:s0+s3] =	stream.linear.scatter [tilespmem:s12], [sflag:$0x9], $0xD00, $0x38;
	[tilespmem:$0x1E000] =	vst v63  }
0x1b3: {  	s13 =	rddreg [dreg:$0x8];
	s6 =	sadd.s32 $0x200, s0  }
0x1b4: {  	[hbm4b:s6+s3] =	stream.linear.scatter [tilespmem:s13], [sflag:$0x9], $0xD00, $0x38;
	[tilespmem:$0x1E000] =	vst v63  }
0x1b5: {  	s8 =	rddreg [dreg:$0x9];
	s9 =	sadd.s32 $0x400, s0  }
0x1b6: {  	[hbm4b:s9+s3] =	stream.linear.scatter [tilespmem:s8], [sflag:$0x9], $0xD00, $0x38;
	[tilespmem:$0x1E000] =	vst v63  }
0x1b7: {  	s10 =	rddreg [dreg:$0xa];
	s11 =	sadd.s32 $0x600, s0;
	s8 =	simm.s32 @!p0 $0xE  }
0x1b8: {  	[hbm4b:s11+s3] =	stream.linear.scatter [tilespmem:s10], [sflag:$0x9], $0xD00, $0x38;
	[tilespmem:$0x1E000] =	vst v63  }
0x1b9: {  	_ =	swait.ge @!p0 [sflag:s8], $0xD00  }
0x1ba: {  	[sflag:s8] =	ssyncset.done @!p0 $0x0  }
0x1bb: {  	[sflag:s8] =	ssyncadd.s32 @!p0 $0xFFFFF300  }
0x1bc: {  	_ =	swait.ge @!p0 [sflag:s8], $0xD00  }
0x1bd: {  	[sflag:s8] =	ssyncset.done @!p0 $0x0  }
0x1be: {  	[sflag:s8] =	ssyncadd.s32 @!p0 $0xFFFFF300  }
0x1bf: {  	_ =	swait.ge @!p0 [sflag:s8], $0xD00  }
0x1c0: {  	[sflag:s8] =	ssyncset.done @!p0 $0x0  }
0x1c1: {  	[sflag:s8] =	ssyncadd.s32 @!p0 $0xFFFFF300  }
0x1c2: {  	_ =	swait.ge @!p0 [sflag:s8], $0xD00  }
0x1c3: {  	[sflag:s8] =	ssyncset.done @!p0 $0x0  }
0x1c4: {  	s13 =	sadd.s32 $0xFFFFFD00, s4;
	[sflag:s8] =	ssyncadd.s32 @!p0 $0xFFFFF300  }
0x1c5: {  	[tilespmem:s17], [sflag:$0x6] =	stream.indirect.gather [hbm4b:s1+s7], $0x80, s13, s7, $0xb8;
	[tilespmem:$0x1E000] =	vst v63  }
0x1c6: {  	_ =	swait.ge [sflag:s18], $0x3400  }
0x1c7: {  	s6 =	rddreg [dreg:$0x7];
	[sflag:s18] =	ssyncset.done $0x0  }
0x1c8: {  	[sflag:s18] =	ssyncadd.s32 $0xFFFFCC00;
	s2 =	sadd.s32 s5, s6  }
0x1c9: {  	[hbm4b:s2+s3] =	stream.linear.scatter [tilespmem:s14], [sflag:$0xA], $0xD00, $0x38;
	[tilespmem:$0x1E000] =	vst v63  }
0x1ca: {  	s8 =	rddreg [dreg:$0xb];
	s10 =	sadd.s32 $0x200, s2  }
0x1cb: {  	[hbm4b:s10+s3] =	stream.linear.scatter [tilespmem:s8], [sflag:$0xA], $0xD00, $0x38;
	[tilespmem:$0x1E000] =	vst v63  }
0x1cc: {  	s9 =	rddreg [dreg:$0xc];
	s11 =	sadd.s32 $0x400, s2  }
0x1cd: {  	[hbm4b:s11+s3] =	stream.linear.scatter [tilespmem:s9], [sflag:$0xA], $0xD00, $0x38;
	[tilespmem:$0x1E000] =	vst v63  }
0x1ce: {  	s13 =	rddreg [dreg:$0xd];
	s6 =	simm.s32 @!p0 $0xF;
	s2 =	sadd.s32 $0x600, s2  }
0x1cf: {  	[hbm4b:s2+s3] =	stream.linear.scatter [tilespmem:s13], [sflag:$0xA], $0xD00, $0x38;
	[tilespmem:$0x1E000] =	vst v63  }
0x1d0: {  	_ =	swait.ge @!p0 [sflag:s6], $0xD00  }
0x1d1: {  	[sflag:s6] =	ssyncset.done @!p0 $0x0  }
0x1d2: {  	[sflag:s6] =	ssyncadd.s32 @!p0 $0xFFFFF300  }
0x1d3: {  	_ =	swait.ge @!p0 [sflag:s6], $0xD00  }
0x1d4: {  	[sflag:s6] =	ssyncset.done @!p0 $0x0  }
0x1d5: {  	[sflag:s6] =	ssyncadd.s32 @!p0 $0xFFFFF300  }
0x1d6: {  	_ =	swait.ge @!p0 [sflag:s6], $0xD00  }
0x1d7: {  	[sflag:s6] =	ssyncset.done @!p0 $0x0  }
0x1d8: {  	[sflag:s6] =	ssyncadd.s32 @!p0 $0xFFFFF300  }
0x1d9: {  	_ =	swait.ge @!p0 [sflag:s6], $0xD00  }
0x1da: {  	[sflag:s6] =	ssyncset.done @!p0 $0x0  }
0x1db: {  	s9 =	sadd.s32 $0xFFFFFD80, s4;
	[sflag:s6] =	ssyncadd.s32 @!p0 $0xFFFFF300  }
0x1dc: {  	[tilespmem:s19], [sflag:$0x7] =	stream.indirect.gather [hbm4b:s1+s7], $0x80, s9, s7, $0xb8;
	[tilespmem:$0x1E000] =	vst v63  }
0x1dd: {  	_ =	swait.ge [sflag:s20], $0x3400  }
0x1de: {  	s10 =	rddreg [dreg:$0x6];
	[sflag:s20] =	ssyncset.done $0x0  }
0x1df: {  	s13 =	simm.s32 $0xA800;
	[sflag:s20] =	ssyncadd.s32 $0xFFFFCC00;
	s2 =	sadd.s32 s5, s10  }
0x1e0: {  	[hbm4b:s2+s3] =	stream.linear.scatter [tilespmem:s13], [sflag:$0xB], $0xD00, $0x38;
	[tilespmem:$0x1E000] =	vst v63  }
0x1e1: {  	s11 =	rddreg [dreg:$0xe];
	s9 =	sadd.s32 $0x200, s2  }
0x1e2: {  	[hbm4b:s9+s3] =	stream.linear.scatter [tilespmem:s11], [sflag:$0xB], $0xD00, $0x38;
	[tilespmem:$0x1E000] =	vst v63  }
0x1e3: {  	s10 =	rddreg [dreg:$0xf];
	s11 =	sadd.s32 $0x400, s2  }
0x1e4: {  	[hbm4b:s11+s3] =	stream.linear.scatter [tilespmem:s10], [sflag:$0xB], $0xD00, $0x38;
	[tilespmem:$0x1E000] =	vst v63  }
0x1e5: {  	s6 =	simm.s32 @!p0 $0x10;
	s13 =	rddreg [dreg:$0x10];
	s2 =	sadd.s32 $0x600, s2  }
0x1e6: {  	[hbm4b:s2+s3] =	stream.linear.scatter [tilespmem:s13], [sflag:$0xB], $0xD00, $0x38;
	[tilespmem:$0x1E000] =	vst v63  }
0x1e7: {  	_ =	swait.ge @!p0 [sflag:s6], $0xD00  }
0x1e8: {  	[sflag:s6] =	ssyncset.done @!p0 $0x0  }
0x1e9: {  	[sflag:s6] =	ssyncadd.s32 @!p0 $0xFFFFF300  }
0x1ea: {  	_ =	swait.ge @!p0 [sflag:s6], $0xD00  }
0x1eb: {  	[sflag:s6] =	ssyncset.done @!p0 $0x0  }
0x1ec: {  	[sflag:s6] =	ssyncadd.s32 @!p0 $0xFFFFF300  }
0x1ed: {  	_ =	swait.ge @!p0 [sflag:s6], $0xD00  }
0x1ee: {  	[sflag:s6] =	ssyncset.done @!p0 $0x0  }
0x1ef: {  	[sflag:s6] =	ssyncadd.s32 @!p0 $0xFFFFF300  }
0x1f0: {  	_ =	swait.ge @!p0 [sflag:s6], $0xD00  }
0x1f1: {  	[sflag:s6] =	ssyncset.done @!p0 $0x0  }
0x1f2: {  	s9 =	sadd.s32 $0xFFFFFE00, s4;
	[sflag:s6] =	ssyncadd.s32 @!p0 $0xFFFFF300  }
0x1f3: {  	[tilespmem:s21], [sflag:$0x8] =	stream.indirect.gather [hbm4b:s1+s7], $0x80, s9, s7, $0xb8;
	[tilespmem:$0x1E000] =	vst v63  }
0x1f4: {  	_ =	swait.ge [sflag:s22], $0x3400  }
0x1f5: {  	s10 =	rddreg [dreg:$0x5];
	[sflag:s22] =	ssyncset.done $0x0  }
0x1f6: {  	s13 =	simm.s32 $0xDC00;
	[sflag:s22] =	ssyncadd.s32 $0xFFFFCC00;
	s2 =	sadd.s32 s5, s10  }
0x1f7: {  	[hbm4b:s2+s3] =	stream.linear.scatter [tilespmem:s13], [sflag:$0xC], $0xD00, $0x38;
	[tilespmem:$0x1E000] =	vst v63  }
0x1f8: {  	s11 =	rddreg [dreg:$0x11];
	s9 =	sadd.s32 $0x200, s2  }
0x1f9: {  	[hbm4b:s9+s3] =	stream.linear.scatter [tilespmem:s11], [sflag:$0xC], $0xD00, $0x38;
	[tilespmem:$0x1E000] =	vst v63  }
0x1fa: {  	s10 =	rddreg [dreg:$0x12];
	s11 =	sadd.s32 $0x400, s2  }
0x1fb: {  	[hbm4b:s11+s3] =	stream.linear.scatter [tilespmem:s10], [sflag:$0xC], $0xD00, $0x38;
	[tilespmem:$0x1E000] =	vst v63  }
0x1fc: {  	s13 =	rddreg [dreg:$0x13];
	s2 =	sadd.s32 $0x600, s2  }
0x1fd: {  	[hbm4b:s2+s3] =	stream.linear.scatter [tilespmem:s13], [sflag:$0xC], $0xD00, $0x38;
	[tilespmem:$0x1E000] =	vst v63  }
0x1fe: {  	_ =	swait.ge [sflag:s23], $0xD00  }
0x1ff: {  	[sflag:s23] =	ssyncset.done $0x0  }
0x200: {  	[sflag:s23] =	ssyncadd.s32 $0xFFFFF300  }
0x201: {  	_ =	swait.ge [sflag:s23], $0xD00  }
0x202: {  	[sflag:s23] =	ssyncset.done $0x0  }
0x203: {  	[sflag:s23] =	ssyncadd.s32 $0xFFFFF300  }
0x204: {  	_ =	swait.ge [sflag:s23], $0xD00  }
0x205: {  	[sflag:s23] =	ssyncset.done $0x0  }
0x206: {  	[sflag:s23] =	ssyncadd.s32 $0xFFFFF300  }
0x207: {  	p0 =	seq.s32 s5, $0x3C000;
	_ =	swait.ge [sflag:s23], $0xD00  }
0x208: {  	s6 =	simm.s32 @!p0 $0x4000;
	[sflag:s23] =	ssyncset.done $0x0  }
0x209: {  	s5 =	sadd.s32 @!p0 $0xFFFFFE80, s4;
	s2 =	simm.s32 @!p0 $0x68;
	[sflag:s23] =	ssyncadd.s32 $0xFFFFF300  }
0x20a: {  	[tilespmem:s6], [sflag:$0x1] =	stream.indirect.gather @!p0 [hbm4b:s1+s2], $0x80, s5, s2, $0xb8;
	[tilespmem:$0x1E000] =	vst v63  }
0x20b: {  	_ =	swait.ge [sflag:s24], $0x3400  }
0x20c: {  	[sflag:s24] =	ssyncset.done $0x0  }
0x20d: {  	s10 =	sadd.s32 $0x2000, s0;
	[sflag:s24] =	ssyncadd.s32 $0xFFFFCC00  }
0x20e: {  	[hbm4b:s10+s3] =	stream.linear.scatter [tilespmem:s15], [sflag:$0xD], $0xD00, $0x38;
	[tilespmem:$0x1E000] =	vst v63  }
0x20f: {  	s9 =	sadd.s32 $0x2200, s0;
	s11 =	rddreg [dreg:$0x14]  }
0x210: {  	[hbm4b:s9+s3] =	stream.linear.scatter [tilespmem:s11], [sflag:$0xD], $0xD00, $0x38;
	[tilespmem:$0x1E000] =	vst v63  }
0x211: {  	s13 =	rddreg [dreg:$0x15];
	s11 =	sadd.s32 $0x2400, s0  }
0x212: {  	[hbm4b:s11+s3] =	stream.linear.scatter [tilespmem:s13], [sflag:$0xD], $0xD00, $0x38;
	[tilespmem:$0x1E000] =	vst v63  }
0x213: {  	s10 =	rddreg [dreg:$0x16];
	s13 =	sadd.s32 $0x2600, s0  }
0x214: {  	[hbm4b:s13+s3] =	stream.linear.scatter [tilespmem:s10], [sflag:$0xD], $0xD00, $0x38;
	[tilespmem:$0x1E000] =	vst v63  }
0x215: {  	_ =	swait.ge [sflag:s25], $0xD00  }
0x216: {  	[sflag:s25] =	ssyncset.done $0x0  }
0x217: {  	[sflag:s25] =	ssyncadd.s32 $0xFFFFF300  }
0x218: {  	_ =	swait.ge [sflag:s25], $0xD00  }
0x219: {  	[sflag:s25] =	ssyncset.done $0x0  }
0x21a: {  	[sflag:s25] =	ssyncadd.s32 $0xFFFFF300  }
0x21b: {  	_ =	swait.ge [sflag:s25], $0xD00  }
0x21c: {  	[sflag:s25] =	ssyncset.done $0x0  }
0x21d: {  	[sflag:s25] =	ssyncadd.s32 $0xFFFFF300  }
0x21e: {  	_ =	swait.ge [sflag:s25], $0xD00  }
0x21f: {  	[sflag:s25] =	ssyncset.done $0x0  }
0x220: {  	s5 =	sadd.s32 @!p0 $0xFFFFFF00, s4;
	s6 =	simm.s32 @!p0 $0x7400;
	[sflag:s25] =	ssyncadd.s32 $0xFFFFF300  }
0x221: {  	[tilespmem:s6], [sflag:$0x2] =	stream.indirect.gather @!p0 [hbm4b:s1+s2], $0x80, s5, s2, $0xb8;
	[tilespmem:$0x1E000] =	vst v63  }
0x222: {  	_ =	swait.ge [sflag:s26], $0x3400  }
0x223: {  	[sflag:s26] =	ssyncset.done $0x0  }
0x224: {  	s6 =	sadd.s32 $0x2800, s0;
	[sflag:s26] =	ssyncadd.s32 $0xFFFFCC00  }
0x225: {  	[hbm4b:s6+s3] =	stream.linear.scatter [tilespmem:s17], [sflag:$0xE], $0xD00, $0x38;
	[tilespmem:$0x1E000] =	vst v63  }
0x226: {  	s10 =	sadd.s32 $0x2A00, s0;
	s8 =	rddreg [dreg:$0x17]  }
0x227: {  	[hbm4b:s10+s3] =	stream.linear.scatter [tilespmem:s8], [sflag:$0xE], $0xD00, $0x38;
	[tilespmem:$0x1E000] =	vst v63  }
0x228: {  	s13 =	sadd.s32 $0x2C00, s0;
	s9 =	rddreg [dreg:$0x18]  }
0x229: {  	[hbm4b:s13+s3] =	stream.linear.scatter [tilespmem:s9], [sflag:$0xE], $0xD00, $0x38;
	[tilespmem:$0x1E000] =	vst v63  }
0x22a: {  	s11 =	rddreg [dreg:$0x19];
	s9 =	sadd.s32 $0x2E00, s0  }
0x22b: {  	[hbm4b:s9+s3] =	stream.linear.scatter [tilespmem:s11], [sflag:$0xE], $0xD00, $0x38;
	[tilespmem:$0x1E000] =	vst v63  }
0x22c: {  	_ =	swait.ge [sflag:s28], $0xD00  }
0x22d: {  	[sflag:s28] =	ssyncset.done $0x0  }
0x22e: {  	[sflag:s28] =	ssyncadd.s32 $0xFFFFF300  }
0x22f: {  	_ =	swait.ge [sflag:s28], $0xD00  }
0x230: {  	[sflag:s28] =	ssyncset.done $0x0  }
0x231: {  	[sflag:s28] =	ssyncadd.s32 $0xFFFFF300  }
0x232: {  	_ =	swait.ge [sflag:s28], $0xD00  }
0x233: {  	[sflag:s28] =	ssyncset.done $0x0  }
0x234: {  	[sflag:s28] =	ssyncadd.s32 $0xFFFFF300  }
0x235: {  	_ =	swait.ge [sflag:s28], $0xD00  }
0x236: {  	[sflag:s28] =	ssyncset.done $0x0  }
0x237: {  	s5 =	sadd.s32 @!p0 $0xFFFFFF80, s4;
	s6 =	simm.s32 @!p0 $0xA800;
	[sflag:s28] =	ssyncadd.s32 $0xFFFFF300  }
0x238: {  	[tilespmem:s6], [sflag:$0x3] =	stream.indirect.gather @!p0 [hbm4b:s1+s2], $0x80, s5, s2, $0xb8;
	[tilespmem:$0x1E000] =	vst v63  }
0x239: {  	_ =	swait.ge [sflag:s29], $0x3400  }
0x23a: {  	[sflag:s29] =	ssyncset.done $0x0  }
0x23b: {  	s10 =	sadd.s32 $0x3000, s0;
	[sflag:s29] =	ssyncadd.s32 $0xFFFFCC00  }
0x23c: {  	[hbm4b:s10+s3] =	stream.linear.scatter [tilespmem:s19], [sflag:$0xF], $0xD00, $0x38;
	[tilespmem:$0x1E000] =	vst v63  }
0x23d: {  	s9 =	sadd.s32 $0x3200, s0;
	s11 =	rddreg [dreg:$0x1a]  }
0x23e: {  	[hbm4b:s9+s3] =	stream.linear.scatter [tilespmem:s11], [sflag:$0xF], $0xD00, $0x38;
	[tilespmem:$0x1E000] =	vst v63  }
0x23f: {  	s13 =	rddreg [dreg:$0x1b];
	s11 =	sadd.s32 $0x3400, s0  }
0x240: {  	[hbm4b:s11+s3] =	stream.linear.scatter [tilespmem:s13], [sflag:$0xF], $0xD00, $0x38;
	[tilespmem:$0x1E000] =	vst v63  }
0x241: {  	s10 =	rddreg [dreg:$0x1c];
	s13 =	sadd.s32 $0x3600, s0  }
0x242: {  	[hbm4b:s13+s3] =	stream.linear.scatter [tilespmem:s10], [sflag:$0xF], $0xD00, $0x38;
	[tilespmem:$0x1E000] =	vst v63  }
0x243: {  	_ =	swait.ge [sflag:s30], $0xD00  }
0x244: {  	[sflag:s30] =	ssyncset.done $0x0  }
0x245: {  	[sflag:s30] =	ssyncadd.s32 $0xFFFFF300  }
0x246: {  	_ =	swait.ge [sflag:s30], $0xD00  }
0x247: {  	[sflag:s30] =	ssyncset.done $0x0  }
0x248: {  	[sflag:s30] =	ssyncadd.s32 $0xFFFFF300  }
0x249: {  	_ =	swait.ge [sflag:s30], $0xD00  }
0x24a: {  	[sflag:s30] =	ssyncset.done $0x0  }
0x24b: {  	[sflag:s30] =	ssyncadd.s32 $0xFFFFF300  }
0x24c: {  	_ =	swait.ge [sflag:s30], $0xD00  }
0x24d: {  	[sflag:s30] =	ssyncset.done $0x0  }
0x24e: {  	s5 =	simm.s32 @!p0 $0xDC00;
	[sflag:s30] =	ssyncadd.s32 $0xFFFFF300  }
0x24f: {  	[tilespmem:s5], [sflag:$0x4] =	stream.indirect.gather @!p0 [hbm4b:s1+s2], $0x80, s4, s2, $0xb8;
	[tilespmem:$0x1E000] =	vst v63  }
0x250: {  	_ =	swait.ge [sflag:s31], $0x3400  }
0x251: {  	[sflag:s31] =	ssyncset.done $0x0  }
0x252: {  	s6 =	sadd.s32 $0x3800, s0;
	[sflag:s31] =	ssyncadd.s32 $0xFFFFCC00  }
0x253: {  	[hbm4b:s6+s3] =	stream.linear.scatter [tilespmem:s21], [sflag:$0x10], $0xD00, $0x38;
	[tilespmem:$0x1E000] =	vst v63  }
0x254: {  	s10 =	sadd.s32 $0x3A00, s0;
	s8 =	rddreg [dreg:$0x1d]  }
0x255: {  	[hbm4b:s10+s3] =	stream.linear.scatter [tilespmem:s8], [sflag:$0x10], $0xD00, $0x38;
	[tilespmem:$0x1E000] =	vst v63  }
0x256: {  	s13 =	sadd.s32 $0x3C00, s0;
	s9 =	rddreg [dreg:$0x1e]  }
0x257: {  	[hbm4b:s13+s3] =	stream.linear.scatter [tilespmem:s9], [sflag:$0x10], $0xD00, $0x38;
	[tilespmem:$0x1E000] =	vst v63  }
0x258: {  	s0 =	sadd.s32 $0x3E00, s0;
	s11 =	rddreg [dreg:$0x1f];
	s6 =	simm.s32 $0xD  }
0x259: {  	[hbm4b:s0+s3] =	stream.linear.scatter [tilespmem:s11], [sflag:$0x10], $0xD00, $0x38;
	[tilespmem:$0x1E000] =	vst v63  }
0x25a: {  	_ =	swait.ge [sflag:s6], $0xD00  }
0x25b: {  	[sflag:s6] =	ssyncset.done $0x0  }
0x25c: {  	[sflag:s6] =	ssyncadd.s32 $0xFFFFF300  }
0x25d: {  	_ =	swait.ge [sflag:s6], $0xD00  }
0x25e: {  	[sflag:s6] =	ssyncset.done $0x0  }
0x25f: {  	[sflag:s6] =	ssyncadd.s32 $0xFFFFF300  }
0x260: {  	_ =	swait.ge [sflag:s6], $0xD00  }
0x261: {  	[sflag:s6] =	ssyncset.done $0x0  }
0x262: {  	[sflag:s6] =	ssyncadd.s32 $0xFFFFF300  }
0x263: {  	_ =	swait.ge [sflag:s6], $0xD00  }
0x264: {  	[sflag:s6] =	ssyncset.done $0x0  }
0x265: {  	s8 =	simm.s32 $0xE;
	[sflag:s6] =	ssyncadd.s32 $0xFFFFF300  }
0x266: {  	_ =	swait.ge [sflag:s8], $0xD00  }
0x267: {  	[sflag:s8] =	ssyncset.done $0x0  }
0x268: {  	[sflag:s8] =	ssyncadd.s32 $0xFFFFF300  }
0x269: {  	_ =	swait.ge [sflag:s8], $0xD00  }
0x26a: {  	[sflag:s8] =	ssyncset.done $0x0  }
0x26b: {  	[sflag:s8] =	ssyncadd.s32 $0xFFFFF300  }
0x26c: {  	_ =	swait.ge [sflag:s8], $0xD00  }
0x26d: {  	[sflag:s8] =	ssyncset.done $0x0  }
0x26e: {  	[sflag:s8] =	ssyncadd.s32 $0xFFFFF300  }
0x26f: {  	_ =	swait.ge [sflag:s8], $0xD00  }
0x270: {  	[sflag:s8] =	ssyncset.done $0x0  }
0x271: {  	s9 =	simm.s32 $0xF;
	[sflag:s8] =	ssyncadd.s32 $0xFFFFF300  }
0x272: {  	_ =	swait.ge [sflag:s9], $0xD00  }
0x273: {  	[sflag:s9] =	ssyncset.done $0x0  }
0x274: {  	[sflag:s9] =	ssyncadd.s32 $0xFFFFF300  }
0x275: {  	_ =	swait.ge [sflag:s9], $0xD00  }
0x276: {  	[sflag:s9] =	ssyncset.done $0x0  }
0x277: {  	[sflag:s9] =	ssyncadd.s32 $0xFFFFF300  }
0x278: {  	_ =	swait.ge [sflag:s9], $0xD00  }
0x279: {  	[sflag:s9] =	ssyncset.done $0x0  }
0x27a: {  	[sflag:s9] =	ssyncadd.s32 $0xFFFFF300  }
0x27b: {  	_ =	swait.ge [sflag:s9], $0xD00  }
0x27c: {  	[sflag:s9] =	ssyncset.done $0x0  }
0x27d: {  	s10 =	simm.s32 $0x10;
	[sflag:s9] =	ssyncadd.s32 $0xFFFFF300  }
0x27e: {  	_ =	swait.ge [sflag:s10], $0xD00  }
0x27f: {  	[sflag:s10] =	ssyncset.done $0x0  }
0x280: {  	[sflag:s10] =	ssyncadd.s32 $0xFFFFF300  }
0x281: {  	_ =	swait.ge [sflag:s10], $0xD00  }
0x282: {  	[sflag:s10] =	ssyncset.done $0x0  }
0x283: {  	[sflag:s10] =	ssyncadd.s32 $0xFFFFF300  }
0x284: {  	_ =	swait.ge [sflag:s10], $0xD00  }
0x285: {  	[sflag:s10] =	ssyncset.done $0x0  }
0x286: {  	[sflag:s10] =	ssyncadd.s32 $0xFFFFF300  }
0x287: {  	_ =	swait.ge [sflag:s10], $0xD00  }
0x288: {  	s11 =	sld [smem:$0x7FB]  }
0x289: {  	s13 =	sld [smem:$0x7FD];
	_ =	sdelay $0x1  }
0x28a: {  	s4 =	sadd.s32 $0x1, s11  }
0x28b: {  	p0 =	sne.s32 s4, s13  }
.Ltmp1:
0x28c: {  	_ = 	snop;
	(pc) =	sbr.rel @p0 .LBB2_1-.Ltmp1, $3  }
0x28d: {  	_ =	sdelay $0x1  }
0x28e: {  	[sflag:s10] =	ssyncset.done $0x0  }
0x28f: {  	[sflag:s10] =	ssyncadd.s32 $0xFFFFF300  }
0x290: {  	_ =	sfence.sel $0x180000  }
0x291: {  	[bflag:$0x0] =	sbarrier.arrive $0xFFFF  }
0x292: {  	_ =	strace $0x90000047  }
0x293: {  	s0 =	stileid.u32;
	[bflag:$0x2] =	sbarrier.arrive $0xFFFF  }
0x294: {  	p0 =	sne.s32 s0, $0x0;
	s0 =	rddreg [dreg:$0x3]  }
0x295: {  	s0 =	sadd.s32 @!p0 $0x100000, s0  }
0x296: {  	[sflag:s0] =	ssyncadd.tile.s32 @!p0 $0x1;
	_ =	shalt  }
.Lfunc_end2:
_tile_overlayer_lowered:
.L_overlay_start_2:
0x297: {  	(tag) =	ssettag $0x2  }
0x298: {  	s0 =	rddreg [dreg:$0x0];
	s2 =	stileid.u32  }
0x299: {  	s1 =	rddreg [dreg:$0x1];
	p0 =	sne.s32 s2, $0x0  }
0x29a: {  	s3 =	rddreg [dreg:$0x2];
	[bflag:$0x3] =	sbarrier.arrive $0xFFFF;
	s2 =	simm.s32 @!p0 $0x1C11  }
0x29b: {  	[timem:s3], [sflag:s2] =	dma.local @!p0 [hbm:s0], s1  }
0x29c: {  	s0 =	simm.s32 @!p0 $0x11  }
0x29d: {  	_ =	swait.ge @!p0 [sflag:s0], s1  }
0x29e: {  	s1 =	ssub.s32 @!p0 $0x0, s1;
	[sflag:s0] =	ssyncset.done @!p0 $0x0  }
0x29f: {  	[sflag:s0] =	ssyncadd.s32 @!p0 s1  }
0x2a0: {  	[bflag:$0x3] =	sbarrier.arrive $0xFFFF  }
0x2a1: {  	_ =	shalt  }

</sc_bundles>
